<compile_context>
chip_gen: v7x
topology: tpu7x:2x2x1
jax: 0.10.2.dev20260603
libtpu: 0.0.44.dev20260713+nightly
codegen_flags: <defaults>
</compile_context>

<pallas_src>
import functools

import jax
import jax.numpy as jnp
from jax import lax
from jax.experimental import pallas as pl
from jax.experimental.pallas import tpu as pltpu
from jax.experimental.pallas import tpu_sc as plsc

S = 2048
DM = 768
NH = 12
DH = 64
DR = 32
KS = 32
LW = 16
DCKV = 256
DCQ = 384
DCAT = DCKV + DR
DPAD = 384

BA = 256
BD = 128
SCALE = (DH + DR) ** -0.5
INT_MIN = -(2 ** 31)


def _softplus(x):
    return jnp.maximum(x, 0.0) + jnp.log(1.0 + jnp.exp(-jnp.abs(x)))


def _proj_body(x_ref, wdkv_ref, wkr_ref, wdq_ref, wuq_ref, wqr_ref, wuk_ref,
               wqi_ref, wki_ref, cosq_ref, sinq_ref,
               ckv_ref, xkr_ref, qi_ref, ki_ref, qabs_ref, qr_ref):
    xb = x_ref[...]
    f32 = jnp.float32
    ckv_ref[...] = jnp.dot(xb, wdkv_ref[...], preferred_element_type=f32)
    xkr_ref[...] = jnp.dot(xb, wkr_ref[...], preferred_element_type=f32)
    qi_ref[...] = jnp.dot(xb, wqi_ref[...], preferred_element_type=f32)
    ki_ref[...] = jnp.dot(xb, wki_ref[...], preferred_element_type=f32)
    cq = jnp.dot(xb, wdq_ref[...], preferred_element_type=f32)
    qc = jnp.dot(cq, wuq_ref[...], preferred_element_type=f32)
    wuk = wuk_ref[...]
    cos = cosq_ref[...]
    sin = sinq_ref[...]
    for h in range(NH):
        qch = qc[:, h * DH:(h + 1) * DH]
        qabs_ref[:, h, :] = lax.dot_general(
            qch, wuk[:, h * DH:(h + 1) * DH],
            (((1,), (1,)), ((), ())), preferred_element_type=f32)
        qrh = jnp.dot(cq, wqr_ref[:, h * DR:(h + 1) * DR],
                      preferred_element_type=f32)
        sp = _softplus(qrh)
        mu1 = sp[:, :DR // 2]
        mu2 = sp[:, DR // 2:]
        qr_ref[:, h, :] = jnp.concatenate(
            [mu1 * cos - mu2 * sin, mu1 * sin + mu2 * cos], axis=1)


def _topk_body(qi_ref, ki_ref, widx_ref, idx_ref, *, blk, W):
    i = blk
    f32 = jnp.float32
    ki = ki_ref[...]
    acc = jnp.zeros((BA, W), f32)
    wb = widx_ref[...].astype(jnp.bfloat16).astype(f32)
    for h in range(NH):
        sh = lax.dot_general(qi_ref[:, h * DH:(h + 1) * DH], ki,
                             (((1,), (1,)), ((), ())),
                             preferred_element_type=f32)
        rb = jnp.maximum(sh, 0.0).astype(jnp.bfloat16).astype(f32)
        acc = acc + rb * wb[0:1, h:h + 1]

    qpos = i * BA + lax.broadcasted_iota(jnp.int32, (BA, 1), 0)
    kio = lax.broadcasted_iota(jnp.int32, (BA, W), 1)
    base = jnp.maximum(qpos - (LW - 1), 0)
    reserved = (kio >= base) & (kio <= base + (LW - 1))
    acc = jnp.where(kio > qpos, -jnp.inf, acc)
    bits = lax.bitcast_convert_type(acc, jnp.int32)
    u = jnp.where(bits < 0, bits ^ 0x7FFFFFFF, bits)
    u = jnp.where(reserved, INT_MIN, u)

    slot = lax.broadcasted_iota(jnp.int32, (BA, LW), 1)

    def body(p, carry):
        u, sel = carry
        m = jnp.max(u, axis=1, keepdims=True)
        pos = jnp.min(jnp.where(u == m, kio, W), axis=1, keepdims=True)
        u = jnp.where(kio == pos, INT_MIN, u)
        sel = jnp.where(slot == p, pos, sel)
        return u, sel

    _, sel = lax.fori_loop(0, KS - LW, body,
                           (u, jnp.zeros((BA, LW), jnp.int32)))
    idx_ref[:, :LW] = base + slot
    idx_ref[:, LW:] = sel


@functools.lru_cache(maxsize=None)
def _make_sc_gather():
    info = plsc.get_sparse_core_info()
    nw = info.num_cores * info.num_subcores
    chunk = 128
    b_per_w = (S * KS) // nw
    nchunks = b_per_w // chunk
    mesh = plsc.VectorSubcoreMesh(core_axis_name="c", subcore_axis_name="s")

    @functools.partial(
        pl.kernel, mesh=mesh,
        out_type=jax.ShapeDtypeStruct((S * KS, DPAD), jnp.float32),
        scratch_types=[
            pltpu.VMEM((chunk,), jnp.int32),
            pltpu.VMEM((chunk, DPAD), jnp.float32),
            pltpu.SemaphoreType.DMA,
        ],
    )
    def gather(table_hbm, idx_hbm, out_hbm, idx_v, rows_v, sem):
        wid = lax.axis_index("s") * info.num_cores + lax.axis_index("c")
        base = wid * b_per_w

        def body(c, carry):
            off = base + c * chunk
            pltpu.sync_copy(idx_hbm.at[pl.ds(off, chunk)], idx_v)
            pltpu.async_copy(table_hbm.at[idx_v], rows_v, sem).wait()
            pltpu.sync_copy(rows_v, out_hbm.at[pl.ds(off, chunk)])
            return carry

        lax.fori_loop(0, nchunks, body, 0)

    return gather


def _sc_gather(cat, idx_flat):
    return _make_sc_gather()(cat, idx_flat)


def _attn_body(qabs_ref, qr_ref, sel_ref, wuv_ref, wout_ref,
               cosj_ref, sinj_ref, out_ref):
    f32 = jnp.float32
    sel = sel_ref[...].reshape(BD, KS, DPAD)
    ckv = sel[..., :DCKV]
    kr = sel[..., DCKV:DCAT]
    sp = _softplus(kr)
    mu1 = sp[..., :DR // 2]
    mu2 = sp[..., DR // 2:]
    cosj = cosj_ref[...][None]
    sinj = sinj_ref[...][None]
    keyr = jnp.concatenate(
        [mu1 * cosj - mu2 * sinj, mu1 * sinj + mu2 * cosj], axis=-1)
    wuv = wuv_ref[...]
    qabs = qabs_ref[...]
    qrr = qr_ref[...]
    s_c = lax.dot_general(qabs, ckv, (((2,), (2,)), ((0,), (0,))),
                          preferred_element_type=f32)
    s_r = lax.dot_general(qrr, keyr, (((2,), (2,)), ((0,), (0,))),
                          preferred_element_type=f32)
    s = (s_c + s_r) * SCALE
    m = jnp.max(s, axis=-1, keepdims=True)
    e = jnp.exp(s - m)
    a = e / jnp.sum(e, axis=-1, keepdims=True)
    v = lax.dot_general(a, ckv, (((2,), (1,)), ((0,), (0,))),
                        preferred_element_type=f32)
    outs = []
    for h in range(NH):
        outs.append(jnp.dot(v[:, h, :], wuv[:, h * DH:(h + 1) * DH],
                            preferred_element_type=f32))
    o = jnp.concatenate(outs, axis=1)
    out_ref[...] = jnp.dot(o, wout_ref[...], preferred_element_type=f32)


def _full(shape, dtype=jnp.float32):
    return pl.BlockSpec(shape, lambda i: (0,) * len(shape))


def kernel(x, w_dkv, w_uk, w_uv, w_dq, w_uq, w_qr, w_kr, w_out,
           wq_idx, wk_idx, w_idx, raw_delta):
    f32 = jnp.float32
    x2 = x.reshape(S, DM)

    theta = 1.0 / (10000.0 ** (2.0 * jnp.arange(0, DR // 2) / DR))
    delta = -2.0 * jnp.pi * jax.nn.sigmoid(raw_delta)
    angq = jnp.arange(S)[:, None] * theta[None, :] + delta[None, :]
    cosq, sinq = jnp.cos(angq).astype(f32), jnp.sin(angq).astype(f32)
    angj = jnp.arange(KS)[:, None] * theta[None, :] + delta[None, :]
    cosj, sinj = jnp.cos(angj).astype(f32), jnp.sin(angj).astype(f32)

    grid_a = S // BA
    ckv, xkr, qi, ki, qabs, qr = pl.pallas_call(
        _proj_body,
        grid=(grid_a,),
        in_specs=[
            pl.BlockSpec((BA, DM), lambda i: (i, 0)),
            _full((DM, DCKV)), _full((DM, DR)), _full((DM, DCQ)),
            _full((DCQ, NH * DH)), _full((DCQ, NH * DR)),
            _full((DCKV, NH * DH)), _full((DM, NH * DH)), _full((DM, DH)),
            pl.BlockSpec((BA, DR // 2), lambda i: (i, 0)),
            pl.BlockSpec((BA, DR // 2), lambda i: (i, 0)),
        ],
        out_specs=[
            pl.BlockSpec((BA, DCKV), lambda i: (i, 0)),
            pl.BlockSpec((BA, DR), lambda i: (i, 0)),
            pl.BlockSpec((BA, DM), lambda i: (i, 0)),
            pl.BlockSpec((BA, DH), lambda i: (i, 0)),
            pl.BlockSpec((BA, NH, DCKV), lambda i: (i, 0, 0)),
            pl.BlockSpec((BA, NH, DR), lambda i: (i, 0, 0)),
        ],
        out_shape=[
            jax.ShapeDtypeStruct((S, DCKV), f32),
            jax.ShapeDtypeStruct((S, DR), f32),
            jax.ShapeDtypeStruct((S, DM), f32),
            jax.ShapeDtypeStruct((S, DH), f32),
            jax.ShapeDtypeStruct((S, NH, DCKV), f32),
            jax.ShapeDtypeStruct((S, NH, DR), f32),
        ],
    )(x2, w_dkv, w_kr, w_dq, w_uq, w_qr, w_uk, wq_idx, wk_idx, cosq, sinq)

    idx_parts = []
    for blk in range(S // BA):
        W = BA * (blk + 1)
        idx_parts.append(pl.pallas_call(
            functools.partial(_topk_body, blk=blk, W=W),
            grid=(1,),
            in_specs=[
                pl.BlockSpec((BA, DM), lambda i, b=blk: (b, 0)),
                pl.BlockSpec((W, DH), lambda i: (0, 0)),
                _full((1, NH)),
            ],
            out_specs=pl.BlockSpec((BA, KS), lambda i: (0, 0)),
            out_shape=jax.ShapeDtypeStruct((BA, KS), jnp.int32),
        )(qi, ki, w_idx.reshape(1, NH)))
    idx = jnp.concatenate(idx_parts, axis=0)

    cat = jnp.concatenate(
        [ckv, xkr, jnp.zeros((S, DPAD - DCAT), f32)], axis=1)
    sel = _sc_gather(cat, idx.reshape(S * KS))

    out = pl.pallas_call(
        _attn_body,
        grid=(S // BD,),
        in_specs=[
            pl.BlockSpec((BD, NH, DCKV), lambda i: (i, 0, 0)),
            pl.BlockSpec((BD, NH, DR), lambda i: (i, 0, 0)),
            pl.BlockSpec((BD * KS, DPAD), lambda i: (i, 0)),
            _full((DCKV, NH * DH)), _full((NH * DH, DM)),
            _full((KS, DR // 2)), _full((KS, DR // 2)),
        ],
        out_specs=pl.BlockSpec((BD, DM), lambda i: (i, 0)),
        out_shape=jax.ShapeDtypeStruct((S, DM), f32),
    )(qabs, qr, sel, w_uv, w_out, cosj, sinj)

    return out.reshape(1, S, DM)

# --- scband reference (transcript-rebuilt; emitter-appended) ---
"""Pipeline reference for scband-multihead-latent-attention-75694503625284 (READ-ONLY COPY).

The authoritative reference and input builder live on the scoring server;
editing this copy changes nothing except your own understanding.
"""

import jax, jax.numpy as jnp
import numpy as np

N_HEAD = 12
D_HEAD = 64
D_ROPE = 32
K_TS = 32
LW = 16
D_MODEL = 768
D_CKV = 256
D_CQ = 384


def _pope(x, raw_delta, theta):
    # x: [b, L, H, d_rope]; pos taken over axis 1 (faithful to torch code)
    delta = -2.0 * jnp.pi * jax.nn.sigmoid(raw_delta)
    pos = jnp.arange(x.shape[1])
    angles = jnp.outer(pos, theta)[None, :, None, :]  # [1, L, 1, d/2]
    cos = jnp.cos(angles + delta)
    sin = jnp.sin(angles + delta)
    sp = jax.nn.softplus(x)
    mu1, mu2 = jnp.split(sp, 2, axis=-1)
    x1 = mu1 * cos - mu2 * sin
    x2 = mu1 * sin + mu2 * cos
    return jnp.concatenate([x1, x2], axis=-1)


def _forward(x, w_dkv, w_uk, w_uv, w_dq, w_uq, w_qr, w_kr, w_out, wq_idx, wk_idx, w_idx, raw_delta):
    b, s, _ = x.shape
    theta = 1.0 / (10000.0 ** (2.0 * jnp.arange(0, D_ROPE // 2) / D_ROPE))
    c_kv = x @ w_dkv  # [b, s, d_ckv]
    # LightningIndexer
    q_i = (x @ wq_idx).reshape(b, s, N_HEAD, D_HEAD)
    k_i = x @ wk_idx  # [b, s, d_head]
    sc = jax.nn.relu(jnp.einsum('bthd,bsd->bths', q_i, k_i))
    I = jnp.einsum('bths,h->bts', sc, w_idx)
    # TokenSelector
    q_pos = jnp.arange(s)[:, None]
    k_pos = jnp.arange(s)[None, :]
    local_mask = (k_pos >= q_pos - LW + 1) & (k_pos <= q_pos)
    causal_mask = k_pos > q_pos
    I = jnp.where(local_mask[None], jnp.inf, I)
    I = jnp.where(causal_mask[None], -jnp.inf, I)
    k_sel = min(K_TS, s)
    _, idx = jax.lax.top_k(I, k_sel)  # [b, s, k]
    bidx = jnp.arange(b)[:, None, None]
    ckv_sel = c_kv[bidx, idx]  # [b, s, k, d_ckv]
    key_c = (ckv_sel @ w_uk).reshape(b, s, k_sel, N_HEAD, D_HEAD).transpose(0, 3, 1, 2, 4)
    value = (ckv_sel @ w_uv).reshape(b, s, k_sel, N_HEAD, D_HEAD).transpose(0, 3, 1, 2, 4)
    c_q = x @ w_dq
    query_c = (c_q @ w_uq).reshape(b, s, N_HEAD, D_HEAD).transpose(0, 2, 1, 3)
    query_r = _pope((c_q @ w_qr).reshape(b, s, N_HEAD, D_ROPE), raw_delta, theta).transpose(0, 2, 1, 3)
    x_sel = x[bidx, idx]  # [b, s, k, d_model]
    kr_pre = x_sel @ w_kr  # [b, s, k, d_rope]
    key_r = _pope(kr_pre.transpose(0, 2, 1, 3), raw_delta, theta).transpose(0, 2, 1, 3)
    key_r = jnp.broadcast_to(key_r[:, None], (b, N_HEAD, s, k_sel, D_ROPE))
    query = jnp.concatenate([query_c, query_r], axis=-1)
    key = jnp.concatenate([key_c, key_r], axis=-1)
    scale = (D_HEAD + D_ROPE) ** (-0.5)
    scores = jnp.einsum('bhld,bhlkd->bhlk', query, key) * scale
    attn = jax.nn.softmax(scores, axis=-1)
    o = jnp.einsum('bhlk,bhlkd->bhld', attn, value)
    o = o.transpose(0, 2, 1, 3).reshape(b, s, N_HEAD * D_HEAD)
    return o @ w_out


def setup_inputs(seed: int = 0) -> dict:
    key = jax.random.key(seed)
    ks = jax.random.split(key, 12)
    def lin(k, fi, fo):
        return jax.random.normal(k, (fi, fo), dtype=jnp.float32) * (fi ** -0.5)
    x = jax.random.normal(ks[0], (1, 2048, D_MODEL), dtype=jnp.float32)
    return {
        'x': x,
        'w_dkv': lin(ks[1], D_MODEL, D_CKV),
        'w_uk': lin(ks[2], D_CKV, N_HEAD * D_HEAD),
        'w_uv': lin(ks[3], D_CKV, N_HEAD * D_HEAD),
        'w_dq': lin(ks[4], D_MODEL, D_CQ),
        'w_uq': lin(ks[5], D_CQ, N_HEAD * D_HEAD),
        'w_qr': lin(ks[6], D_CQ, D_ROPE * N_HEAD),
        'w_kr': lin(ks[7], D_MODEL, D_ROPE),
        'w_out': lin(ks[8], N_HEAD * D_HEAD, D_MODEL),
        'wq_idx': lin(ks[9], D_MODEL, N_HEAD * D_HEAD),
        'wk_idx': lin(ks[10], D_MODEL, D_HEAD),
        'w_idx': jnp.ones((N_HEAD,), dtype=jnp.float32),
        'raw_delta': jnp.zeros((D_ROPE // 2,), dtype=jnp.float32),
    }


def reference(x, w_dkv, w_uk, w_uv, w_dq, w_uq, w_qr, w_kr, w_out, wq_idx, wk_idx, w_idx, raw_delta):
    return _forward(x, w_dkv, w_uk, w_uv, w_dq, w_uq, w_qr, w_kr, w_out, wq_idx, wk_idx, w_idx, raw_delta)

if __name__ == "__main__":
    import jax
    _d = setup_inputs()
    print(jax.jit(kernel)(*tuple(_d.values())))

</pallas_src>

<mosaic_0001>
#map = affine_map<(d0, d1) -> (0, 0)>
#map1 = affine_map<(d0, d1) -> (0)>
module attributes {stable_mosaic.version = 14 : i64} {
  func.func @gather(%arg0: i32, %arg1: i32, %arg2: memref<2048x384xf32, #tpu.memory_space<hbm>>, %arg3: memref<65536xi32, #tpu.memory_space<hbm>>, %arg4: memref<65536x384xf32, #tpu.memory_space<hbm>>, %arg5: memref<128xi32, #tpu.memory_space<vmem>>, %arg6: memref<128x384xf32, #tpu.memory_space<vmem>>, %arg7: memref<!tpu.dma_semaphore, #tpu.memory_space<semaphore_mem>>) attributes {dimension_semantics = [#tpu.dimension_semantics<core_parallel>, #tpu.dimension_semantics<subcore_parallel>], iteration_bounds = array<i64: 2, 16>, scalar_prefetch = 0 : i64, scratch_operands = 3 : i64, tpu.core_type = #tpu.core_type<sc_vector_subcore>, window_params = [{transform_indices = #map}, {transform_indices = #map1}, {transform_indices = #map}]} {
    %mul3A = arith.constant 2 : i32
    %mul3A_0 = arith.muli %arg1, %mul3A : i32
    %add3A = arith.addi %mul3A_0, %arg0 : i32
    %mul3A_1 = arith.constant 2048 : i32
    %mul3A_2 = arith.muli %add3A, %mul3A_1 : i32
    %scan3A = arith.constant 0 : i32
    %scan3A_3 = arith.constant 0 : i32
    %scan3A_4 = arith.constant 16 : i32
    %scan3A_5 = arith.addi %scan3A_3, %scan3A_4 : i32
    %scan3A_6 = arith.constant 1 : i32
    scf.for %scan3A_8 = %scan3A_3 to %scan3A_5 step %scan3A_6  : i32 {
      %mul3A_9 = arith.constant 128 : i32
      %mul3A_10 = arith.muli %scan3A_8, %mul3A_9 : i32
      %add3A_11 = arith.addi %mul3A_2, %mul3A_10 : i32
      "tpu.region"() ({
        %run_scoped3A = tpu.sem_alloc : memref<!tpu.dma_semaphore, #tpu.memory_space<semaphore_mem>>
        %dma_start3A_16 = tpu.memref_slice %arg3[%add3A_11] : memref<65536xi32, #tpu.memory_space<hbm>> -> memref<128xi32, #tpu.memory_space<hbm>>
        %dma_start3A_17 = tpu.memref_slice %arg3[%add3A_11] : memref<65536xi32, #tpu.memory_space<hbm>> -> memref<128xi32, #tpu.memory_space<hbm>>
        tpu.enqueue_dma source(%dma_start3A_17 : memref<128xi32, #tpu.memory_space<hbm>>) target(%arg5 : memref<128xi32, #tpu.memory_space<vmem>>) target_semaphore(%run_scoped3A : memref<!tpu.dma_semaphore, #tpu.memory_space<semaphore_mem>>)
        %dma_wait3A_18 = tpu.memref_slice %arg3[%add3A_11] : memref<65536xi32, #tpu.memory_space<hbm>> -> memref<128xi32, #tpu.memory_space<hbm>>
        %dma_wait3A_19 = tpu.memref_slice %arg3[%add3A_11] : memref<65536xi32, #tpu.memory_space<hbm>> -> memref<128xi32, #tpu.memory_space<hbm>>
        tpu.wait_dma2 semaphore(%run_scoped3A : memref<!tpu.dma_semaphore, #tpu.memory_space<semaphore_mem>>) src(%dma_wait3A_19 : memref<128xi32, #tpu.memory_space<hbm>>) dst(%arg5 : memref<128xi32, #tpu.memory_space<vmem>>)
        tpu.yield
      }) : () -> ()
      %dma_start3A = arith.constant 0 : i32
      %dma_start3A_12 = arith.constant 0 : i32
      %dma_start3A_13 = tpu.memref_slice %arg2[%dma_start3A, %dma_start3A_12] : memref<2048x384xf32, #tpu.memory_space<hbm>> -> memref<2048x384xf32, #tpu.memory_space<hbm>>
      tpu.enqueue_indirect_dma source(%dma_start3A_13 : memref<2048x384xf32, #tpu.memory_space<hbm>>) target(%arg6 : memref<128x384xf32, #tpu.memory_space<vmem>>) offsets(%arg5 : memref<128xi32, #tpu.memory_space<vmem>>) semaphore(%arg7 : memref<!tpu.dma_semaphore, #tpu.memory_space<semaphore_mem>>)
      %dma_wait3A = arith.constant 0 : i32
      %dma_wait3A_14 = arith.constant 0 : i32
      %dma_wait3A_15 = tpu.memref_slice %arg2[%dma_wait3A, %dma_wait3A_14] : memref<2048x384xf32, #tpu.memory_space<hbm>> -> memref<2048x384xf32, #tpu.memory_space<hbm>>
      tpu.wait_indirect_dma semaphore(%arg7 : memref<!tpu.dma_semaphore, #tpu.memory_space<semaphore_mem>>) src(%dma_wait3A_15 : memref<2048x384xf32, #tpu.memory_space<hbm>>) dst(%arg6 : memref<128x384xf32, #tpu.memory_space<vmem>>)
      "tpu.region"() ({
        %run_scoped3A = tpu.sem_alloc : memref<!tpu.dma_semaphore, #tpu.memory_space<semaphore_mem>>
        %dma_start3A_16 = arith.constant 0 : i32
        %dma_start3A_17 = tpu.memref_slice %arg4[%add3A_11, %dma_start3A_16] : memref<65536x384xf32, #tpu.memory_space<hbm>> -> memref<128x384xf32, #tpu.memory_space<hbm>>
        %dma_start3A_18 = arith.constant 0 : i32
        %dma_start3A_19 = tpu.memref_slice %arg4[%add3A_11, %dma_start3A_18] : memref<65536x384xf32, #tpu.memory_space<hbm>> -> memref<128x384xf32, #tpu.memory_space<hbm>>
        tpu.enqueue_dma source(%arg6 : memref<128x384xf32, #tpu.memory_space<vmem>>) target(%dma_start3A_19 : memref<128x384xf32, #tpu.memory_space<hbm>>) target_semaphore(%run_scoped3A : memref<!tpu.dma_semaphore, #tpu.memory_space<semaphore_mem>>)
        %dma_wait3A_20 = arith.constant 0 : i32
        %dma_wait3A_21 = tpu.memref_slice %arg4[%add3A_11, %dma_wait3A_20] : memref<65536x384xf32, #tpu.memory_space<hbm>> -> memref<128x384xf32, #tpu.memory_space<hbm>>
        %dma_wait3A_22 = arith.constant 0 : i32
        %dma_wait3A_23 = tpu.memref_slice %arg4[%add3A_11, %dma_wait3A_22] : memref<65536x384xf32, #tpu.memory_space<hbm>> -> memref<128x384xf32, #tpu.memory_space<hbm>>
        tpu.wait_dma2 semaphore(%run_scoped3A : memref<!tpu.dma_semaphore, #tpu.memory_space<semaphore_mem>>) src(%arg6 : memref<128x384xf32, #tpu.memory_space<vmem>>) dst(%dma_wait3A_23 : memref<128x384xf32, #tpu.memory_space<hbm>>)
        tpu.yield
      }) : () -> ()
    }
    %scan3A_7 = arith.constant 16 : i32
    return
  }
}

module attributes {stable_mosaic.version = 14 : i64} {
  func.func @_topk_body(%arg0: i32, %arg1: memref<256x768xf32, #tpu.memory_space<vmem>>, %arg2: memref<1792x64xf32, #tpu.memory_space<vmem>>, %arg3: memref<1x12xf32, #tpu.memory_space<vmem>>, %arg4: memref<256x32xi32, #tpu.memory_space<vmem>>) attributes {dimension_semantics = [#tpu.dimension_semantics<arbitrary>], iteration_bounds = array<i64: 1>, scalar_prefetch = 0 : i64, scratch_operands = 0 : i64, tpu.core_type = #tpu.core_type<tc>, window_params = [{transform_indices = @transform_0, window_bounds = array<i64: 256, 768>}, {transform_indices = @transform_1, window_bounds = array<i64: 1792, 64>}, {pipeline_mode = #tpu.pipeline_mode<synchronous>, transform_indices = @transform_2, window_bounds = array<i64: 1, 12>}, {pipeline_mode = #tpu.pipeline_mode<synchronous>, transform_indices = @transform_3, window_bounds = array<i64: 256, 32>}]} {
    %get3A = arith.constant 0 : index
    %get3A_0 = arith.constant 0 : index
    %get3A_1 = vector.load %arg2[%get3A, %get3A_0] : memref<1792x64xf32, #tpu.memory_space<vmem>>, vector<1792x64xf32>
    %broadcast_in_dim3A = arith.constant 0.000000e+00 : f32
    %broadcast_in_dim3A_2 = vector.broadcast %broadcast_in_dim3A : f32 to vector<256x1792xf32>
    %get3A_3 = arith.constant 0 : index
    %get3A_4 = arith.constant 0 : index
    %get3A_5 = vector.load %arg3[%get3A_3, %get3A_4] : memref<1x12xf32, #tpu.memory_space<vmem>>, vector<1x12xf32>
    %convert_element_type3A = arith.truncf %get3A_5 : vector<1x12xf32> to vector<1x12xbf16>
    %convert_element_type3A_6 = arith.extf %convert_element_type3A : vector<1x12xbf16> to vector<1x12xf32>
    %get3A_7 = arith.constant 0 : index
    %get3A_8 = arith.constant 0 : index
    %get3A_9 = vector.load %arg1[%get3A_7, %get3A_8] : memref<256x768xf32, #tpu.memory_space<vmem>>, vector<256x64xf32>
    %dot_general3A = arith.constant dense<0.000000e+00> : vector<256x1792xf32>
    %dot_general3A_10 = tpu.matmul %get3A_9, %get3A_1, %dot_general3A {dimension_numbers = #tpu.dot_dimension_numbers<[1], [1], [0], [0], [0, 0, 1, 0], [], []>, transpose_lhs_hint = false} : vector<256x64xf32>, vector<1792x64xf32>, vector<256x1792xf32> -> vector<256x1792xf32>
    %max3A = arith.constant 0.000000e+00 : f32
    %max3A_11 = vector.broadcast %max3A : f32 to vector<256x1792xf32>
    %max3A_12 = arith.maximumf %dot_general3A_10, %max3A_11 : vector<256x1792xf32>
    %convert_element_type3A_13 = arith.truncf %max3A_12 : vector<256x1792xf32> to vector<256x1792xbf16>
    %convert_element_type3A_14 = arith.extf %convert_element_type3A_13 : vector<256x1792xbf16> to vector<256x1792xf32>
    %slice3A = vector.extract_strided_slice %convert_element_type3A_6 {offsets = [0, 0], sizes = [1, 1], strides = [1, 1]} : vector<1x12xf32> to vector<1x1xf32>
    %mul3A = vector.broadcast %slice3A : vector<1x1xf32> to vector<256x1792xf32>
    %mul3A_15 = arith.mulf %convert_element_type3A_14, %mul3A : vector<256x1792xf32>
    %add3A = arith.addf %broadcast_in_dim3A_2, %mul3A_15 : vector<256x1792xf32>
    %get3A_16 = arith.constant 0 : index
    %get3A_17 = arith.constant 64 : index
    %get3A_18 = vector.load %arg1[%get3A_16, %get3A_17] : memref<256x768xf32, #tpu.memory_space<vmem>>, vector<256x64xf32>
    %dot_general3A_19 = arith.constant dense<0.000000e+00> : vector<256x1792xf32>
    %dot_general3A_20 = tpu.matmul %get3A_18, %get3A_1, %dot_general3A_19 {dimension_numbers = #tpu.dot_dimension_numbers<[1], [1], [0], [0], [0, 0, 1, 0], [], []>, transpose_lhs_hint = false} : vector<256x64xf32>, vector<1792x64xf32>, vector<256x1792xf32> -> vector<256x1792xf32>
    %max3A_21 = arith.constant 0.000000e+00 : f32
    %max3A_22 = vector.broadcast %max3A_21 : f32 to vector<256x1792xf32>
    %max3A_23 = arith.maximumf %dot_general3A_20, %max3A_22 : vector<256x1792xf32>
    %convert_element_type3A_24 = arith.truncf %max3A_23 : vector<256x1792xf32> to vector<256x1792xbf16>
    %convert_element_type3A_25 = arith.extf %convert_element_type3A_24 : vector<256x1792xbf16> to vector<256x1792xf32>
    %slice3A_26 = vector.extract_strided_slice %convert_element_type3A_6 {offsets = [0, 1], sizes = [1, 1], strides = [1, 1]} : vector<1x12xf32> to vector<1x1xf32>
    %mul3A_27 = vector.broadcast %slice3A_26 : vector<1x1xf32> to vector<256x1792xf32>
    %mul3A_28 = arith.mulf %convert_element_type3A_25, %mul3A_27 : vector<256x1792xf32>
    %add3A_29 = arith.addf %add3A, %mul3A_28 : vector<256x1792xf32>
    %get3A_30 = arith.constant 0 : index
    %get3A_31 = arith.constant 128 : index
    %get3A_32 = vector.load %arg1[%get3A_30, %get3A_31] : memref<256x768xf32, #tpu.memory_space<vmem>>, vector<256x64xf32>
    %dot_general3A_33 = arith.constant dense<0.000000e+00> : vector<256x1792xf32>
    %dot_general3A_34 = tpu.matmul %get3A_32, %get3A_1, %dot_general3A_33 {dimension_numbers = #tpu.dot_dimension_numbers<[1], [1], [0], [0], [0, 0, 1, 0], [], []>, transpose_lhs_hint = false} : vector<256x64xf32>, vector<1792x64xf32>, vector<256x1792xf32> -> vector<256x1792xf32>
    %max3A_35 = arith.constant 0.000000e+00 : f32
    %max3A_36 = vector.broadcast %max3A_35 : f32 to vector<256x1792xf32>
    %max3A_37 = arith.maximumf %dot_general3A_34, %max3A_36 : vector<256x1792xf32>
    %convert_element_type3A_38 = arith.truncf %max3A_37 : vector<256x1792xf32> to vector<256x1792xbf16>
    %convert_element_type3A_39 = arith.extf %convert_element_type3A_38 : vector<256x1792xbf16> to vector<256x1792xf32>
    %slice3A_40 = vector.extract_strided_slice %convert_element_type3A_6 {offsets = [0, 2], sizes = [1, 1], strides = [1, 1]} : vector<1x12xf32> to vector<1x1xf32>
    %mul3A_41 = vector.broadcast %slice3A_40 : vector<1x1xf32> to vector<256x1792xf32>
    %mul3A_42 = arith.mulf %convert_element_type3A_39, %mul3A_41 : vector<256x1792xf32>
    %add3A_43 = arith.addf %add3A_29, %mul3A_42 : vector<256x1792xf32>
    %get3A_44 = arith.constant 0 : index
    %get3A_45 = arith.constant 192 : index
    %get3A_46 = vector.load %arg1[%get3A_44, %get3A_45] : memref<256x768xf32, #tpu.memory_space<vmem>>, vector<256x64xf32>
    %dot_general3A_47 = arith.constant dense<0.000000e+00> : vector<256x1792xf32>
    %dot_general3A_48 = tpu.matmul %get3A_46, %get3A_1, %dot_general3A_47 {dimension_numbers = #tpu.dot_dimension_numbers<[1], [1], [0], [0], [0, 0, 1, 0], [], []>, transpose_lhs_hint = false} : vector<256x64xf32>, vector<1792x64xf32>, vector<256x1792xf32> -> vector<256x1792xf32>
    %max3A_49 = arith.constant 0.000000e+00 : f32
    %max3A_50 = vector.broadcast %max3A_49 : f32 to vector<256x1792xf32>
    %max3A_51 = arith.maximumf %dot_general3A_48, %max3A_50 : vector<256x1792xf32>
    %convert_element_type3A_52 = arith.truncf %max3A_51 : vector<256x1792xf32> to vector<256x1792xbf16>
    %convert_element_type3A_53 = arith.extf %convert_element_type3A_52 : vector<256x1792xbf16> to vector<256x1792xf32>
    %slice3A_54 = vector.extract_strided_slice %convert_element_type3A_6 {offsets = [0, 3], sizes = [1, 1], strides = [1, 1]} : vector<1x12xf32> to vector<1x1xf32>
    %mul3A_55 = vector.broadcast %slice3A_54 : vector<1x1xf32> to vector<256x1792xf32>
    %mul3A_56 = arith.mulf %convert_element_type3A_53, %mul3A_55 : vector<256x1792xf32>
    %add3A_57 = arith.addf %add3A_43, %mul3A_56 : vector<256x1792xf32>
    %get3A_58 = arith.constant 0 : index
    %get3A_59 = arith.constant 256 : index
    %get3A_60 = vector.load %arg1[%get3A_58, %get3A_59] : memref<256x768xf32, #tpu.memory_space<vmem>>, vector<256x64xf32>
    %dot_general3A_61 = arith.constant dense<0.000000e+00> : vector<256x1792xf32>
    %dot_general3A_62 = tpu.matmul %get3A_60, %get3A_1, %dot_general3A_61 {dimension_numbers = #tpu.dot_dimension_numbers<[1], [1], [0], [0], [0, 0, 1, 0], [], []>, transpose_lhs_hint = false} : vector<256x64xf32>, vector<1792x64xf32>, vector<256x1792xf32> -> vector<256x1792xf32>
    %max3A_63 = arith.constant 0.000000e+00 : f32
    %max3A_64 = vector.broadcast %max3A_63 : f32 to vector<256x1792xf32>
    %max3A_65 = arith.maximumf %dot_general3A_62, %max3A_64 : vector<256x1792xf32>
    %convert_element_type3A_66 = arith.truncf %max3A_65 : vector<256x1792xf32> to vector<256x1792xbf16>
    %convert_element_type3A_67 = arith.extf %convert_element_type3A_66 : vector<256x1792xbf16> to vector<256x1792xf32>
    %slice3A_68 = vector.extract_strided_slice %convert_element_type3A_6 {offsets = [0, 4], sizes = [1, 1], strides = [1, 1]} : vector<1x12xf32> to vector<1x1xf32>
    %mul3A_69 = vector.broadcast %slice3A_68 : vector<1x1xf32> to vector<256x1792xf32>
    %mul3A_70 = arith.mulf %convert_element_type3A_67, %mul3A_69 : vector<256x1792xf32>
    %add3A_71 = arith.addf %add3A_57, %mul3A_70 : vector<256x1792xf32>
    %get3A_72 = arith.constant 0 : index
    %get3A_73 = arith.constant 320 : index
    %get3A_74 = vector.load %arg1[%get3A_72, %get3A_73] : memref<256x768xf32, #tpu.memory_space<vmem>>, vector<256x64xf32>
    %dot_general3A_75 = arith.constant dense<0.000000e+00> : vector<256x1792xf32>
    %dot_general3A_76 = tpu.matmul %get3A_74, %get3A_1, %dot_general3A_75 {dimension_numbers = #tpu.dot_dimension_numbers<[1], [1], [0], [0], [0, 0, 1, 0], [], []>, transpose_lhs_hint = false} : vector<256x64xf32>, vector<1792x64xf32>, vector<256x1792xf32> -> vector<256x1792xf32>
    %max3A_77 = arith.constant 0.000000e+00 : f32
    %max3A_78 = vector.broadcast %max3A_77 : f32 to vector<256x1792xf32>
    %max3A_79 = arith.maximumf %dot_general3A_76, %max3A_78 : vector<256x1792xf32>
    %convert_element_type3A_80 = arith.truncf %max3A_79 : vector<256x1792xf32> to vector<256x1792xbf16>
    %convert_element_type3A_81 = arith.extf %convert_element_type3A_80 : vector<256x1792xbf16> to vector<256x1792xf32>
    %slice3A_82 = vector.extract_strided_slice %convert_element_type3A_6 {offsets = [0, 5], sizes = [1, 1], strides = [1, 1]} : vector<1x12xf32> to vector<1x1xf32>
    %mul3A_83 = vector.broadcast %slice3A_82 : vector<1x1xf32> to vector<256x1792xf32>
    %mul3A_84 = arith.mulf %convert_element_type3A_81, %mul3A_83 : vector<256x1792xf32>
    %add3A_85 = arith.addf %add3A_71, %mul3A_84 : vector<256x1792xf32>
    %get3A_86 = arith.constant 0 : index
    %get3A_87 = arith.constant 384 : index
    %get3A_88 = vector.load %arg1[%get3A_86, %get3A_87] : memref<256x768xf32, #tpu.memory_space<vmem>>, vector<256x64xf32>
    %dot_general3A_89 = arith.constant dense<0.000000e+00> : vector<256x1792xf32>
    %dot_general3A_90 = tpu.matmul %get3A_88, %get3A_1, %dot_general3A_89 {dimension_numbers = #tpu.dot_dimension_numbers<[1], [1], [0], [0], [0, 0, 1, 0], [], []>, transpose_lhs_hint = false} : vector<256x64xf32>, vector<1792x64xf32>, vector<256x1792xf32> -> vector<256x1792xf32>
    %max3A_91 = arith.constant 0.000000e+00 : f32
    %max3A_92 = vector.broadcast %max3A_91 : f32 to vector<256x1792xf32>
    %max3A_93 = arith.maximumf %dot_general3A_90, %max3A_92 : vector<256x1792xf32>
    %convert_element_type3A_94 = arith.truncf %max3A_93 : vector<256x1792xf32> to vector<256x1792xbf16>
    %convert_element_type3A_95 = arith.extf %convert_element_type3A_94 : vector<256x1792xbf16> to vector<256x1792xf32>
    %slice3A_96 = vector.extract_strided_slice %convert_element_type3A_6 {offsets = [0, 6], sizes = [1, 1], strides = [1, 1]} : vector<1x12xf32> to vector<1x1xf32>
    %mul3A_97 = vector.broadcast %slice3A_96 : vector<1x1xf32> to vector<256x1792xf32>
    %mul3A_98 = arith.mulf %convert_element_type3A_95, %mul3A_97 : vector<256x1792xf32>
    %add3A_99 = arith.addf %add3A_85, %mul3A_98 : vector<256x1792xf32>
    %get3A_100 = arith.constant 0 : index
    %get3A_101 = arith.constant 448 : index
    %get3A_102 = vector.load %arg1[%get3A_100, %get3A_101] : memref<256x768xf32, #tpu.memory_space<vmem>>, vector<256x64xf32>
    %dot_general3A_103 = arith.constant dense<0.000000e+00> : vector<256x1792xf32>
    %dot_general3A_104 = tpu.matmul %get3A_102, %get3A_1, %dot_general3A_103 {dimension_numbers = #tpu.dot_dimension_numbers<[1], [1], [0], [0], [0, 0, 1, 0], [], []>, transpose_lhs_hint = false} : vector<256x64xf32>, vector<1792x64xf32>, vector<256x1792xf32> -> vector<256x1792xf32>
    %max3A_105 = arith.constant 0.000000e+00 : f32
    %max3A_106 = vector.broadcast %max3A_105 : f32 to vector<256x1792xf32>
    %max3A_107 = arith.maximumf %dot_general3A_104, %max3A_106 : vector<256x1792xf32>
    %convert_element_type3A_108 = arith.truncf %max3A_107 : vector<256x1792xf32> to vector<256x1792xbf16>
    %convert_element_type3A_109 = arith.extf %convert_element_type3A_108 : vector<256x1792xbf16> to vector<256x1792xf32>
    %slice3A_110 = vector.extract_strided_slice %convert_element_type3A_6 {offsets = [0, 7], sizes = [1, 1], strides = [1, 1]} : vector<1x12xf32> to vector<1x1xf32>
    %mul3A_111 = vector.broadcast %slice3A_110 : vector<1x1xf32> to vector<256x1792xf32>
    %mul3A_112 = arith.mulf %convert_element_type3A_109, %mul3A_111 : vector<256x1792xf32>
    %add3A_113 = arith.addf %add3A_99, %mul3A_112 : vector<256x1792xf32>
    %get3A_114 = arith.constant 0 : index
    %get3A_115 = arith.constant 512 : index
    %get3A_116 = vector.load %arg1[%get3A_114, %get3A_115] : memref<256x768xf32, #tpu.memory_space<vmem>>, vector<256x64xf32>
    %dot_general3A_117 = arith.constant dense<0.000000e+00> : vector<256x1792xf32>
    %dot_general3A_118 = tpu.matmul %get3A_116, %get3A_1, %dot_general3A_117 {dimension_numbers = #tpu.dot_dimension_numbers<[1], [1], [0], [0], [0, 0, 1, 0], [], []>, transpose_lhs_hint = false} : vector<256x64xf32>, vector<1792x64xf32>, vector<256x1792xf32> -> vector<256x1792xf32>
    %max3A_119 = arith.constant 0.000000e+00 : f32
    %max3A_120 = vector.broadcast %max3A_119 : f32 to vector<256x1792xf32>
    %max3A_121 = arith.maximumf %dot_general3A_118, %max3A_120 : vector<256x1792xf32>
    %convert_element_type3A_122 = arith.truncf %max3A_121 : vector<256x1792xf32> to vector<256x1792xbf16>
    %convert_element_type3A_123 = arith.extf %convert_element_type3A_122 : vector<256x1792xbf16> to vector<256x1792xf32>
    %slice3A_124 = vector.extract_strided_slice %convert_element_type3A_6 {offsets = [0, 8], sizes = [1, 1], strides = [1, 1]} : vector<1x12xf32> to vector<1x1xf32>
    %mul3A_125 = vector.broadcast %slice3A_124 : vector<1x1xf32> to vector<256x1792xf32>
    %mul3A_126 = arith.mulf %convert_element_type3A_123, %mul3A_125 : vector<256x1792xf32>
    %add3A_127 = arith.addf %add3A_113, %mul3A_126 : vector<256x1792xf32>
    %get3A_128 = arith.constant 0 : index
    %get3A_129 = arith.constant 576 : index
    %get3A_130 = vector.load %arg1[%get3A_128, %get3A_129] : memref<256x768xf32, #tpu.memory_space<vmem>>, vector<256x64xf32>
    %dot_general3A_131 = arith.constant dense<0.000000e+00> : vector<256x1792xf32>
    %dot_general3A_132 = tpu.matmul %get3A_130, %get3A_1, %dot_general3A_131 {dimension_numbers = #tpu.dot_dimension_numbers<[1], [1], [0], [0], [0, 0, 1, 0], [], []>, transpose_lhs_hint = false} : vector<256x64xf32>, vector<1792x64xf32>, vector<256x1792xf32> -> vector<256x1792xf32>
    %max3A_133 = arith.constant 0.000000e+00 : f32
    %max3A_134 = vector.broadcast %max3A_133 : f32 to vector<256x1792xf32>
    %max3A_135 = arith.maximumf %dot_general3A_132, %max3A_134 : vector<256x1792xf32>
    %convert_element_type3A_136 = arith.truncf %max3A_135 : vector<256x1792xf32> to vector<256x1792xbf16>
    %convert_element_type3A_137 = arith.extf %convert_element_type3A_136 : vector<256x1792xbf16> to vector<256x1792xf32>
    %slice3A_138 = vector.extract_strided_slice %convert_element_type3A_6 {offsets = [0, 9], sizes = [1, 1], strides = [1, 1]} : vector<1x12xf32> to vector<1x1xf32>
    %mul3A_139 = vector.broadcast %slice3A_138 : vector<1x1xf32> to vector<256x1792xf32>
    %mul3A_140 = arith.mulf %convert_element_type3A_137, %mul3A_139 : vector<256x1792xf32>
    %add3A_141 = arith.addf %add3A_127, %mul3A_140 : vector<256x1792xf32>
    %get3A_142 = arith.constant 0 : index
    %get3A_143 = arith.constant 640 : index
    %get3A_144 = vector.load %arg1[%get3A_142, %get3A_143] : memref<256x768xf32, #tpu.memory_space<vmem>>, vector<256x64xf32>
    %dot_general3A_145 = arith.constant dense<0.000000e+00> : vector<256x1792xf32>
    %dot_general3A_146 = tpu.matmul %get3A_144, %get3A_1, %dot_general3A_145 {dimension_numbers = #tpu.dot_dimension_numbers<[1], [1], [0], [0], [0, 0, 1, 0], [], []>, transpose_lhs_hint = false} : vector<256x64xf32>, vector<1792x64xf32>, vector<256x1792xf32> -> vector<256x1792xf32>
    %max3A_147 = arith.constant 0.000000e+00 : f32
    %max3A_148 = vector.broadcast %max3A_147 : f32 to vector<256x1792xf32>
    %max3A_149 = arith.maximumf %dot_general3A_146, %max3A_148 : vector<256x1792xf32>
    %convert_element_type3A_150 = arith.truncf %max3A_149 : vector<256x1792xf32> to vector<256x1792xbf16>
    %convert_element_type3A_151 = arith.extf %convert_element_type3A_150 : vector<256x1792xbf16> to vector<256x1792xf32>
    %slice3A_152 = vector.extract_strided_slice %convert_element_type3A_6 {offsets = [0, 10], sizes = [1, 1], strides = [1, 1]} : vector<1x12xf32> to vector<1x1xf32>
    %mul3A_153 = vector.broadcast %slice3A_152 : vector<1x1xf32> to vector<256x1792xf32>
    %mul3A_154 = arith.mulf %convert_element_type3A_151, %mul3A_153 : vector<256x1792xf32>
    %add3A_155 = arith.addf %add3A_141, %mul3A_154 : vector<256x1792xf32>
    %get3A_156 = arith.constant 0 : index
    %get3A_157 = arith.constant 704 : index
    %get3A_158 = vector.load %arg1[%get3A_156, %get3A_157] : memref<256x768xf32, #tpu.memory_space<vmem>>, vector<256x64xf32>
    %dot_general3A_159 = arith.constant dense<0.000000e+00> : vector<256x1792xf32>
    %dot_general3A_160 = tpu.matmul %get3A_158, %get3A_1, %dot_general3A_159 {dimension_numbers = #tpu.dot_dimension_numbers<[1], [1], [0], [0], [0, 0, 1, 0], [], []>, transpose_lhs_hint = false} : vector<256x64xf32>, vector<1792x64xf32>, vector<256x1792xf32> -> vector<256x1792xf32>
    %max3A_161 = arith.constant 0.000000e+00 : f32
    %max3A_162 = vector.broadcast %max3A_161 : f32 to vector<256x1792xf32>
    %max3A_163 = arith.maximumf %dot_general3A_160, %max3A_162 : vector<256x1792xf32>
    %convert_element_type3A_164 = arith.truncf %max3A_163 : vector<256x1792xf32> to vector<256x1792xbf16>
    %convert_element_type3A_165 = arith.extf %convert_element_type3A_164 : vector<256x1792xbf16> to vector<256x1792xf32>
    %slice3A_166 = vector.extract_strided_slice %convert_element_type3A_6 {offsets = [0, 11], sizes = [1, 1], strides = [1, 1]} : vector<1x12xf32> to vector<1x1xf32>
    %mul3A_167 = vector.broadcast %slice3A_166 : vector<1x1xf32> to vector<256x1792xf32>
    %mul3A_168 = arith.mulf %convert_element_type3A_165, %mul3A_167 : vector<256x1792xf32>
    %add3A_169 = arith.addf %add3A_155, %mul3A_168 : vector<256x1792xf32>
    %iota3A = tpu.iota {dimensions = array<i32: 0>} : vector<256x1xi32>
    %add3A_170 = arith.constant 1536 : i32
    %add3A_171 = vector.broadcast %add3A_170 : i32 to vector<256x1xi32>
    %add3A_172 = arith.addi %add3A_171, %iota3A : vector<256x1xi32>
    %iota3A_173 = tpu.iota {dimensions = array<i32: 1>} : vector<256x1792xi32>
    %sub3A = arith.constant 15 : i32
    %sub3A_174 = vector.broadcast %sub3A : i32 to vector<256x1xi32>
    %sub3A_175 = arith.subi %add3A_172, %sub3A_174 : vector<256x1xi32>
    %max3A_176 = arith.constant 0 : i32
    %max3A_177 = vector.broadcast %max3A_176 : i32 to vector<256x1xi32>
    %max3A_178 = arith.maxsi %sub3A_175, %max3A_177 : vector<256x1xi32>
    %ge3A = vector.broadcast %max3A_178 : vector<256x1xi32> to vector<256x1792xi32>
    %ge3A_179 = arith.cmpi sge, %iota3A_173, %ge3A : vector<256x1792xi32>
    %add3A_180 = arith.constant 15 : i32
    %add3A_181 = vector.broadcast %add3A_180 : i32 to vector<256x1xi32>
    %add3A_182 = arith.addi %max3A_178, %add3A_181 : vector<256x1xi32>
    %le3A = vector.broadcast %add3A_182 : vector<256x1xi32> to vector<256x1792xi32>
    %le3A_183 = arith.cmpi sle, %iota3A_173, %le3A : vector<256x1792xi32>
    %and3A = arith.andi %ge3A_179, %le3A_183 : vector<256x1792xi1>
    %gt3A = vector.broadcast %add3A_172 : vector<256x1xi32> to vector<256x1792xi32>
    %gt3A_184 = arith.cmpi sgt, %iota3A_173, %gt3A : vector<256x1792xi32>
    %jit3A = arith.constant 0xFF800000 : f32
    %broadcast_in_dim3A_185 = vector.broadcast %jit3A : f32 to vector<256x1792xf32>
    %select_n3A = arith.select %gt3A_184, %broadcast_in_dim3A_185, %add3A_169 : vector<256x1792xi1>, vector<256x1792xf32>
    %bitcast_convert_type3A = tpu.bitcast %select_n3A : vector<256x1792xf32> -> vector<256x1792xi32>
    %lt3A = arith.constant 0 : i32
    %lt3A_186 = vector.broadcast %lt3A : i32 to vector<256x1792xi32>
    %lt3A_187 = arith.cmpi slt, %bitcast_convert_type3A, %lt3A_186 : vector<256x1792xi32>
    %xor3A = arith.constant 2147483647 : i32
    %xor3A_188 = vector.broadcast %xor3A : i32 to vector<256x1792xi32>
    %xor3A_189 = arith.xori %bitcast_convert_type3A, %xor3A_188 : vector<256x1792xi32>
    %select_n3A_190 = arith.select %lt3A_187, %xor3A_189, %bitcast_convert_type3A : vector<256x1792xi1>, vector<256x1792xi32>
    %jit3A_191 = arith.constant -2147483648 : i32
    %broadcast_in_dim3A_192 = vector.broadcast %jit3A_191 : i32 to vector<256x1792xi32>
    %select_n3A_193 = arith.select %and3A, %broadcast_in_dim3A_192, %select_n3A_190 : vector<256x1792xi1>, vector<256x1792xi32>
    %iota3A_194 = tpu.iota {dimensions = array<i32: 1>} : vector<256x16xi32>
    %broadcast_in_dim3A_195 = arith.constant 0 : i32
    %broadcast_in_dim3A_196 = vector.broadcast %broadcast_in_dim3A_195 : i32 to vector<256x16xi32>
    %scan3A = arith.constant 0 : i32
    %scan3A_197 = arith.constant 16 : i32
    %scan3A_198 = arith.addi %scan3A, %scan3A_197 : i32
    %scan3A_199 = arith.constant 1 : i32
    %scan3A_200:2 = scf.for %scan3A_209 = %scan3A to %scan3A_198 step %scan3A_199 iter_args(%scan3A_210 = %select_n3A_193, %scan3A_211 = %broadcast_in_dim3A_196) -> (vector<256x1792xi32>, vector<256x16xi32>)  : i32 {
      %reduce_max3A = arith.constant dense<-2147483648> : vector<256xi32>
      %reduce_max3A_212 = vector.multi_reduction <maxsi>, %scan3A_210, %reduce_max3A [1] : vector<256x1792xi32> to vector<256xi32>
      %broadcast_in_dim3A_213 = vector.shape_cast %reduce_max3A_212 : vector<256xi32> to vector<256x1xi32>
      %eq3A = vector.broadcast %broadcast_in_dim3A_213 : vector<256x1xi32> to vector<256x1792xi32>
      %eq3A_214 = arith.cmpi eq, %scan3A_210, %eq3A : vector<256x1792xi32>
      %jit3A_215 = arith.constant 1792 : i32
      %broadcast_in_dim3A_216 = vector.broadcast %jit3A_215 : i32 to vector<256x1792xi32>
      %select_n3A_217 = arith.select %eq3A_214, %iota3A_173, %broadcast_in_dim3A_216 : vector<256x1792xi1>, vector<256x1792xi32>
      %reduce_min3A = arith.constant dense<2147483647> : vector<256xi32>
      %reduce_min3A_218 = vector.multi_reduction <minsi>, %select_n3A_217, %reduce_min3A [1] : vector<256x1792xi32> to vector<256xi32>
      %broadcast_in_dim3A_219 = vector.shape_cast %reduce_min3A_218 : vector<256xi32> to vector<256x1xi32>
      %eq3A_220 = vector.broadcast %broadcast_in_dim3A_219 : vector<256x1xi32> to vector<256x1792xi32>
      %eq3A_221 = arith.cmpi eq, %iota3A_173, %eq3A_220 : vector<256x1792xi32>
      %jit3A_222 = arith.constant -2147483648 : i32
      %broadcast_in_dim3A_223 = vector.broadcast %jit3A_222 : i32 to vector<256x1792xi32>
      %select_n3A_224 = arith.select %eq3A_221, %broadcast_in_dim3A_223, %scan3A_210 : vector<256x1792xi1>, vector<256x1792xi32>
      %eq3A_225 = vector.broadcast %scan3A_209 : i32 to vector<256x16xi32>
      %eq3A_226 = arith.cmpi eq, %iota3A_194, %eq3A_225 : vector<256x16xi32>
      %broadcast_in_dim3A_227 = vector.shape_cast %broadcast_in_dim3A_219 : vector<256x1xi32> to vector<256x1xi32>
      %broadcast_in_dim3A_228 = vector.broadcast %broadcast_in_dim3A_227 : vector<256x1xi32> to vector<256x16xi32>
      %select_n3A_229 = arith.select %eq3A_226, %broadcast_in_dim3A_228, %scan3A_211 : vector<256x16xi1>, vector<256x16xi32>
      scf.yield %select_n3A_224, %select_n3A_229 : vector<256x1792xi32>, vector<256x16xi32>
    }
    %scan3A_201 = arith.constant 16 : i32
    %add3A_202 = vector.broadcast %max3A_178 : vector<256x1xi32> to vector<256x16xi32>
    %add3A_203 = arith.addi %add3A_202, %iota3A_194 : vector<256x16xi32>
    %swap3A = arith.constant 0 : index
    %swap3A_204 = arith.constant 0 : index
    %swap3A_205 = vector.load %arg4[%swap3A, %swap3A_204] : memref<256x32xi32, #tpu.memory_space<vmem>>, vector<256x16xi32>
    tpu.vector_store %arg4[%swap3A, %swap3A_204], %add3A_203 {strides = array<i32>} : memref<256x32xi32, #tpu.memory_space<vmem>>, vector<256x16xi32>,
    %swap3A_206 = arith.constant 0 : index
    %swap3A_207 = arith.constant 16 : index
    %swap3A_208 = vector.load %arg4[%swap3A_206, %swap3A_207] : memref<256x32xi32, #tpu.memory_space<vmem>>, vector<256x16xi32>
    tpu.vector_store %arg4[%swap3A_206, %swap3A_207], %scan3A_200#1 {strides = array<i32>} : memref<256x32xi32, #tpu.memory_space<vmem>>, vector<256x16xi32>,
    return
  }
  func.func @transform_0(%arg0: i32) -> (i32, i32) {
    %c6_i32 = arith.constant 6 : i32
    %c0_i32 = arith.constant 0 : i32
    %c0_i32_0 = arith.constant 0 : i32
    return %c6_i32, %c0_i32 : i32, i32
  }
  func.func @transform_1(%arg0: i32) -> (i32, i32) {
    %c0_i32 = arith.constant 0 : i32
    %c0_i32_0 = arith.constant 0 : i32
    %c0_i32_1 = arith.constant 0 : i32
    return %c0_i32, %c0_i32_0 : i32, i32
  }
  func.func @transform_2(%arg0: i32) -> (i32, i32) {
    %c0_i32 = arith.constant 0 : i32
    %c0_i32_0 = arith.constant 0 : i32
    %c0_i32_1 = arith.constant 0 : i32
    return %c0_i32, %c0_i32_0 : i32, i32
  }
  func.func @transform_3(%arg0: i32) -> (i32, i32) {
    %c0_i32 = arith.constant 0 : i32
    %c0_i32_0 = arith.constant 0 : i32
    %c0_i32_1 = arith.constant 0 : i32
    return %c0_i32, %c0_i32_0 : i32, i32
  }
}

module attributes {stable_mosaic.version = 14 : i64} {
  func.func @_proj_body(%arg0: i32, %arg1: memref<256x768xf32, #tpu.memory_space<vmem>>, %arg2: memref<768x256xf32, #tpu.memory_space<vmem>>, %arg3: memref<768x32xf32, #tpu.memory_space<vmem>>, %arg4: memref<768x384xf32, #tpu.memory_space<vmem>>, %arg5: memref<384x768xf32, #tpu.memory_space<vmem>>, %arg6: memref<384x384xf32, #tpu.memory_space<vmem>>, %arg7: memref<256x768xf32, #tpu.memory_space<vmem>>, %arg8: memref<768x768xf32, #tpu.memory_space<vmem>>, %arg9: memref<768x64xf32, #tpu.memory_space<vmem>>, %arg10: memref<256x16xf32, #tpu.memory_space<vmem>>, %arg11: memref<256x16xf32, #tpu.memory_space<vmem>>, %arg12: memref<256x256xf32, #tpu.memory_space<vmem>>, %arg13: memref<256x32xf32, #tpu.memory_space<vmem>>, %arg14: memref<256x768xf32, #tpu.memory_space<vmem>>, %arg15: memref<256x64xf32, #tpu.memory_space<vmem>>, %arg16: memref<256x12x256xf32, #tpu.memory_space<vmem>>, %arg17: memref<256x12x32xf32, #tpu.memory_space<vmem>>) attributes {dimension_semantics = [#tpu.dimension_semantics<arbitrary>], iteration_bounds = array<i64: 8>, scalar_prefetch = 0 : i64, scratch_operands = 0 : i64, tpu.core_type = #tpu.core_type<tc>, window_params = [{transform_indices = @transform_0, window_bounds = array<i64: 256, 768>}, {pipeline_mode = #tpu.pipeline_mode<synchronous>, transform_indices = @transform_1, window_bounds = array<i64: 768, 256>}, {pipeline_mode = #tpu.pipeline_mode<synchronous>, transform_indices = @transform_2, window_bounds = array<i64: 768, 32>}, {pipeline_mode = #tpu.pipeline_mode<synchronous>, transform_indices = @transform_3, window_bounds = array<i64: 768, 384>}, {pipeline_mode = #tpu.pipeline_mode<synchronous>, transform_indices = @transform_4, window_bounds = array<i64: 384, 768>}, {pipeline_mode = #tpu.pipeline_mode<synchronous>, transform_indices = @transform_5, window_bounds = array<i64: 384, 384>}, {pipeline_mode = #tpu.pipeline_mode<synchronous>, transform_indices = @transform_6, window_bounds = array<i64: 256, 768>}, {pipeline_mode = #tpu.pipeline_mode<synchronous>, transform_indices = @transform_7, window_bounds = array<i64: 768, 768>}, {pipeline_mode = #tpu.pipeline_mode<synchronous>, transform_indices = @transform_8, window_bounds = array<i64: 768, 64>}, {transform_indices = @transform_9, window_bounds = array<i64: 256, 16>}, {transform_indices = @transform_10, window_bounds = array<i64: 256, 16>}, {transform_indices = @transform_11, window_bounds = array<i64: 256, 256>}, {transform_indices = @transform_12, window_bounds = array<i64: 256, 32>}, {transform_indices = @transform_13, window_bounds = array<i64: 256, 768>}, {transform_indices = @transform_14, window_bounds = array<i64: 256, 64>}, {transform_indices = @transform_15, window_bounds = array<i64: 256, 12, 256>}, {transform_indices = @transform_16, window_bounds = array<i64: 256, 12, 32>}]} {
    %get3A = arith.constant 0 : index
    %get3A_0 = arith.constant 0 : index
    %get3A_1 = vector.load %arg1[%get3A, %get3A_0] : memref<256x768xf32, #tpu.memory_space<vmem>>, vector<256x768xf32>
    %get3A_2 = arith.constant 0 : index
    %get3A_3 = arith.constant 0 : index
    %get3A_4 = vector.load %arg2[%get3A_2, %get3A_3] : memref<768x256xf32, #tpu.memory_space<vmem>>, vector<768x256xf32>
    %dot_general3A = arith.constant dense<0.000000e+00> : vector<256x256xf32>
    %dot_general3A_5 = tpu.matmul %get3A_1, %get3A_4, %dot_general3A {dimension_numbers = #tpu.dot_dimension_numbers<[1], [0], [0], [1], [0, 0, 1, 1], [], []>, transpose_lhs_hint = false} : vector<256x768xf32>, vector<768x256xf32>, vector<256x256xf32> -> vector<256x256xf32>
    %swap3A = arith.constant 0 : index
    %swap3A_6 = arith.constant 0 : index
    %swap3A_7 = vector.load %arg12[%swap3A, %swap3A_6] : memref<256x256xf32, #tpu.memory_space<vmem>>, vector<256x256xf32>
    tpu.vector_store %arg12[%swap3A, %swap3A_6], %dot_general3A_5 {strides = array<i32>} : memref<256x256xf32, #tpu.memory_space<vmem>>, vector<256x256xf32>,
    %get3A_8 = arith.constant 0 : index
    %get3A_9 = arith.constant 0 : index
    %get3A_10 = vector.load %arg3[%get3A_8, %get3A_9] : memref<768x32xf32, #tpu.memory_space<vmem>>, vector<768x32xf32>
    %dot_general3A_11 = arith.constant dense<0.000000e+00> : vector<256x32xf32>
    %dot_general3A_12 = tpu.matmul %get3A_1, %get3A_10, %dot_general3A_11 {dimension_numbers = #tpu.dot_dimension_numbers<[1], [0], [0], [1], [0, 0, 1, 1], [], []>, transpose_lhs_hint = false} : vector<256x768xf32>, vector<768x32xf32>, vector<256x32xf32> -> vector<256x32xf32>
    %swap3A_13 = arith.constant 0 : index
    %swap3A_14 = arith.constant 0 : index
    %swap3A_15 = vector.load %arg13[%swap3A_13, %swap3A_14] : memref<256x32xf32, #tpu.memory_space<vmem>>, vector<256x32xf32>
    tpu.vector_store %arg13[%swap3A_13, %swap3A_14], %dot_general3A_12 {strides = array<i32>} : memref<256x32xf32, #tpu.memory_space<vmem>>, vector<256x32xf32>,
    %get3A_16 = arith.constant 0 : index
    %get3A_17 = arith.constant 0 : index
    %get3A_18 = vector.load %arg8[%get3A_16, %get3A_17] : memref<768x768xf32, #tpu.memory_space<vmem>>, vector<768x768xf32>
    %dot_general3A_19 = arith.constant dense<0.000000e+00> : vector<256x768xf32>
    %dot_general3A_20 = tpu.matmul %get3A_1, %get3A_18, %dot_general3A_19 {dimension_numbers = #tpu.dot_dimension_numbers<[1], [0], [0], [1], [0, 0, 1, 1], [], []>, transpose_lhs_hint = false} : vector<256x768xf32>, vector<768x768xf32>, vector<256x768xf32> -> vector<256x768xf32>
    %swap3A_21 = arith.constant 0 : index
    %swap3A_22 = arith.constant 0 : index
    %swap3A_23 = vector.load %arg14[%swap3A_21, %swap3A_22] : memref<256x768xf32, #tpu.memory_space<vmem>>, vector<256x768xf32>
    tpu.vector_store %arg14[%swap3A_21, %swap3A_22], %dot_general3A_20 {strides = array<i32>} : memref<256x768xf32, #tpu.memory_space<vmem>>, vector<256x768xf32>,
    %get3A_24 = arith.constant 0 : index
    %get3A_25 = arith.constant 0 : index
    %get3A_26 = vector.load %arg9[%get3A_24, %get3A_25] : memref<768x64xf32, #tpu.memory_space<vmem>>, vector<768x64xf32>
    %dot_general3A_27 = arith.constant dense<0.000000e+00> : vector<256x64xf32>
    %dot_general3A_28 = tpu.matmul %get3A_1, %get3A_26, %dot_general3A_27 {dimension_numbers = #tpu.dot_dimension_numbers<[1], [0], [0], [1], [0, 0, 1, 1], [], []>, transpose_lhs_hint = false} : vector<256x768xf32>, vector<768x64xf32>, vector<256x64xf32> -> vector<256x64xf32>
    %swap3A_29 = arith.constant 0 : index
    %swap3A_30 = arith.constant 0 : index
    %swap3A_31 = vector.load %arg15[%swap3A_29, %swap3A_30] : memref<256x64xf32, #tpu.memory_space<vmem>>, vector<256x64xf32>
    tpu.vector_store %arg15[%swap3A_29, %swap3A_30], %dot_general3A_28 {strides = array<i32>} : memref<256x64xf32, #tpu.memory_space<vmem>>, vector<256x64xf32>,
    %get3A_32 = arith.constant 0 : index
    %get3A_33 = arith.constant 0 : index
    %get3A_34 = vector.load %arg4[%get3A_32, %get3A_33] : memref<768x384xf32, #tpu.memory_space<vmem>>, vector<768x384xf32>
    %dot_general3A_35 = arith.constant dense<0.000000e+00> : vector<256x384xf32>
    %dot_general3A_36 = tpu.matmul %get3A_1, %get3A_34, %dot_general3A_35 {dimension_numbers = #tpu.dot_dimension_numbers<[1], [0], [0], [1], [0, 0, 1, 1], [], []>, transpose_lhs_hint = false} : vector<256x768xf32>, vector<768x384xf32>, vector<256x384xf32> -> vector<256x384xf32>
    %get3A_37 = arith.constant 0 : index
    %get3A_38 = arith.constant 0 : index
    %get3A_39 = vector.load %arg5[%get3A_37, %get3A_38] : memref<384x768xf32, #tpu.memory_space<vmem>>, vector<384x768xf32>
    %dot_general3A_40 = arith.constant dense<0.000000e+00> : vector<256x768xf32>
    %dot_general3A_41 = tpu.matmul %dot_general3A_36, %get3A_39, %dot_general3A_40 {dimension_numbers = #tpu.dot_dimension_numbers<[1], [0], [0], [1], [0, 0, 1, 1], [], []>, transpose_lhs_hint = false} : vector<256x384xf32>, vector<384x768xf32>, vector<256x768xf32> -> vector<256x768xf32>
    %get3A_42 = arith.constant 0 : index
    %get3A_43 = arith.constant 0 : index
    %get3A_44 = vector.load %arg7[%get3A_42, %get3A_43] : memref<256x768xf32, #tpu.memory_space<vmem>>, vector<256x768xf32>
    %get3A_45 = arith.constant 0 : index
    %get3A_46 = arith.constant 0 : index
    %get3A_47 = vector.load %arg10[%get3A_45, %get3A_46] : memref<256x16xf32, #tpu.memory_space<vmem>>, vector<256x16xf32>
    %get3A_48 = arith.constant 0 : index
    %get3A_49 = arith.constant 0 : index
    %get3A_50 = vector.load %arg11[%get3A_48, %get3A_49] : memref<256x16xf32, #tpu.memory_space<vmem>>, vector<256x16xf32>
    %slice3A = vector.extract_strided_slice %dot_general3A_41 {offsets = [0, 0], sizes = [256, 64], strides = [1, 1]} : vector<256x768xf32> to vector<256x64xf32>
    %slice3A_51 = vector.extract_strided_slice %get3A_44 {offsets = [0, 0], sizes = [256, 64], strides = [1, 1]} : vector<256x768xf32> to vector<256x64xf32>
    %dot_general3A_52 = arith.constant dense<0.000000e+00> : vector<256x256xf32>
    %dot_general3A_53 = tpu.matmul %slice3A, %slice3A_51, %dot_general3A_52 {dimension_numbers = #tpu.dot_dimension_numbers<[1], [1], [0], [0], [0, 0, 1, 0], [], []>, transpose_lhs_hint = false} : vector<256x64xf32>, vector<256x64xf32>, vector<256x256xf32> -> vector<256x256xf32>
    %swap3A_54 = arith.constant 0 : index
    %swap3A_55 = arith.constant 0 : index
    %swap3A_56 = arith.constant 0 : index
    %swap3A_57 = vector.load %arg16[%swap3A_54, %swap3A_55, %swap3A_56] : memref<256x12x256xf32, #tpu.memory_space<vmem>>, vector<256x1x256xf32>
    %swap3A_58 = vector.shape_cast %swap3A_57 : vector<256x1x256xf32> to vector<256x256xf32>
    %swap3A_59 = vector.shape_cast %dot_general3A_53 : vector<256x256xf32> to vector<256x1x256xf32>
    tpu.vector_store %arg16[%swap3A_54, %swap3A_55, %swap3A_56], %swap3A_59 {strides = array<i32>} : memref<256x12x256xf32, #tpu.memory_space<vmem>>, vector<256x1x256xf32>,
    %get3A_60 = arith.constant 0 : index
    %get3A_61 = arith.constant 0 : index
    %get3A_62 = vector.load %arg6[%get3A_60, %get3A_61] : memref<384x384xf32, #tpu.memory_space<vmem>>, vector<384x32xf32>
    %dot_general3A_63 = arith.constant dense<0.000000e+00> : vector<256x32xf32>
    %dot_general3A_64 = tpu.matmul %dot_general3A_36, %get3A_62, %dot_general3A_63 {dimension_numbers = #tpu.dot_dimension_numbers<[1], [0], [0], [1], [0, 0, 1, 1], [], []>, transpose_lhs_hint = false} : vector<256x384xf32>, vector<384x32xf32>, vector<256x32xf32> -> vector<256x32xf32>
    %max3A = arith.constant 0.000000e+00 : f32
    %max3A_65 = vector.broadcast %max3A : f32 to vector<256x32xf32>
    %max3A_66 = arith.maximumf %dot_general3A_64, %max3A_65 : vector<256x32xf32>
    %abs3A = math.absf %dot_general3A_64 : vector<256x32xf32>
    %neg3A = arith.constant 0.000000e+00 : f32
    %neg3A_67 = vector.broadcast %neg3A : f32 to vector<256x32xf32>
    %neg3A_68 = arith.subf %neg3A_67, %abs3A : vector<256x32xf32>
    %exp3A = math.exp %neg3A_68 : vector<256x32xf32>
    %add3A = arith.constant 1.000000e+00 : f32
    %add3A_69 = vector.broadcast %add3A : f32 to vector<256x32xf32>
    %add3A_70 = arith.addf %add3A_69, %exp3A : vector<256x32xf32>
    %log3A = math.log %add3A_70 : vector<256x32xf32>
    %add3A_71 = arith.addf %max3A_66, %log3A : vector<256x32xf32>
    %slice3A_72 = vector.extract_strided_slice %add3A_71 {offsets = [0, 0], sizes = [256, 16], strides = [1, 1]} : vector<256x32xf32> to vector<256x16xf32>
    %slice3A_73 = vector.extract_strided_slice %add3A_71 {offsets = [0, 16], sizes = [256, 16], strides = [1, 1]} : vector<256x32xf32> to vector<256x16xf32>
    %mul3A = arith.mulf %slice3A_72, %get3A_47 : vector<256x16xf32>
    %mul3A_74 = arith.mulf %slice3A_73, %get3A_50 : vector<256x16xf32>
    %sub3A = arith.subf %mul3A, %mul3A_74 : vector<256x16xf32>
    %mul3A_75 = arith.mulf %slice3A_72, %get3A_50 : vector<256x16xf32>
    %mul3A_76 = arith.mulf %slice3A_73, %get3A_47 : vector<256x16xf32>
    %add3A_77 = arith.addf %mul3A_75, %mul3A_76 : vector<256x16xf32>
    %concatenate3A = tpu.concatenate %sub3A, %add3A_77 in 1 : vector<256x16xf32>, vector<256x16xf32> -> vector<256x32xf32>
    %swap3A_78 = arith.constant 0 : index
    %swap3A_79 = arith.constant 0 : index
    %swap3A_80 = arith.constant 0 : index
    %swap3A_81 = vector.load %arg17[%swap3A_78, %swap3A_79, %swap3A_80] : memref<256x12x32xf32, #tpu.memory_space<vmem>>, vector<256x1x32xf32>
    %swap3A_82 = vector.shape_cast %swap3A_81 : vector<256x1x32xf32> to vector<256x32xf32>
    %swap3A_83 = vector.shape_cast %concatenate3A : vector<256x32xf32> to vector<256x1x32xf32>
    tpu.vector_store %arg17[%swap3A_78, %swap3A_79, %swap3A_80], %swap3A_83 {strides = array<i32>} : memref<256x12x32xf32, #tpu.memory_space<vmem>>, vector<256x1x32xf32>,
    %slice3A_84 = vector.extract_strided_slice %dot_general3A_41 {offsets = [0, 64], sizes = [256, 64], strides = [1, 1]} : vector<256x768xf32> to vector<256x64xf32>
    %slice3A_85 = vector.extract_strided_slice %get3A_44 {offsets = [0, 64], sizes = [256, 64], strides = [1, 1]} : vector<256x768xf32> to vector<256x64xf32>
    %dot_general3A_86 = arith.constant dense<0.000000e+00> : vector<256x256xf32>
    %dot_general3A_87 = tpu.matmul %slice3A_84, %slice3A_85, %dot_general3A_86 {dimension_numbers = #tpu.dot_dimension_numbers<[1], [1], [0], [0], [0, 0, 1, 0], [], []>, transpose_lhs_hint = false} : vector<256x64xf32>, vector<256x64xf32>, vector<256x256xf32> -> vector<256x256xf32>
    %swap3A_88 = arith.constant 0 : index
    %swap3A_89 = arith.constant 1 : index
    %swap3A_90 = arith.constant 0 : index
    %swap3A_91 = vector.load %arg16[%swap3A_88, %swap3A_89, %swap3A_90] : memref<256x12x256xf32, #tpu.memory_space<vmem>>, vector<256x1x256xf32>
    %swap3A_92 = vector.shape_cast %swap3A_91 : vector<256x1x256xf32> to vector<256x256xf32>
    %swap3A_93 = vector.shape_cast %dot_general3A_87 : vector<256x256xf32> to vector<256x1x256xf32>
    tpu.vector_store %arg16[%swap3A_88, %swap3A_89, %swap3A_90], %swap3A_93 {strides = array<i32>} : memref<256x12x256xf32, #tpu.memory_space<vmem>>, vector<256x1x256xf32>,
    %get3A_94 = arith.constant 0 : index
    %get3A_95 = arith.constant 32 : index
    %get3A_96 = vector.load %arg6[%get3A_94, %get3A_95] : memref<384x384xf32, #tpu.memory_space<vmem>>, vector<384x32xf32>
    %dot_general3A_97 = arith.constant dense<0.000000e+00> : vector<256x32xf32>
    %dot_general3A_98 = tpu.matmul %dot_general3A_36, %get3A_96, %dot_general3A_97 {dimension_numbers = #tpu.dot_dimension_numbers<[1], [0], [0], [1], [0, 0, 1, 1], [], []>, transpose_lhs_hint = false} : vector<256x384xf32>, vector<384x32xf32>, vector<256x32xf32> -> vector<256x32xf32>
    %max3A_99 = arith.constant 0.000000e+00 : f32
    %max3A_100 = vector.broadcast %max3A_99 : f32 to vector<256x32xf32>
    %max3A_101 = arith.maximumf %dot_general3A_98, %max3A_100 : vector<256x32xf32>
    %abs3A_102 = math.absf %dot_general3A_98 : vector<256x32xf32>
    %neg3A_103 = arith.constant 0.000000e+00 : f32
    %neg3A_104 = vector.broadcast %neg3A_103 : f32 to vector<256x32xf32>
    %neg3A_105 = arith.subf %neg3A_104, %abs3A_102 : vector<256x32xf32>
    %exp3A_106 = math.exp %neg3A_105 : vector<256x32xf32>
    %add3A_107 = arith.constant 1.000000e+00 : f32
    %add3A_108 = vector.broadcast %add3A_107 : f32 to vector<256x32xf32>
    %add3A_109 = arith.addf %add3A_108, %exp3A_106 : vector<256x32xf32>
    %log3A_110 = math.log %add3A_109 : vector<256x32xf32>
    %add3A_111 = arith.addf %max3A_101, %log3A_110 : vector<256x32xf32>
    %slice3A_112 = vector.extract_strided_slice %add3A_111 {offsets = [0, 0], sizes = [256, 16], strides = [1, 1]} : vector<256x32xf32> to vector<256x16xf32>
    %slice3A_113 = vector.extract_strided_slice %add3A_111 {offsets = [0, 16], sizes = [256, 16], strides = [1, 1]} : vector<256x32xf32> to vector<256x16xf32>
    %mul3A_114 = arith.mulf %slice3A_112, %get3A_47 : vector<256x16xf32>
    %mul3A_115 = arith.mulf %slice3A_113, %get3A_50 : vector<256x16xf32>
    %sub3A_116 = arith.subf %mul3A_114, %mul3A_115 : vector<256x16xf32>
    %mul3A_117 = arith.mulf %slice3A_112, %get3A_50 : vector<256x16xf32>
    %mul3A_118 = arith.mulf %slice3A_113, %get3A_47 : vector<256x16xf32>
    %add3A_119 = arith.addf %mul3A_117, %mul3A_118 : vector<256x16xf32>
    %concatenate3A_120 = tpu.concatenate %sub3A_116, %add3A_119 in 1 : vector<256x16xf32>, vector<256x16xf32> -> vector<256x32xf32>
    %swap3A_121 = arith.constant 0 : index
    %swap3A_122 = arith.constant 1 : index
    %swap3A_123 = arith.constant 0 : index
    %swap3A_124 = vector.load %arg17[%swap3A_121, %swap3A_122, %swap3A_123] : memref<256x12x32xf32, #tpu.memory_space<vmem>>, vector<256x1x32xf32>
    %swap3A_125 = vector.shape_cast %swap3A_124 : vector<256x1x32xf32> to vector<256x32xf32>
    %swap3A_126 = vector.shape_cast %concatenate3A_120 : vector<256x32xf32> to vector<256x1x32xf32>
    tpu.vector_store %arg17[%swap3A_121, %swap3A_122, %swap3A_123], %swap3A_126 {strides = array<i32>} : memref<256x12x32xf32, #tpu.memory_space<vmem>>, vector<256x1x32xf32>,
    %slice3A_127 = vector.extract_strided_slice %dot_general3A_41 {offsets = [0, 128], sizes = [256, 64], strides = [1, 1]} : vector<256x768xf32> to vector<256x64xf32>
    %slice3A_128 = vector.extract_strided_slice %get3A_44 {offsets = [0, 128], sizes = [256, 64], strides = [1, 1]} : vector<256x768xf32> to vector<256x64xf32>
    %dot_general3A_129 = arith.constant dense<0.000000e+00> : vector<256x256xf32>
    %dot_general3A_130 = tpu.matmul %slice3A_127, %slice3A_128, %dot_general3A_129 {dimension_numbers = #tpu.dot_dimension_numbers<[1], [1], [0], [0], [0, 0, 1, 0], [], []>, transpose_lhs_hint = false} : vector<256x64xf32>, vector<256x64xf32>, vector<256x256xf32> -> vector<256x256xf32>
    %swap3A_131 = arith.constant 0 : index
    %swap3A_132 = arith.constant 2 : index
    %swap3A_133 = arith.constant 0 : index
    %swap3A_134 = vector.load %arg16[%swap3A_131, %swap3A_132, %swap3A_133] : memref<256x12x256xf32, #tpu.memory_space<vmem>>, vector<256x1x256xf32>
    %swap3A_135 = vector.shape_cast %swap3A_134 : vector<256x1x256xf32> to vector<256x256xf32>
    %swap3A_136 = vector.shape_cast %dot_general3A_130 : vector<256x256xf32> to vector<256x1x256xf32>
    tpu.vector_store %arg16[%swap3A_131, %swap3A_132, %swap3A_133], %swap3A_136 {strides = array<i32>} : memref<256x12x256xf32, #tpu.memory_space<vmem>>, vector<256x1x256xf32>,
    %get3A_137 = arith.constant 0 : index
    %get3A_138 = arith.constant 64 : index
    %get3A_139 = vector.load %arg6[%get3A_137, %get3A_138] : memref<384x384xf32, #tpu.memory_space<vmem>>, vector<384x32xf32>
    %dot_general3A_140 = arith.constant dense<0.000000e+00> : vector<256x32xf32>
    %dot_general3A_141 = tpu.matmul %dot_general3A_36, %get3A_139, %dot_general3A_140 {dimension_numbers = #tpu.dot_dimension_numbers<[1], [0], [0], [1], [0, 0, 1, 1], [], []>, transpose_lhs_hint = false} : vector<256x384xf32>, vector<384x32xf32>, vector<256x32xf32> -> vector<256x32xf32>
    %max3A_142 = arith.constant 0.000000e+00 : f32
    %max3A_143 = vector.broadcast %max3A_142 : f32 to vector<256x32xf32>
    %max3A_144 = arith.maximumf %dot_general3A_141, %max3A_143 : vector<256x32xf32>
    %abs3A_145 = math.absf %dot_general3A_141 : vector<256x32xf32>
    %neg3A_146 = arith.constant 0.000000e+00 : f32
    %neg3A_147 = vector.broadcast %neg3A_146 : f32 to vector<256x32xf32>
    %neg3A_148 = arith.subf %neg3A_147, %abs3A_145 : vector<256x32xf32>
    %exp3A_149 = math.exp %neg3A_148 : vector<256x32xf32>
    %add3A_150 = arith.constant 1.000000e+00 : f32
    %add3A_151 = vector.broadcast %add3A_150 : f32 to vector<256x32xf32>
    %add3A_152 = arith.addf %add3A_151, %exp3A_149 : vector<256x32xf32>
    %log3A_153 = math.log %add3A_152 : vector<256x32xf32>
    %add3A_154 = arith.addf %max3A_144, %log3A_153 : vector<256x32xf32>
    %slice3A_155 = vector.extract_strided_slice %add3A_154 {offsets = [0, 0], sizes = [256, 16], strides = [1, 1]} : vector<256x32xf32> to vector<256x16xf32>
    %slice3A_156 = vector.extract_strided_slice %add3A_154 {offsets = [0, 16], sizes = [256, 16], strides = [1, 1]} : vector<256x32xf32> to vector<256x16xf32>
    %mul3A_157 = arith.mulf %slice3A_155, %get3A_47 : vector<256x16xf32>
    %mul3A_158 = arith.mulf %slice3A_156, %get3A_50 : vector<256x16xf32>
    %sub3A_159 = arith.subf %mul3A_157, %mul3A_158 : vector<256x16xf32>
    %mul3A_160 = arith.mulf %slice3A_155, %get3A_50 : vector<256x16xf32>
    %mul3A_161 = arith.mulf %slice3A_156, %get3A_47 : vector<256x16xf32>
    %add3A_162 = arith.addf %mul3A_160, %mul3A_161 : vector<256x16xf32>
    %concatenate3A_163 = tpu.concatenate %sub3A_159, %add3A_162 in 1 : vector<256x16xf32>, vector<256x16xf32> -> vector<256x32xf32>
    %swap3A_164 = arith.constant 0 : index
    %swap3A_165 = arith.constant 2 : index
    %swap3A_166 = arith.constant 0 : index
    %swap3A_167 = vector.load %arg17[%swap3A_164, %swap3A_165, %swap3A_166] : memref<256x12x32xf32, #tpu.memory_space<vmem>>, vector<256x1x32xf32>
    %swap3A_168 = vector.shape_cast %swap3A_167 : vector<256x1x32xf32> to vector<256x32xf32>
    %swap3A_169 = vector.shape_cast %concatenate3A_163 : vector<256x32xf32> to vector<256x1x32xf32>
    tpu.vector_store %arg17[%swap3A_164, %swap3A_165, %swap3A_166], %swap3A_169 {strides = array<i32>} : memref<256x12x32xf32, #tpu.memory_space<vmem>>, vector<256x1x32xf32>,
    %slice3A_170 = vector.extract_strided_slice %dot_general3A_41 {offsets = [0, 192], sizes = [256, 64], strides = [1, 1]} : vector<256x768xf32> to vector<256x64xf32>
    %slice3A_171 = vector.extract_strided_slice %get3A_44 {offsets = [0, 192], sizes = [256, 64], strides = [1, 1]} : vector<256x768xf32> to vector<256x64xf32>
    %dot_general3A_172 = arith.constant dense<0.000000e+00> : vector<256x256xf32>
    %dot_general3A_173 = tpu.matmul %slice3A_170, %slice3A_171, %dot_general3A_172 {dimension_numbers = #tpu.dot_dimension_numbers<[1], [1], [0], [0], [0, 0, 1, 0], [], []>, transpose_lhs_hint = false} : vector<256x64xf32>, vector<256x64xf32>, vector<256x256xf32> -> vector<256x256xf32>
    %swap3A_174 = arith.constant 0 : index
    %swap3A_175 = arith.constant 3 : index
    %swap3A_176 = arith.constant 0 : index
    %swap3A_177 = vector.load %arg16[%swap3A_174, %swap3A_175, %swap3A_176] : memref<256x12x256xf32, #tpu.memory_space<vmem>>, vector<256x1x256xf32>
    %swap3A_178 = vector.shape_cast %swap3A_177 : vector<256x1x256xf32> to vector<256x256xf32>
    %swap3A_179 = vector.shape_cast %dot_general3A_173 : vector<256x256xf32> to vector<256x1x256xf32>
    tpu.vector_store %arg16[%swap3A_174, %swap3A_175, %swap3A_176], %swap3A_179 {strides = array<i32>} : memref<256x12x256xf32, #tpu.memory_space<vmem>>, vector<256x1x256xf32>,
    %get3A_180 = arith.constant 0 : index
    %get3A_181 = arith.constant 96 : index
    %get3A_182 = vector.load %arg6[%get3A_180, %get3A_181] : memref<384x384xf32, #tpu.memory_space<vmem>>, vector<384x32xf32>
    %dot_general3A_183 = arith.constant dense<0.000000e+00> : vector<256x32xf32>
    %dot_general3A_184 = tpu.matmul %dot_general3A_36, %get3A_182, %dot_general3A_183 {dimension_numbers = #tpu.dot_dimension_numbers<[1], [0], [0], [1], [0, 0, 1, 1], [], []>, transpose_lhs_hint = false} : vector<256x384xf32>, vector<384x32xf32>, vector<256x32xf32> -> vector<256x32xf32>
    %max3A_185 = arith.constant 0.000000e+00 : f32
    %max3A_186 = vector.broadcast %max3A_185 : f32 to vector<256x32xf32>
    %max3A_187 = arith.maximumf %dot_general3A_184, %max3A_186 : vector<256x32xf32>
    %abs3A_188 = math.absf %dot_general3A_184 : vector<256x32xf32>
    %neg3A_189 = arith.constant 0.000000e+00 : f32
    %neg3A_190 = vector.broadcast %neg3A_189 : f32 to vector<256x32xf32>
    %neg3A_191 = arith.subf %neg3A_190, %abs3A_188 : vector<256x32xf32>
    %exp3A_192 = math.exp %neg3A_191 : vector<256x32xf32>
    %add3A_193 = arith.constant 1.000000e+00 : f32
    %add3A_194 = vector.broadcast %add3A_193 : f32 to vector<256x32xf32>
    %add3A_195 = arith.addf %add3A_194, %exp3A_192 : vector<256x32xf32>
    %log3A_196 = math.log %add3A_195 : vector<256x32xf32>
    %add3A_197 = arith.addf %max3A_187, %log3A_196 : vector<256x32xf32>
    %slice3A_198 = vector.extract_strided_slice %add3A_197 {offsets = [0, 0], sizes = [256, 16], strides = [1, 1]} : vector<256x32xf32> to vector<256x16xf32>
    %slice3A_199 = vector.extract_strided_slice %add3A_197 {offsets = [0, 16], sizes = [256, 16], strides = [1, 1]} : vector<256x32xf32> to vector<256x16xf32>
    %mul3A_200 = arith.mulf %slice3A_198, %get3A_47 : vector<256x16xf32>
    %mul3A_201 = arith.mulf %slice3A_199, %get3A_50 : vector<256x16xf32>
    %sub3A_202 = arith.subf %mul3A_200, %mul3A_201 : vector<256x16xf32>
    %mul3A_203 = arith.mulf %slice3A_198, %get3A_50 : vector<256x16xf32>
    %mul3A_204 = arith.mulf %slice3A_199, %get3A_47 : vector<256x16xf32>
    %add3A_205 = arith.addf %mul3A_203, %mul3A_204 : vector<256x16xf32>
    %concatenate3A_206 = tpu.concatenate %sub3A_202, %add3A_205 in 1 : vector<256x16xf32>, vector<256x16xf32> -> vector<256x32xf32>
    %swap3A_207 = arith.constant 0 : index
    %swap3A_208 = arith.constant 3 : index
    %swap3A_209 = arith.constant 0 : index
    %swap3A_210 = vector.load %arg17[%swap3A_207, %swap3A_208, %swap3A_209] : memref<256x12x32xf32, #tpu.memory_space<vmem>>, vector<256x1x32xf32>
    %swap3A_211 = vector.shape_cast %swap3A_210 : vector<256x1x32xf32> to vector<256x32xf32>
    %swap3A_212 = vector.shape_cast %concatenate3A_206 : vector<256x32xf32> to vector<256x1x32xf32>
    tpu.vector_store %arg17[%swap3A_207, %swap3A_208, %swap3A_209], %swap3A_212 {strides = array<i32>} : memref<256x12x32xf32, #tpu.memory_space<vmem>>, vector<256x1x32xf32>,
    %slice3A_213 = vector.extract_strided_slice %dot_general3A_41 {offsets = [0, 256], sizes = [256, 64], strides = [1, 1]} : vector<256x768xf32> to vector<256x64xf32>
    %slice3A_214 = vector.extract_strided_slice %get3A_44 {offsets = [0, 256], sizes = [256, 64], strides = [1, 1]} : vector<256x768xf32> to vector<256x64xf32>
    %dot_general3A_215 = arith.constant dense<0.000000e+00> : vector<256x256xf32>
    %dot_general3A_216 = tpu.matmul %slice3A_213, %slice3A_214, %dot_general3A_215 {dimension_numbers = #tpu.dot_dimension_numbers<[1], [1], [0], [0], [0, 0, 1, 0], [], []>, transpose_lhs_hint = false} : vector<256x64xf32>, vector<256x64xf32>, vector<256x256xf32> -> vector<256x256xf32>
    %swap3A_217 = arith.constant 0 : index
    %swap3A_218 = arith.constant 4 : index
    %swap3A_219 = arith.constant 0 : index
    %swap3A_220 = vector.load %arg16[%swap3A_217, %swap3A_218, %swap3A_219] : memref<256x12x256xf32, #tpu.memory_space<vmem>>, vector<256x1x256xf32>
    %swap3A_221 = vector.shape_cast %swap3A_220 : vector<256x1x256xf32> to vector<256x256xf32>
    %swap3A_222 = vector.shape_cast %dot_general3A_216 : vector<256x256xf32> to vector<256x1x256xf32>
    tpu.vector_store %arg16[%swap3A_217, %swap3A_218, %swap3A_219], %swap3A_222 {strides = array<i32>} : memref<256x12x256xf32, #tpu.memory_space<vmem>>, vector<256x1x256xf32>,
    %get3A_223 = arith.constant 0 : index
    %get3A_224 = arith.constant 128 : index
    %get3A_225 = vector.load %arg6[%get3A_223, %get3A_224] : memref<384x384xf32, #tpu.memory_space<vmem>>, vector<384x32xf32>
    %dot_general3A_226 = arith.constant dense<0.000000e+00> : vector<256x32xf32>
    %dot_general3A_227 = tpu.matmul %dot_general3A_36, %get3A_225, %dot_general3A_226 {dimension_numbers = #tpu.dot_dimension_numbers<[1], [0], [0], [1], [0, 0, 1, 1], [], []>, transpose_lhs_hint = false} : vector<256x384xf32>, vector<384x32xf32>, vector<256x32xf32> -> vector<256x32xf32>
    %max3A_228 = arith.constant 0.000000e+00 : f32
    %max3A_229 = vector.broadcast %max3A_228 : f32 to vector<256x32xf32>
    %max3A_230 = arith.maximumf %dot_general3A_227, %max3A_229 : vector<256x32xf32>
    %abs3A_231 = math.absf %dot_general3A_227 : vector<256x32xf32>
    %neg3A_232 = arith.constant 0.000000e+00 : f32
    %neg3A_233 = vector.broadcast %neg3A_232 : f32 to vector<256x32xf32>
    %neg3A_234 = arith.subf %neg3A_233, %abs3A_231 : vector<256x32xf32>
    %exp3A_235 = math.exp %neg3A_234 : vector<256x32xf32>
    %add3A_236 = arith.constant 1.000000e+00 : f32
    %add3A_237 = vector.broadcast %add3A_236 : f32 to vector<256x32xf32>
    %add3A_238 = arith.addf %add3A_237, %exp3A_235 : vector<256x32xf32>
    %log3A_239 = math.log %add3A_238 : vector<256x32xf32>
    %add3A_240 = arith.addf %max3A_230, %log3A_239 : vector<256x32xf32>
    %slice3A_241 = vector.extract_strided_slice %add3A_240 {offsets = [0, 0], sizes = [256, 16], strides = [1, 1]} : vector<256x32xf32> to vector<256x16xf32>
    %slice3A_242 = vector.extract_strided_slice %add3A_240 {offsets = [0, 16], sizes = [256, 16], strides = [1, 1]} : vector<256x32xf32> to vector<256x16xf32>
    %mul3A_243 = arith.mulf %slice3A_241, %get3A_47 : vector<256x16xf32>
    %mul3A_244 = arith.mulf %slice3A_242, %get3A_50 : vector<256x16xf32>
    %sub3A_245 = arith.subf %mul3A_243, %mul3A_244 : vector<256x16xf32>
    %mul3A_246 = arith.mulf %slice3A_241, %get3A_50 : vector<256x16xf32>
    %mul3A_247 = arith.mulf %slice3A_242, %get3A_47 : vector<256x16xf32>
    %add3A_248 = arith.addf %mul3A_246, %mul3A_247 : vector<256x16xf32>
    %concatenate3A_249 = tpu.concatenate %sub3A_245, %add3A_248 in 1 : vector<256x16xf32>, vector<256x16xf32> -> vector<256x32xf32>
    %swap3A_250 = arith.constant 0 : index
    %swap3A_251 = arith.constant 4 : index
    %swap3A_252 = arith.constant 0 : index
    %swap3A_253 = vector.load %arg17[%swap3A_250, %swap3A_251, %swap3A_252] : memref<256x12x32xf32, #tpu.memory_space<vmem>>, vector<256x1x32xf32>
    %swap3A_254 = vector.shape_cast %swap3A_253 : vector<256x1x32xf32> to vector<256x32xf32>
    %swap3A_255 = vector.shape_cast %concatenate3A_249 : vector<256x32xf32> to vector<256x1x32xf32>
    tpu.vector_store %arg17[%swap3A_250, %swap3A_251, %swap3A_252], %swap3A_255 {strides = array<i32>} : memref<256x12x32xf32, #tpu.memory_space<vmem>>, vector<256x1x32xf32>,
    %slice3A_256 = vector.extract_strided_slice %dot_general3A_41 {offsets = [0, 320], sizes = [256, 64], strides = [1, 1]} : vector<256x768xf32> to vector<256x64xf32>
    %slice3A_257 = vector.extract_strided_slice %get3A_44 {offsets = [0, 320], sizes = [256, 64], strides = [1, 1]} : vector<256x768xf32> to vector<256x64xf32>
    %dot_general3A_258 = arith.constant dense<0.000000e+00> : vector<256x256xf32>
    %dot_general3A_259 = tpu.matmul %slice3A_256, %slice3A_257, %dot_general3A_258 {dimension_numbers = #tpu.dot_dimension_numbers<[1], [1], [0], [0], [0, 0, 1, 0], [], []>, transpose_lhs_hint = false} : vector<256x64xf32>, vector<256x64xf32>, vector<256x256xf32> -> vector<256x256xf32>
    %swap3A_260 = arith.constant 0 : index
    %swap3A_261 = arith.constant 5 : index
    %swap3A_262 = arith.constant 0 : index
    %swap3A_263 = vector.load %arg16[%swap3A_260, %swap3A_261, %swap3A_262] : memref<256x12x256xf32, #tpu.memory_space<vmem>>, vector<256x1x256xf32>
    %swap3A_264 = vector.shape_cast %swap3A_263 : vector<256x1x256xf32> to vector<256x256xf32>
    %swap3A_265 = vector.shape_cast %dot_general3A_259 : vector<256x256xf32> to vector<256x1x256xf32>
    tpu.vector_store %arg16[%swap3A_260, %swap3A_261, %swap3A_262], %swap3A_265 {strides = array<i32>} : memref<256x12x256xf32, #tpu.memory_space<vmem>>, vector<256x1x256xf32>,
    %get3A_266 = arith.constant 0 : index
    %get3A_267 = arith.constant 160 : index
    %get3A_268 = vector.load %arg6[%get3A_266, %get3A_267] : memref<384x384xf32, #tpu.memory_space<vmem>>, vector<384x32xf32>
    %dot_general3A_269 = arith.constant dense<0.000000e+00> : vector<256x32xf32>
    %dot_general3A_270 = tpu.matmul %dot_general3A_36, %get3A_268, %dot_general3A_269 {dimension_numbers = #tpu.dot_dimension_numbers<[1], [0], [0], [1], [0, 0, 1, 1], [], []>, transpose_lhs_hint = false} : vector<256x384xf32>, vector<384x32xf32>, vector<256x32xf32> -> vector<256x32xf32>
    %max3A_271 = arith.constant 0.000000e+00 : f32
    %max3A_272 = vector.broadcast %max3A_271 : f32 to vector<256x32xf32>
    %max3A_273 = arith.maximumf %dot_general3A_270, %max3A_272 : vector<256x32xf32>
    %abs3A_274 = math.absf %dot_general3A_270 : vector<256x32xf32>
    %neg3A_275 = arith.constant 0.000000e+00 : f32
    %neg3A_276 = vector.broadcast %neg3A_275 : f32 to vector<256x32xf32>
    %neg3A_277 = arith.subf %neg3A_276, %abs3A_274 : vector<256x32xf32>
    %exp3A_278 = math.exp %neg3A_277 : vector<256x32xf32>
    %add3A_279 = arith.constant 1.000000e+00 : f32
    %add3A_280 = vector.broadcast %add3A_279 : f32 to vector<256x32xf32>
    %add3A_281 = arith.addf %add3A_280, %exp3A_278 : vector<256x32xf32>
    %log3A_282 = math.log %add3A_281 : vector<256x32xf32>
    %add3A_283 = arith.addf %max3A_273, %log3A_282 : vector<256x32xf32>
    %slice3A_284 = vector.extract_strided_slice %add3A_283 {offsets = [0, 0], sizes = [256, 16], strides = [1, 1]} : vector<256x32xf32> to vector<256x16xf32>
    %slice3A_285 = vector.extract_strided_slice %add3A_283 {offsets = [0, 16], sizes = [256, 16], strides = [1, 1]} : vector<256x32xf32> to vector<256x16xf32>
    %mul3A_286 = arith.mulf %slice3A_284, %get3A_47 : vector<256x16xf32>
    %mul3A_287 = arith.mulf %slice3A_285, %get3A_50 : vector<256x16xf32>
    %sub3A_288 = arith.subf %mul3A_286, %mul3A_287 : vector<256x16xf32>
    %mul3A_289 = arith.mulf %slice3A_284, %get3A_50 : vector<256x16xf32>
    %mul3A_290 = arith.mulf %slice3A_285, %get3A_47 : vector<256x16xf32>
    %add3A_291 = arith.addf %mul3A_289, %mul3A_290 : vector<256x16xf32>
    %concatenate3A_292 = tpu.concatenate %sub3A_288, %add3A_291 in 1 : vector<256x16xf32>, vector<256x16xf32> -> vector<256x32xf32>
    %swap3A_293 = arith.constant 0 : index
    %swap3A_294 = arith.constant 5 : index
    %swap3A_295 = arith.constant 0 : index
    %swap3A_296 = vector.load %arg17[%swap3A_293, %swap3A_294, %swap3A_295] : memref<256x12x32xf32, #tpu.memory_space<vmem>>, vector<256x1x32xf32>
    %swap3A_297 = vector.shape_cast %swap3A_296 : vector<256x1x32xf32> to vector<256x32xf32>
    %swap3A_298 = vector.shape_cast %concatenate3A_292 : vector<256x32xf32> to vector<256x1x32xf32>
    tpu.vector_store %arg17[%swap3A_293, %swap3A_294, %swap3A_295], %swap3A_298 {strides = array<i32>} : memref<256x12x32xf32, #tpu.memory_space<vmem>>, vector<256x1x32xf32>,
    %slice3A_299 = vector.extract_strided_slice %dot_general3A_41 {offsets = [0, 384], sizes = [256, 64], strides = [1, 1]} : vector<256x768xf32> to vector<256x64xf32>
    %slice3A_300 = vector.extract_strided_slice %get3A_44 {offsets = [0, 384], sizes = [256, 64], strides = [1, 1]} : vector<256x768xf32> to vector<256x64xf32>
    %dot_general3A_301 = arith.constant dense<0.000000e+00> : vector<256x256xf32>
    %dot_general3A_302 = tpu.matmul %slice3A_299, %slice3A_300, %dot_general3A_301 {dimension_numbers = #tpu.dot_dimension_numbers<[1], [1], [0], [0], [0, 0, 1, 0], [], []>, transpose_lhs_hint = false} : vector<256x64xf32>, vector<256x64xf32>, vector<256x256xf32> -> vector<256x256xf32>
    %swap3A_303 = arith.constant 0 : index
    %swap3A_304 = arith.constant 6 : index
    %swap3A_305 = arith.constant 0 : index
    %swap3A_306 = vector.load %arg16[%swap3A_303, %swap3A_304, %swap3A_305] : memref<256x12x256xf32, #tpu.memory_space<vmem>>, vector<256x1x256xf32>
    %swap3A_307 = vector.shape_cast %swap3A_306 : vector<256x1x256xf32> to vector<256x256xf32>
    %swap3A_308 = vector.shape_cast %dot_general3A_302 : vector<256x256xf32> to vector<256x1x256xf32>
    tpu.vector_store %arg16[%swap3A_303, %swap3A_304, %swap3A_305], %swap3A_308 {strides = array<i32>} : memref<256x12x256xf32, #tpu.memory_space<vmem>>, vector<256x1x256xf32>,
    %get3A_309 = arith.constant 0 : index
    %get3A_310 = arith.constant 192 : index
    %get3A_311 = vector.load %arg6[%get3A_309, %get3A_310] : memref<384x384xf32, #tpu.memory_space<vmem>>, vector<384x32xf32>
    %dot_general3A_312 = arith.constant dense<0.000000e+00> : vector<256x32xf32>
    %dot_general3A_313 = tpu.matmul %dot_general3A_36, %get3A_311, %dot_general3A_312 {dimension_numbers = #tpu.dot_dimension_numbers<[1], [0], [0], [1], [0, 0, 1, 1], [], []>, transpose_lhs_hint = false} : vector<256x384xf32>, vector<384x32xf32>, vector<256x32xf32> -> vector<256x32xf32>
    %max3A_314 = arith.constant 0.000000e+00 : f32
    %max3A_315 = vector.broadcast %max3A_314 : f32 to vector<256x32xf32>
    %max3A_316 = arith.maximumf %dot_general3A_313, %max3A_315 : vector<256x32xf32>
    %abs3A_317 = math.absf %dot_general3A_313 : vector<256x32xf32>
    %neg3A_318 = arith.constant 0.000000e+00 : f32
    %neg3A_319 = vector.broadcast %neg3A_318 : f32 to vector<256x32xf32>
    %neg3A_320 = arith.subf %neg3A_319, %abs3A_317 : vector<256x32xf32>
    %exp3A_321 = math.exp %neg3A_320 : vector<256x32xf32>
    %add3A_322 = arith.constant 1.000000e+00 : f32
    %add3A_323 = vector.broadcast %add3A_322 : f32 to vector<256x32xf32>
    %add3A_324 = arith.addf %add3A_323, %exp3A_321 : vector<256x32xf32>
    %log3A_325 = math.log %add3A_324 : vector<256x32xf32>
    %add3A_326 = arith.addf %max3A_316, %log3A_325 : vector<256x32xf32>
    %slice3A_327 = vector.extract_strided_slice %add3A_326 {offsets = [0, 0], sizes = [256, 16], strides = [1, 1]} : vector<256x32xf32> to vector<256x16xf32>
    %slice3A_328 = vector.extract_strided_slice %add3A_326 {offsets = [0, 16], sizes = [256, 16], strides = [1, 1]} : vector<256x32xf32> to vector<256x16xf32>
    %mul3A_329 = arith.mulf %slice3A_327, %get3A_47 : vector<256x16xf32>
    %mul3A_330 = arith.mulf %slice3A_328, %get3A_50 : vector<256x16xf32>
    %sub3A_331 = arith.subf %mul3A_329, %mul3A_330 : vector<256x16xf32>
    %mul3A_332 = arith.mulf %slice3A_327, %get3A_50 : vector<256x16xf32>
    %mul3A_333 = arith.mulf %slice3A_328, %get3A_47 : vector<256x16xf32>
    %add3A_334 = arith.addf %mul3A_332, %mul3A_333 : vector<256x16xf32>
    %concatenate3A_335 = tpu.concatenate %sub3A_331, %add3A_334 in 1 : vector<256x16xf32>, vector<256x16xf32> -> vector<256x32xf32>
    %swap3A_336 = arith.constant 0 : index
    %swap3A_337 = arith.constant 6 : index
    %swap3A_338 = arith.constant 0 : index
    %swap3A_339 = vector.load %arg17[%swap3A_336, %swap3A_337, %swap3A_338] : memref<256x12x32xf32, #tpu.memory_space<vmem>>, vector<256x1x32xf32>
    %swap3A_340 = vector.shape_cast %swap3A_339 : vector<256x1x32xf32> to vector<256x32xf32>
    %swap3A_341 = vector.shape_cast %concatenate3A_335 : vector<256x32xf32> to vector<256x1x32xf32>
    tpu.vector_store %arg17[%swap3A_336, %swap3A_337, %swap3A_338], %swap3A_341 {strides = array<i32>} : memref<256x12x32xf32, #tpu.memory_space<vmem>>, vector<256x1x32xf32>,
    %slice3A_342 = vector.extract_strided_slice %dot_general3A_41 {offsets = [0, 448], sizes = [256, 64], strides = [1, 1]} : vector<256x768xf32> to vector<256x64xf32>
    %slice3A_343 = vector.extract_strided_slice %get3A_44 {offsets = [0, 448], sizes = [256, 64], strides = [1, 1]} : vector<256x768xf32> to vector<256x64xf32>
    %dot_general3A_344 = arith.constant dense<0.000000e+00> : vector<256x256xf32>
    %dot_general3A_345 = tpu.matmul %slice3A_342, %slice3A_343, %dot_general3A_344 {dimension_numbers = #tpu.dot_dimension_numbers<[1], [1], [0], [0], [0, 0, 1, 0], [], []>, transpose_lhs_hint = false} : vector<256x64xf32>, vector<256x64xf32>, vector<256x256xf32> -> vector<256x256xf32>
    %swap3A_346 = arith.constant 0 : index
    %swap3A_347 = arith.constant 7 : index
    %swap3A_348 = arith.constant 0 : index
    %swap3A_349 = vector.load %arg16[%swap3A_346, %swap3A_347, %swap3A_348] : memref<256x12x256xf32, #tpu.memory_space<vmem>>, vector<256x1x256xf32>
    %swap3A_350 = vector.shape_cast %swap3A_349 : vector<256x1x256xf32> to vector<256x256xf32>
    %swap3A_351 = vector.shape_cast %dot_general3A_345 : vector<256x256xf32> to vector<256x1x256xf32>
    tpu.vector_store %arg16[%swap3A_346, %swap3A_347, %swap3A_348], %swap3A_351 {strides = array<i32>} : memref<256x12x256xf32, #tpu.memory_space<vmem>>, vector<256x1x256xf32>,
    %get3A_352 = arith.constant 0 : index
    %get3A_353 = arith.constant 224 : index
    %get3A_354 = vector.load %arg6[%get3A_352, %get3A_353] : memref<384x384xf32, #tpu.memory_space<vmem>>, vector<384x32xf32>
    %dot_general3A_355 = arith.constant dense<0.000000e+00> : vector<256x32xf32>
    %dot_general3A_356 = tpu.matmul %dot_general3A_36, %get3A_354, %dot_general3A_355 {dimension_numbers = #tpu.dot_dimension_numbers<[1], [0], [0], [1], [0, 0, 1, 1], [], []>, transpose_lhs_hint = false} : vector<256x384xf32>, vector<384x32xf32>, vector<256x32xf32> -> vector<256x32xf32>
    %max3A_357 = arith.constant 0.000000e+00 : f32
    %max3A_358 = vector.broadcast %max3A_357 : f32 to vector<256x32xf32>
    %max3A_359 = arith.maximumf %dot_general3A_356, %max3A_358 : vector<256x32xf32>
    %abs3A_360 = math.absf %dot_general3A_356 : vector<256x32xf32>
    %neg3A_361 = arith.constant 0.000000e+00 : f32
    %neg3A_362 = vector.broadcast %neg3A_361 : f32 to vector<256x32xf32>
    %neg3A_363 = arith.subf %neg3A_362, %abs3A_360 : vector<256x32xf32>
    %exp3A_364 = math.exp %neg3A_363 : vector<256x32xf32>
    %add3A_365 = arith.constant 1.000000e+00 : f32
    %add3A_366 = vector.broadcast %add3A_365 : f32 to vector<256x32xf32>
    %add3A_367 = arith.addf %add3A_366, %exp3A_364 : vector<256x32xf32>
    %log3A_368 = math.log %add3A_367 : vector<256x32xf32>
    %add3A_369 = arith.addf %max3A_359, %log3A_368 : vector<256x32xf32>
    %slice3A_370 = vector.extract_strided_slice %add3A_369 {offsets = [0, 0], sizes = [256, 16], strides = [1, 1]} : vector<256x32xf32> to vector<256x16xf32>
    %slice3A_371 = vector.extract_strided_slice %add3A_369 {offsets = [0, 16], sizes = [256, 16], strides = [1, 1]} : vector<256x32xf32> to vector<256x16xf32>
    %mul3A_372 = arith.mulf %slice3A_370, %get3A_47 : vector<256x16xf32>
    %mul3A_373 = arith.mulf %slice3A_371, %get3A_50 : vector<256x16xf32>
    %sub3A_374 = arith.subf %mul3A_372, %mul3A_373 : vector<256x16xf32>
    %mul3A_375 = arith.mulf %slice3A_370, %get3A_50 : vector<256x16xf32>
    %mul3A_376 = arith.mulf %slice3A_371, %get3A_47 : vector<256x16xf32>
    %add3A_377 = arith.addf %mul3A_375, %mul3A_376 : vector<256x16xf32>
    %concatenate3A_378 = tpu.concatenate %sub3A_374, %add3A_377 in 1 : vector<256x16xf32>, vector<256x16xf32> -> vector<256x32xf32>
    %swap3A_379 = arith.constant 0 : index
    %swap3A_380 = arith.constant 7 : index
    %swap3A_381 = arith.constant 0 : index
    %swap3A_382 = vector.load %arg17[%swap3A_379, %swap3A_380, %swap3A_381] : memref<256x12x32xf32, #tpu.memory_space<vmem>>, vector<256x1x32xf32>
    %swap3A_383 = vector.shape_cast %swap3A_382 : vector<256x1x32xf32> to vector<256x32xf32>
    %swap3A_384 = vector.shape_cast %concatenate3A_378 : vector<256x32xf32> to vector<256x1x32xf32>
    tpu.vector_store %arg17[%swap3A_379, %swap3A_380, %swap3A_381], %swap3A_384 {strides = array<i32>} : memref<256x12x32xf32, #tpu.memory_space<vmem>>, vector<256x1x32xf32>,
    %slice3A_385 = vector.extract_strided_slice %dot_general3A_41 {offsets = [0, 512], sizes = [256, 64], strides = [1, 1]} : vector<256x768xf32> to vector<256x64xf32>
    %slice3A_386 = vector.extract_strided_slice %get3A_44 {offsets = [0, 512], sizes = [256, 64], strides = [1, 1]} : vector<256x768xf32> to vector<256x64xf32>
    %dot_general3A_387 = arith.constant dense<0.000000e+00> : vector<256x256xf32>
    %dot_general3A_388 = tpu.matmul %slice3A_385, %slice3A_386, %dot_general3A_387 {dimension_numbers = #tpu.dot_dimension_numbers<[1], [1], [0], [0], [0, 0, 1, 0], [], []>, transpose_lhs_hint = false} : vector<256x64xf32>, vector<256x64xf32>, vector<256x256xf32> -> vector<256x256xf32>
    %swap3A_389 = arith.constant 0 : index
    %swap3A_390 = arith.constant 8 : index
    %swap3A_391 = arith.constant 0 : index
    %swap3A_392 = vector.load %arg16[%swap3A_389, %swap3A_390, %swap3A_391] : memref<256x12x256xf32, #tpu.memory_space<vmem>>, vector<256x1x256xf32>
    %swap3A_393 = vector.shape_cast %swap3A_392 : vector<256x1x256xf32> to vector<256x256xf32>
    %swap3A_394 = vector.shape_cast %dot_general3A_388 : vector<256x256xf32> to vector<256x1x256xf32>
    tpu.vector_store %arg16[%swap3A_389, %swap3A_390, %swap3A_391], %swap3A_394 {strides = array<i32>} : memref<256x12x256xf32, #tpu.memory_space<vmem>>, vector<256x1x256xf32>,
    %get3A_395 = arith.constant 0 : index
    %get3A_396 = arith.constant 256 : index
    %get3A_397 = vector.load %arg6[%get3A_395, %get3A_396] : memref<384x384xf32, #tpu.memory_space<vmem>>, vector<384x32xf32>
    %dot_general3A_398 = arith.constant dense<0.000000e+00> : vector<256x32xf32>
    %dot_general3A_399 = tpu.matmul %dot_general3A_36, %get3A_397, %dot_general3A_398 {dimension_numbers = #tpu.dot_dimension_numbers<[1], [0], [0], [1], [0, 0, 1, 1], [], []>, transpose_lhs_hint = false} : vector<256x384xf32>, vector<384x32xf32>, vector<256x32xf32> -> vector<256x32xf32>
    %max3A_400 = arith.constant 0.000000e+00 : f32
    %max3A_401 = vector.broadcast %max3A_400 : f32 to vector<256x32xf32>
    %max3A_402 = arith.maximumf %dot_general3A_399, %max3A_401 : vector<256x32xf32>
    %abs3A_403 = math.absf %dot_general3A_399 : vector<256x32xf32>
    %neg3A_404 = arith.constant 0.000000e+00 : f32
    %neg3A_405 = vector.broadcast %neg3A_404 : f32 to vector<256x32xf32>
    %neg3A_406 = arith.subf %neg3A_405, %abs3A_403 : vector<256x32xf32>
    %exp3A_407 = math.exp %neg3A_406 : vector<256x32xf32>
    %add3A_408 = arith.constant 1.000000e+00 : f32
    %add3A_409 = vector.broadcast %add3A_408 : f32 to vector<256x32xf32>
    %add3A_410 = arith.addf %add3A_409, %exp3A_407 : vector<256x32xf32>
    %log3A_411 = math.log %add3A_410 : vector<256x32xf32>
    %add3A_412 = arith.addf %max3A_402, %log3A_411 : vector<256x32xf32>
    %slice3A_413 = vector.extract_strided_slice %add3A_412 {offsets = [0, 0], sizes = [256, 16], strides = [1, 1]} : vector<256x32xf32> to vector<256x16xf32>
    %slice3A_414 = vector.extract_strided_slice %add3A_412 {offsets = [0, 16], sizes = [256, 16], strides = [1, 1]} : vector<256x32xf32> to vector<256x16xf32>
    %mul3A_415 = arith.mulf %slice3A_413, %get3A_47 : vector<256x16xf32>
    %mul3A_416 = arith.mulf %slice3A_414, %get3A_50 : vector<256x16xf32>
    %sub3A_417 = arith.subf %mul3A_415, %mul3A_416 : vector<256x16xf32>
    %mul3A_418 = arith.mulf %slice3A_413, %get3A_50 : vector<256x16xf32>
    %mul3A_419 = arith.mulf %slice3A_414, %get3A_47 : vector<256x16xf32>
    %add3A_420 = arith.addf %mul3A_418, %mul3A_419 : vector<256x16xf32>
    %concatenate3A_421 = tpu.concatenate %sub3A_417, %add3A_420 in 1 : vector<256x16xf32>, vector<256x16xf32> -> vector<256x32xf32>
    %swap3A_422 = arith.constant 0 : index
    %swap3A_423 = arith.constant 8 : index
    %swap3A_424 = arith.constant 0 : index
    %swap3A_425 = vector.load %arg17[%swap3A_422, %swap3A_423, %swap3A_424] : memref<256x12x32xf32, #tpu.memory_space<vmem>>, vector<256x1x32xf32>
    %swap3A_426 = vector.shape_cast %swap3A_425 : vector<256x1x32xf32> to vector<256x32xf32>
    %swap3A_427 = vector.shape_cast %concatenate3A_421 : vector<256x32xf32> to vector<256x1x32xf32>
    tpu.vector_store %arg17[%swap3A_422, %swap3A_423, %swap3A_424], %swap3A_427 {strides = array<i32>} : memref<256x12x32xf32, #tpu.memory_space<vmem>>, vector<256x1x32xf32>,
    %slice3A_428 = vector.extract_strided_slice %dot_general3A_41 {offsets = [0, 576], sizes = [256, 64], strides = [1, 1]} : vector<256x768xf32> to vector<256x64xf32>
    %slice3A_429 = vector.extract_strided_slice %get3A_44 {offsets = [0, 576], sizes = [256, 64], strides = [1, 1]} : vector<256x768xf32> to vector<256x64xf32>
    %dot_general3A_430 = arith.constant dense<0.000000e+00> : vector<256x256xf32>
    %dot_general3A_431 = tpu.matmul %slice3A_428, %slice3A_429, %dot_general3A_430 {dimension_numbers = #tpu.dot_dimension_numbers<[1], [1], [0], [0], [0, 0, 1, 0], [], []>, transpose_lhs_hint = false} : vector<256x64xf32>, vector<256x64xf32>, vector<256x256xf32> -> vector<256x256xf32>
    %swap3A_432 = arith.constant 0 : index
    %swap3A_433 = arith.constant 9 : index
    %swap3A_434 = arith.constant 0 : index
    %swap3A_435 = vector.load %arg16[%swap3A_432, %swap3A_433, %swap3A_434] : memref<256x12x256xf32, #tpu.memory_space<vmem>>, vector<256x1x256xf32>
    %swap3A_436 = vector.shape_cast %swap3A_435 : vector<256x1x256xf32> to vector<256x256xf32>
    %swap3A_437 = vector.shape_cast %dot_general3A_431 : vector<256x256xf32> to vector<256x1x256xf32>
    tpu.vector_store %arg16[%swap3A_432, %swap3A_433, %swap3A_434], %swap3A_437 {strides = array<i32>} : memref<256x12x256xf32, #tpu.memory_space<vmem>>, vector<256x1x256xf32>,
    %get3A_438 = arith.constant 0 : index
    %get3A_439 = arith.constant 288 : index
    %get3A_440 = vector.load %arg6[%get3A_438, %get3A_439] : memref<384x384xf32, #tpu.memory_space<vmem>>, vector<384x32xf32>
    %dot_general3A_441 = arith.constant dense<0.000000e+00> : vector<256x32xf32>
    %dot_general3A_442 = tpu.matmul %dot_general3A_36, %get3A_440, %dot_general3A_441 {dimension_numbers = #tpu.dot_dimension_numbers<[1], [0], [0], [1], [0, 0, 1, 1], [], []>, transpose_lhs_hint = false} : vector<256x384xf32>, vector<384x32xf32>, vector<256x32xf32> -> vector<256x32xf32>
    %max3A_443 = arith.constant 0.000000e+00 : f32
    %max3A_444 = vector.broadcast %max3A_443 : f32 to vector<256x32xf32>
    %max3A_445 = arith.maximumf %dot_general3A_442, %max3A_444 : vector<256x32xf32>
    %abs3A_446 = math.absf %dot_general3A_442 : vector<256x32xf32>
    %neg3A_447 = arith.constant 0.000000e+00 : f32
    %neg3A_448 = vector.broadcast %neg3A_447 : f32 to vector<256x32xf32>
    %neg3A_449 = arith.subf %neg3A_448, %abs3A_446 : vector<256x32xf32>
    %exp3A_450 = math.exp %neg3A_449 : vector<256x32xf32>
    %add3A_451 = arith.constant 1.000000e+00 : f32
    %add3A_452 = vector.broadcast %add3A_451 : f32 to vector<256x32xf32>
    %add3A_453 = arith.addf %add3A_452, %exp3A_450 : vector<256x32xf32>
    %log3A_454 = math.log %add3A_453 : vector<256x32xf32>
    %add3A_455 = arith.addf %max3A_445, %log3A_454 : vector<256x32xf32>
    %slice3A_456 = vector.extract_strided_slice %add3A_455 {offsets = [0, 0], sizes = [256, 16], strides = [1, 1]} : vector<256x32xf32> to vector<256x16xf32>
    %slice3A_457 = vector.extract_strided_slice %add3A_455 {offsets = [0, 16], sizes = [256, 16], strides = [1, 1]} : vector<256x32xf32> to vector<256x16xf32>
    %mul3A_458 = arith.mulf %slice3A_456, %get3A_47 : vector<256x16xf32>
    %mul3A_459 = arith.mulf %slice3A_457, %get3A_50 : vector<256x16xf32>
    %sub3A_460 = arith.subf %mul3A_458, %mul3A_459 : vector<256x16xf32>
    %mul3A_461 = arith.mulf %slice3A_456, %get3A_50 : vector<256x16xf32>
    %mul3A_462 = arith.mulf %slice3A_457, %get3A_47 : vector<256x16xf32>
    %add3A_463 = arith.addf %mul3A_461, %mul3A_462 : vector<256x16xf32>
    %concatenate3A_464 = tpu.concatenate %sub3A_460, %add3A_463 in 1 : vector<256x16xf32>, vector<256x16xf32> -> vector<256x32xf32>
    %swap3A_465 = arith.constant 0 : index
    %swap3A_466 = arith.constant 9 : index
    %swap3A_467 = arith.constant 0 : index
    %swap3A_468 = vector.load %arg17[%swap3A_465, %swap3A_466, %swap3A_467] : memref<256x12x32xf32, #tpu.memory_space<vmem>>, vector<256x1x32xf32>
    %swap3A_469 = vector.shape_cast %swap3A_468 : vector<256x1x32xf32> to vector<256x32xf32>
    %swap3A_470 = vector.shape_cast %concatenate3A_464 : vector<256x32xf32> to vector<256x1x32xf32>
    tpu.vector_store %arg17[%swap3A_465, %swap3A_466, %swap3A_467], %swap3A_470 {strides = array<i32>} : memref<256x12x32xf32, #tpu.memory_space<vmem>>, vector<256x1x32xf32>,
    %slice3A_471 = vector.extract_strided_slice %dot_general3A_41 {offsets = [0, 640], sizes = [256, 64], strides = [1, 1]} : vector<256x768xf32> to vector<256x64xf32>
    %slice3A_472 = vector.extract_strided_slice %get3A_44 {offsets = [0, 640], sizes = [256, 64], strides = [1, 1]} : vector<256x768xf32> to vector<256x64xf32>
    %dot_general3A_473 = arith.constant dense<0.000000e+00> : vector<256x256xf32>
    %dot_general3A_474 = tpu.matmul %slice3A_471, %slice3A_472, %dot_general3A_473 {dimension_numbers = #tpu.dot_dimension_numbers<[1], [1], [0], [0], [0, 0, 1, 0], [], []>, transpose_lhs_hint = false} : vector<256x64xf32>, vector<256x64xf32>, vector<256x256xf32> -> vector<256x256xf32>
    %swap3A_475 = arith.constant 0 : index
    %swap3A_476 = arith.constant 10 : index
    %swap3A_477 = arith.constant 0 : index
    %swap3A_478 = vector.load %arg16[%swap3A_475, %swap3A_476, %swap3A_477] : memref<256x12x256xf32, #tpu.memory_space<vmem>>, vector<256x1x256xf32>
    %swap3A_479 = vector.shape_cast %swap3A_478 : vector<256x1x256xf32> to vector<256x256xf32>
    %swap3A_480 = vector.shape_cast %dot_general3A_474 : vector<256x256xf32> to vector<256x1x256xf32>
    tpu.vector_store %arg16[%swap3A_475, %swap3A_476, %swap3A_477], %swap3A_480 {strides = array<i32>} : memref<256x12x256xf32, #tpu.memory_space<vmem>>, vector<256x1x256xf32>,
    %get3A_481 = arith.constant 0 : index
    %get3A_482 = arith.constant 320 : index
    %get3A_483 = vector.load %arg6[%get3A_481, %get3A_482] : memref<384x384xf32, #tpu.memory_space<vmem>>, vector<384x32xf32>
    %dot_general3A_484 = arith.constant dense<0.000000e+00> : vector<256x32xf32>
    %dot_general3A_485 = tpu.matmul %dot_general3A_36, %get3A_483, %dot_general3A_484 {dimension_numbers = #tpu.dot_dimension_numbers<[1], [0], [0], [1], [0, 0, 1, 1], [], []>, transpose_lhs_hint = false} : vector<256x384xf32>, vector<384x32xf32>, vector<256x32xf32> -> vector<256x32xf32>
    %max3A_486 = arith.constant 0.000000e+00 : f32
    %max3A_487 = vector.broadcast %max3A_486 : f32 to vector<256x32xf32>
    %max3A_488 = arith.maximumf %dot_general3A_485, %max3A_487 : vector<256x32xf32>
    %abs3A_489 = math.absf %dot_general3A_485 : vector<256x32xf32>
    %neg3A_490 = arith.constant 0.000000e+00 : f32
    %neg3A_491 = vector.broadcast %neg3A_490 : f32 to vector<256x32xf32>
    %neg3A_492 = arith.subf %neg3A_491, %abs3A_489 : vector<256x32xf32>
    %exp3A_493 = math.exp %neg3A_492 : vector<256x32xf32>
    %add3A_494 = arith.constant 1.000000e+00 : f32
    %add3A_495 = vector.broadcast %add3A_494 : f32 to vector<256x32xf32>
    %add3A_496 = arith.addf %add3A_495, %exp3A_493 : vector<256x32xf32>
    %log3A_497 = math.log %add3A_496 : vector<256x32xf32>
    %add3A_498 = arith.addf %max3A_488, %log3A_497 : vector<256x32xf32>
    %slice3A_499 = vector.extract_strided_slice %add3A_498 {offsets = [0, 0], sizes = [256, 16], strides = [1, 1]} : vector<256x32xf32> to vector<256x16xf32>
    %slice3A_500 = vector.extract_strided_slice %add3A_498 {offsets = [0, 16], sizes = [256, 16], strides = [1, 1]} : vector<256x32xf32> to vector<256x16xf32>
    %mul3A_501 = arith.mulf %slice3A_499, %get3A_47 : vector<256x16xf32>
    %mul3A_502 = arith.mulf %slice3A_500, %get3A_50 : vector<256x16xf32>
    %sub3A_503 = arith.subf %mul3A_501, %mul3A_502 : vector<256x16xf32>
    %mul3A_504 = arith.mulf %slice3A_499, %get3A_50 : vector<256x16xf32>
    %mul3A_505 = arith.mulf %slice3A_500, %get3A_47 : vector<256x16xf32>
    %add3A_506 = arith.addf %mul3A_504, %mul3A_505 : vector<256x16xf32>
    %concatenate3A_507 = tpu.concatenate %sub3A_503, %add3A_506 in 1 : vector<256x16xf32>, vector<256x16xf32> -> vector<256x32xf32>
    %swap3A_508 = arith.constant 0 : index
    %swap3A_509 = arith.constant 10 : index
    %swap3A_510 = arith.constant 0 : index
    %swap3A_511 = vector.load %arg17[%swap3A_508, %swap3A_509, %swap3A_510] : memref<256x12x32xf32, #tpu.memory_space<vmem>>, vector<256x1x32xf32>
    %swap3A_512 = vector.shape_cast %swap3A_511 : vector<256x1x32xf32> to vector<256x32xf32>
    %swap3A_513 = vector.shape_cast %concatenate3A_507 : vector<256x32xf32> to vector<256x1x32xf32>
    tpu.vector_store %arg17[%swap3A_508, %swap3A_509, %swap3A_510], %swap3A_513 {strides = array<i32>} : memref<256x12x32xf32, #tpu.memory_space<vmem>>, vector<256x1x32xf32>,
    %slice3A_514 = vector.extract_strided_slice %dot_general3A_41 {offsets = [0, 704], sizes = [256, 64], strides = [1, 1]} : vector<256x768xf32> to vector<256x64xf32>
    %slice3A_515 = vector.extract_strided_slice %get3A_44 {offsets = [0, 704], sizes = [256, 64], strides = [1, 1]} : vector<256x768xf32> to vector<256x64xf32>
    %dot_general3A_516 = arith.constant dense<0.000000e+00> : vector<256x256xf32>
    %dot_general3A_517 = tpu.matmul %slice3A_514, %slice3A_515, %dot_general3A_516 {dimension_numbers = #tpu.dot_dimension_numbers<[1], [1], [0], [0], [0, 0, 1, 0], [], []>, transpose_lhs_hint = false} : vector<256x64xf32>, vector<256x64xf32>, vector<256x256xf32> -> vector<256x256xf32>
    %swap3A_518 = arith.constant 0 : index
    %swap3A_519 = arith.constant 11 : index
    %swap3A_520 = arith.constant 0 : index
    %swap3A_521 = vector.load %arg16[%swap3A_518, %swap3A_519, %swap3A_520] : memref<256x12x256xf32, #tpu.memory_space<vmem>>, vector<256x1x256xf32>
    %swap3A_522 = vector.shape_cast %swap3A_521 : vector<256x1x256xf32> to vector<256x256xf32>
    %swap3A_523 = vector.shape_cast %dot_general3A_517 : vector<256x256xf32> to vector<256x1x256xf32>
    tpu.vector_store %arg16[%swap3A_518, %swap3A_519, %swap3A_520], %swap3A_523 {strides = array<i32>} : memref<256x12x256xf32, #tpu.memory_space<vmem>>, vector<256x1x256xf32>,
    %get3A_524 = arith.constant 0 : index
    %get3A_525 = arith.constant 352 : index
    %get3A_526 = vector.load %arg6[%get3A_524, %get3A_525] : memref<384x384xf32, #tpu.memory_space<vmem>>, vector<384x32xf32>
    %dot_general3A_527 = arith.constant dense<0.000000e+00> : vector<256x32xf32>
    %dot_general3A_528 = tpu.matmul %dot_general3A_36, %get3A_526, %dot_general3A_527 {dimension_numbers = #tpu.dot_dimension_numbers<[1], [0], [0], [1], [0, 0, 1, 1], [], []>, transpose_lhs_hint = false} : vector<256x384xf32>, vector<384x32xf32>, vector<256x32xf32> -> vector<256x32xf32>
    %max3A_529 = arith.constant 0.000000e+00 : f32
    %max3A_530 = vector.broadcast %max3A_529 : f32 to vector<256x32xf32>
    %max3A_531 = arith.maximumf %dot_general3A_528, %max3A_530 : vector<256x32xf32>
    %abs3A_532 = math.absf %dot_general3A_528 : vector<256x32xf32>
    %neg3A_533 = arith.constant 0.000000e+00 : f32
    %neg3A_534 = vector.broadcast %neg3A_533 : f32 to vector<256x32xf32>
    %neg3A_535 = arith.subf %neg3A_534, %abs3A_532 : vector<256x32xf32>
    %exp3A_536 = math.exp %neg3A_535 : vector<256x32xf32>
    %add3A_537 = arith.constant 1.000000e+00 : f32
    %add3A_538 = vector.broadcast %add3A_537 : f32 to vector<256x32xf32>
    %add3A_539 = arith.addf %add3A_538, %exp3A_536 : vector<256x32xf32>
    %log3A_540 = math.log %add3A_539 : vector<256x32xf32>
    %add3A_541 = arith.addf %max3A_531, %log3A_540 : vector<256x32xf32>
    %slice3A_542 = vector.extract_strided_slice %add3A_541 {offsets = [0, 0], sizes = [256, 16], strides = [1, 1]} : vector<256x32xf32> to vector<256x16xf32>
    %slice3A_543 = vector.extract_strided_slice %add3A_541 {offsets = [0, 16], sizes = [256, 16], strides = [1, 1]} : vector<256x32xf32> to vector<256x16xf32>
    %mul3A_544 = arith.mulf %slice3A_542, %get3A_47 : vector<256x16xf32>
    %mul3A_545 = arith.mulf %slice3A_543, %get3A_50 : vector<256x16xf32>
    %sub3A_546 = arith.subf %mul3A_544, %mul3A_545 : vector<256x16xf32>
    %mul3A_547 = arith.mulf %slice3A_542, %get3A_50 : vector<256x16xf32>
    %mul3A_548 = arith.mulf %slice3A_543, %get3A_47 : vector<256x16xf32>
    %add3A_549 = arith.addf %mul3A_547, %mul3A_548 : vector<256x16xf32>
    %concatenate3A_550 = tpu.concatenate %sub3A_546, %add3A_549 in 1 : vector<256x16xf32>, vector<256x16xf32> -> vector<256x32xf32>
    %swap3A_551 = arith.constant 0 : index
    %swap3A_552 = arith.constant 11 : index
    %swap3A_553 = arith.constant 0 : index
    %swap3A_554 = vector.load %arg17[%swap3A_551, %swap3A_552, %swap3A_553] : memref<256x12x32xf32, #tpu.memory_space<vmem>>, vector<256x1x32xf32>
    %swap3A_555 = vector.shape_cast %swap3A_554 : vector<256x1x32xf32> to vector<256x32xf32>
    %swap3A_556 = vector.shape_cast %concatenate3A_550 : vector<256x32xf32> to vector<256x1x32xf32>
    tpu.vector_store %arg17[%swap3A_551, %swap3A_552, %swap3A_553], %swap3A_556 {strides = array<i32>} : memref<256x12x32xf32, #tpu.memory_space<vmem>>, vector<256x1x32xf32>,
    return
  }
  func.func @transform_0(%arg0: i32) -> (i32, i32) {
    %c0_i32 = arith.constant 0 : i32
    %c0_i32_0 = arith.constant 0 : i32
    return %arg0, %c0_i32 : i32, i32
  }
  func.func @transform_1(%arg0: i32) -> (i32, i32) {
    %c0_i32 = arith.constant 0 : i32
    %c0_i32_0 = arith.constant 0 : i32
    %c0_i32_1 = arith.constant 0 : i32
    return %c0_i32, %c0_i32_0 : i32, i32
  }
  func.func @transform_2(%arg0: i32) -> (i32, i32) {
    %c0_i32 = arith.constant 0 : i32
    %c0_i32_0 = arith.constant 0 : i32
    %c0_i32_1 = arith.constant 0 : i32
    return %c0_i32, %c0_i32_0 : i32, i32
  }
  func.func @transform_3(%arg0: i32) -> (i32, i32) {
    %c0_i32 = arith.constant 0 : i32
    %c0_i32_0 = arith.constant 0 : i32
    %c0_i32_1 = arith.constant 0 : i32
    return %c0_i32, %c0_i32_0 : i32, i32
  }
  func.func @transform_4(%arg0: i32) -> (i32, i32) {
    %c0_i32 = arith.constant 0 : i32
    %c0_i32_0 = arith.constant 0 : i32
    %c0_i32_1 = arith.constant 0 : i32
    return %c0_i32, %c0_i32_0 : i32, i32
  }
  func.func @transform_5(%arg0: i32) -> (i32, i32) {
    %c0_i32 = arith.constant 0 : i32
    %c0_i32_0 = arith.constant 0 : i32
    %c0_i32_1 = arith.constant 0 : i32
    return %c0_i32, %c0_i32_0 : i32, i32
  }
  func.func @transform_6(%arg0: i32) -> (i32, i32) {
    %c0_i32 = arith.constant 0 : i32
    %c0_i32_0 = arith.constant 0 : i32
    %c0_i32_1 = arith.constant 0 : i32
    return %c0_i32, %c0_i32_0 : i32, i32
  }
  func.func @transform_7(%arg0: i32) -> (i32, i32) {
    %c0_i32 = arith.constant 0 : i32
    %c0_i32_0 = arith.constant 0 : i32
    %c0_i32_1 = arith.constant 0 : i32
    return %c0_i32, %c0_i32_0 : i32, i32
  }
  func.func @transform_8(%arg0: i32) -> (i32, i32) {
    %c0_i32 = arith.constant 0 : i32
    %c0_i32_0 = arith.constant 0 : i32
    %c0_i32_1 = arith.constant 0 : i32
    return %c0_i32, %c0_i32_0 : i32, i32
  }
  func.func @transform_9(%arg0: i32) -> (i32, i32) {
    %c0_i32 = arith.constant 0 : i32
    %c0_i32_0 = arith.constant 0 : i32
    return %arg0, %c0_i32 : i32, i32
  }
  func.func @transform_10(%arg0: i32) -> (i32, i32) {
    %c0_i32 = arith.constant 0 : i32
    %c0_i32_0 = arith.constant 0 : i32
    return %arg0, %c0_i32 : i32, i32
  }
  func.func @transform_11(%arg0: i32) -> (i32, i32) {
    %c0_i32 = arith.constant 0 : i32
    %c0_i32_0 = arith.constant 0 : i32
    return %arg0, %c0_i32 : i32, i32
  }
  func.func @transform_12(%arg0: i32) -> (i32, i32) {
    %c0_i32 = arith.constant 0 : i32
    %c0_i32_0 = arith.constant 0 : i32
    return %arg0, %c0_i32 : i32, i32
  }
  func.func @transform_13(%arg0: i32) -> (i32, i32) {
    %c0_i32 = arith.constant 0 : i32
    %c0_i32_0 = arith.constant 0 : i32
    return %arg0, %c0_i32 : i32, i32
  }
  func.func @transform_14(%arg0: i32) -> (i32, i32) {
    %c0_i32 = arith.constant 0 : i32
    %c0_i32_0 = arith.constant 0 : i32
    return %arg0, %c0_i32 : i32, i32
  }
  func.func @transform_15(%arg0: i32) -> (i32, i32, i32) {
    %c0_i32 = arith.constant 0 : i32
    %c0_i32_0 = arith.constant 0 : i32
    %c0_i32_1 = arith.constant 0 : i32
    return %arg0, %c0_i32, %c0_i32_0 : i32, i32, i32
  }
  func.func @transform_16(%arg0: i32) -> (i32, i32, i32) {
    %c0_i32 = arith.constant 0 : i32
    %c0_i32_0 = arith.constant 0 : i32
    %c0_i32_1 = arith.constant 0 : i32
    return %arg0, %c0_i32, %c0_i32_0 : i32, i32, i32
  }
}

module attributes {stable_mosaic.version = 14 : i64} {
  func.func @_topk_body(%arg0: i32, %arg1: memref<256x768xf32, #tpu.memory_space<vmem>>, %arg2: memref<2048x64xf32, #tpu.memory_space<vmem>>, %arg3: memref<1x12xf32, #tpu.memory_space<vmem>>, %arg4: memref<256x32xi32, #tpu.memory_space<vmem>>) attributes {dimension_semantics = [#tpu.dimension_semantics<arbitrary>], iteration_bounds = array<i64: 1>, scalar_prefetch = 0 : i64, scratch_operands = 0 : i64, tpu.core_type = #tpu.core_type<tc>, window_params = [{transform_indices = @transform_0, window_bounds = array<i64: 256, 768>}, {pipeline_mode = #tpu.pipeline_mode<synchronous>, transform_indices = @transform_1, window_bounds = array<i64: 2048, 64>}, {pipeline_mode = #tpu.pipeline_mode<synchronous>, transform_indices = @transform_2, window_bounds = array<i64: 1, 12>}, {pipeline_mode = #tpu.pipeline_mode<synchronous>, transform_indices = @transform_3, window_bounds = array<i64: 256, 32>}]} {
    %get3A = arith.constant 0 : index
    %get3A_0 = arith.constant 0 : index
    %get3A_1 = vector.load %arg2[%get3A, %get3A_0] : memref<2048x64xf32, #tpu.memory_space<vmem>>, vector<2048x64xf32>
    %broadcast_in_dim3A = arith.constant 0.000000e+00 : f32
    %broadcast_in_dim3A_2 = vector.broadcast %broadcast_in_dim3A : f32 to vector<256x2048xf32>
    %get3A_3 = arith.constant 0 : index
    %get3A_4 = arith.constant 0 : index
    %get3A_5 = vector.load %arg3[%get3A_3, %get3A_4] : memref<1x12xf32, #tpu.memory_space<vmem>>, vector<1x12xf32>
    %convert_element_type3A = arith.truncf %get3A_5 : vector<1x12xf32> to vector<1x12xbf16>
    %convert_element_type3A_6 = arith.extf %convert_element_type3A : vector<1x12xbf16> to vector<1x12xf32>
    %get3A_7 = arith.constant 0 : index
    %get3A_8 = arith.constant 0 : index
    %get3A_9 = vector.load %arg1[%get3A_7, %get3A_8] : memref<256x768xf32, #tpu.memory_space<vmem>>, vector<256x64xf32>
    %dot_general3A = arith.constant dense<0.000000e+00> : vector<256x2048xf32>
    %dot_general3A_10 = tpu.matmul %get3A_9, %get3A_1, %dot_general3A {dimension_numbers = #tpu.dot_dimension_numbers<[1], [1], [0], [0], [0, 0, 1, 0], [], []>, transpose_lhs_hint = false} : vector<256x64xf32>, vector<2048x64xf32>, vector<256x2048xf32> -> vector<256x2048xf32>
    %max3A = arith.constant 0.000000e+00 : f32
    %max3A_11 = vector.broadcast %max3A : f32 to vector<256x2048xf32>
    %max3A_12 = arith.maximumf %dot_general3A_10, %max3A_11 : vector<256x2048xf32>
    %convert_element_type3A_13 = arith.truncf %max3A_12 : vector<256x2048xf32> to vector<256x2048xbf16>
    %convert_element_type3A_14 = arith.extf %convert_element_type3A_13 : vector<256x2048xbf16> to vector<256x2048xf32>
    %slice3A = vector.extract_strided_slice %convert_element_type3A_6 {offsets = [0, 0], sizes = [1, 1], strides = [1, 1]} : vector<1x12xf32> to vector<1x1xf32>
    %mul3A = vector.broadcast %slice3A : vector<1x1xf32> to vector<256x2048xf32>
    %mul3A_15 = arith.mulf %convert_element_type3A_14, %mul3A : vector<256x2048xf32>
    %add3A = arith.addf %broadcast_in_dim3A_2, %mul3A_15 : vector<256x2048xf32>
    %get3A_16 = arith.constant 0 : index
    %get3A_17 = arith.constant 64 : index
    %get3A_18 = vector.load %arg1[%get3A_16, %get3A_17] : memref<256x768xf32, #tpu.memory_space<vmem>>, vector<256x64xf32>
    %dot_general3A_19 = arith.constant dense<0.000000e+00> : vector<256x2048xf32>
    %dot_general3A_20 = tpu.matmul %get3A_18, %get3A_1, %dot_general3A_19 {dimension_numbers = #tpu.dot_dimension_numbers<[1], [1], [0], [0], [0, 0, 1, 0], [], []>, transpose_lhs_hint = false} : vector<256x64xf32>, vector<2048x64xf32>, vector<256x2048xf32> -> vector<256x2048xf32>
    %max3A_21 = arith.constant 0.000000e+00 : f32
    %max3A_22 = vector.broadcast %max3A_21 : f32 to vector<256x2048xf32>
    %max3A_23 = arith.maximumf %dot_general3A_20, %max3A_22 : vector<256x2048xf32>
    %convert_element_type3A_24 = arith.truncf %max3A_23 : vector<256x2048xf32> to vector<256x2048xbf16>
    %convert_element_type3A_25 = arith.extf %convert_element_type3A_24 : vector<256x2048xbf16> to vector<256x2048xf32>
    %slice3A_26 = vector.extract_strided_slice %convert_element_type3A_6 {offsets = [0, 1], sizes = [1, 1], strides = [1, 1]} : vector<1x12xf32> to vector<1x1xf32>
    %mul3A_27 = vector.broadcast %slice3A_26 : vector<1x1xf32> to vector<256x2048xf32>
    %mul3A_28 = arith.mulf %convert_element_type3A_25, %mul3A_27 : vector<256x2048xf32>
    %add3A_29 = arith.addf %add3A, %mul3A_28 : vector<256x2048xf32>
    %get3A_30 = arith.constant 0 : index
    %get3A_31 = arith.constant 128 : index
    %get3A_32 = vector.load %arg1[%get3A_30, %get3A_31] : memref<256x768xf32, #tpu.memory_space<vmem>>, vector<256x64xf32>
    %dot_general3A_33 = arith.constant dense<0.000000e+00> : vector<256x2048xf32>
    %dot_general3A_34 = tpu.matmul %get3A_32, %get3A_1, %dot_general3A_33 {dimension_numbers = #tpu.dot_dimension_numbers<[1], [1], [0], [0], [0, 0, 1, 0], [], []>, transpose_lhs_hint = false} : vector<256x64xf32>, vector<2048x64xf32>, vector<256x2048xf32> -> vector<256x2048xf32>
    %max3A_35 = arith.constant 0.000000e+00 : f32
    %max3A_36 = vector.broadcast %max3A_35 : f32 to vector<256x2048xf32>
    %max3A_37 = arith.maximumf %dot_general3A_34, %max3A_36 : vector<256x2048xf32>
    %convert_element_type3A_38 = arith.truncf %max3A_37 : vector<256x2048xf32> to vector<256x2048xbf16>
    %convert_element_type3A_39 = arith.extf %convert_element_type3A_38 : vector<256x2048xbf16> to vector<256x2048xf32>
    %slice3A_40 = vector.extract_strided_slice %convert_element_type3A_6 {offsets = [0, 2], sizes = [1, 1], strides = [1, 1]} : vector<1x12xf32> to vector<1x1xf32>
    %mul3A_41 = vector.broadcast %slice3A_40 : vector<1x1xf32> to vector<256x2048xf32>
    %mul3A_42 = arith.mulf %convert_element_type3A_39, %mul3A_41 : vector<256x2048xf32>
    %add3A_43 = arith.addf %add3A_29, %mul3A_42 : vector<256x2048xf32>
    %get3A_44 = arith.constant 0 : index
    %get3A_45 = arith.constant 192 : index
    %get3A_46 = vector.load %arg1[%get3A_44, %get3A_45] : memref<256x768xf32, #tpu.memory_space<vmem>>, vector<256x64xf32>
    %dot_general3A_47 = arith.constant dense<0.000000e+00> : vector<256x2048xf32>
    %dot_general3A_48 = tpu.matmul %get3A_46, %get3A_1, %dot_general3A_47 {dimension_numbers = #tpu.dot_dimension_numbers<[1], [1], [0], [0], [0, 0, 1, 0], [], []>, transpose_lhs_hint = false} : vector<256x64xf32>, vector<2048x64xf32>, vector<256x2048xf32> -> vector<256x2048xf32>
    %max3A_49 = arith.constant 0.000000e+00 : f32
    %max3A_50 = vector.broadcast %max3A_49 : f32 to vector<256x2048xf32>
    %max3A_51 = arith.maximumf %dot_general3A_48, %max3A_50 : vector<256x2048xf32>
    %convert_element_type3A_52 = arith.truncf %max3A_51 : vector<256x2048xf32> to vector<256x2048xbf16>
    %convert_element_type3A_53 = arith.extf %convert_element_type3A_52 : vector<256x2048xbf16> to vector<256x2048xf32>
    %slice3A_54 = vector.extract_strided_slice %convert_element_type3A_6 {offsets = [0, 3], sizes = [1, 1], strides = [1, 1]} : vector<1x12xf32> to vector<1x1xf32>
    %mul3A_55 = vector.broadcast %slice3A_54 : vector<1x1xf32> to vector<256x2048xf32>
    %mul3A_56 = arith.mulf %convert_element_type3A_53, %mul3A_55 : vector<256x2048xf32>
    %add3A_57 = arith.addf %add3A_43, %mul3A_56 : vector<256x2048xf32>
    %get3A_58 = arith.constant 0 : index
    %get3A_59 = arith.constant 256 : index
    %get3A_60 = vector.load %arg1[%get3A_58, %get3A_59] : memref<256x768xf32, #tpu.memory_space<vmem>>, vector<256x64xf32>
    %dot_general3A_61 = arith.constant dense<0.000000e+00> : vector<256x2048xf32>
    %dot_general3A_62 = tpu.matmul %get3A_60, %get3A_1, %dot_general3A_61 {dimension_numbers = #tpu.dot_dimension_numbers<[1], [1], [0], [0], [0, 0, 1, 0], [], []>, transpose_lhs_hint = false} : vector<256x64xf32>, vector<2048x64xf32>, vector<256x2048xf32> -> vector<256x2048xf32>
    %max3A_63 = arith.constant 0.000000e+00 : f32
    %max3A_64 = vector.broadcast %max3A_63 : f32 to vector<256x2048xf32>
    %max3A_65 = arith.maximumf %dot_general3A_62, %max3A_64 : vector<256x2048xf32>
    %convert_element_type3A_66 = arith.truncf %max3A_65 : vector<256x2048xf32> to vector<256x2048xbf16>
    %convert_element_type3A_67 = arith.extf %convert_element_type3A_66 : vector<256x2048xbf16> to vector<256x2048xf32>
    %slice3A_68 = vector.extract_strided_slice %convert_element_type3A_6 {offsets = [0, 4], sizes = [1, 1], strides = [1, 1]} : vector<1x12xf32> to vector<1x1xf32>
    %mul3A_69 = vector.broadcast %slice3A_68 : vector<1x1xf32> to vector<256x2048xf32>
    %mul3A_70 = arith.mulf %convert_element_type3A_67, %mul3A_69 : vector<256x2048xf32>
    %add3A_71 = arith.addf %add3A_57, %mul3A_70 : vector<256x2048xf32>
    %get3A_72 = arith.constant 0 : index
    %get3A_73 = arith.constant 320 : index
    %get3A_74 = vector.load %arg1[%get3A_72, %get3A_73] : memref<256x768xf32, #tpu.memory_space<vmem>>, vector<256x64xf32>
    %dot_general3A_75 = arith.constant dense<0.000000e+00> : vector<256x2048xf32>
    %dot_general3A_76 = tpu.matmul %get3A_74, %get3A_1, %dot_general3A_75 {dimension_numbers = #tpu.dot_dimension_numbers<[1], [1], [0], [0], [0, 0, 1, 0], [], []>, transpose_lhs_hint = false} : vector<256x64xf32>, vector<2048x64xf32>, vector<256x2048xf32> -> vector<256x2048xf32>
    %max3A_77 = arith.constant 0.000000e+00 : f32
    %max3A_78 = vector.broadcast %max3A_77 : f32 to vector<256x2048xf32>
    %max3A_79 = arith.maximumf %dot_general3A_76, %max3A_78 : vector<256x2048xf32>
    %convert_element_type3A_80 = arith.truncf %max3A_79 : vector<256x2048xf32> to vector<256x2048xbf16>
    %convert_element_type3A_81 = arith.extf %convert_element_type3A_80 : vector<256x2048xbf16> to vector<256x2048xf32>
    %slice3A_82 = vector.extract_strided_slice %convert_element_type3A_6 {offsets = [0, 5], sizes = [1, 1], strides = [1, 1]} : vector<1x12xf32> to vector<1x1xf32>
    %mul3A_83 = vector.broadcast %slice3A_82 : vector<1x1xf32> to vector<256x2048xf32>
    %mul3A_84 = arith.mulf %convert_element_type3A_81, %mul3A_83 : vector<256x2048xf32>
    %add3A_85 = arith.addf %add3A_71, %mul3A_84 : vector<256x2048xf32>
    %get3A_86 = arith.constant 0 : index
    %get3A_87 = arith.constant 384 : index
    %get3A_88 = vector.load %arg1[%get3A_86, %get3A_87] : memref<256x768xf32, #tpu.memory_space<vmem>>, vector<256x64xf32>
    %dot_general3A_89 = arith.constant dense<0.000000e+00> : vector<256x2048xf32>
    %dot_general3A_90 = tpu.matmul %get3A_88, %get3A_1, %dot_general3A_89 {dimension_numbers = #tpu.dot_dimension_numbers<[1], [1], [0], [0], [0, 0, 1, 0], [], []>, transpose_lhs_hint = false} : vector<256x64xf32>, vector<2048x64xf32>, vector<256x2048xf32> -> vector<256x2048xf32>
    %max3A_91 = arith.constant 0.000000e+00 : f32
    %max3A_92 = vector.broadcast %max3A_91 : f32 to vector<256x2048xf32>
    %max3A_93 = arith.maximumf %dot_general3A_90, %max3A_92 : vector<256x2048xf32>
    %convert_element_type3A_94 = arith.truncf %max3A_93 : vector<256x2048xf32> to vector<256x2048xbf16>
    %convert_element_type3A_95 = arith.extf %convert_element_type3A_94 : vector<256x2048xbf16> to vector<256x2048xf32>
    %slice3A_96 = vector.extract_strided_slice %convert_element_type3A_6 {offsets = [0, 6], sizes = [1, 1], strides = [1, 1]} : vector<1x12xf32> to vector<1x1xf32>
    %mul3A_97 = vector.broadcast %slice3A_96 : vector<1x1xf32> to vector<256x2048xf32>
    %mul3A_98 = arith.mulf %convert_element_type3A_95, %mul3A_97 : vector<256x2048xf32>
    %add3A_99 = arith.addf %add3A_85, %mul3A_98 : vector<256x2048xf32>
    %get3A_100 = arith.constant 0 : index
    %get3A_101 = arith.constant 448 : index
    %get3A_102 = vector.load %arg1[%get3A_100, %get3A_101] : memref<256x768xf32, #tpu.memory_space<vmem>>, vector<256x64xf32>
    %dot_general3A_103 = arith.constant dense<0.000000e+00> : vector<256x2048xf32>
    %dot_general3A_104 = tpu.matmul %get3A_102, %get3A_1, %dot_general3A_103 {dimension_numbers = #tpu.dot_dimension_numbers<[1], [1], [0], [0], [0, 0, 1, 0], [], []>, transpose_lhs_hint = false} : vector<256x64xf32>, vector<2048x64xf32>, vector<256x2048xf32> -> vector<256x2048xf32>
    %max3A_105 = arith.constant 0.000000e+00 : f32
    %max3A_106 = vector.broadcast %max3A_105 : f32 to vector<256x2048xf32>
    %max3A_107 = arith.maximumf %dot_general3A_104, %max3A_106 : vector<256x2048xf32>
    %convert_element_type3A_108 = arith.truncf %max3A_107 : vector<256x2048xf32> to vector<256x2048xbf16>
    %convert_element_type3A_109 = arith.extf %convert_element_type3A_108 : vector<256x2048xbf16> to vector<256x2048xf32>
    %slice3A_110 = vector.extract_strided_slice %convert_element_type3A_6 {offsets = [0, 7], sizes = [1, 1], strides = [1, 1]} : vector<1x12xf32> to vector<1x1xf32>
    %mul3A_111 = vector.broadcast %slice3A_110 : vector<1x1xf32> to vector<256x2048xf32>
    %mul3A_112 = arith.mulf %convert_element_type3A_109, %mul3A_111 : vector<256x2048xf32>
    %add3A_113 = arith.addf %add3A_99, %mul3A_112 : vector<256x2048xf32>
    %get3A_114 = arith.constant 0 : index
    %get3A_115 = arith.constant 512 : index
    %get3A_116 = vector.load %arg1[%get3A_114, %get3A_115] : memref<256x768xf32, #tpu.memory_space<vmem>>, vector<256x64xf32>
    %dot_general3A_117 = arith.constant dense<0.000000e+00> : vector<256x2048xf32>
    %dot_general3A_118 = tpu.matmul %get3A_116, %get3A_1, %dot_general3A_117 {dimension_numbers = #tpu.dot_dimension_numbers<[1], [1], [0], [0], [0, 0, 1, 0], [], []>, transpose_lhs_hint = false} : vector<256x64xf32>, vector<2048x64xf32>, vector<256x2048xf32> -> vector<256x2048xf32>
    %max3A_119 = arith.constant 0.000000e+00 : f32
    %max3A_120 = vector.broadcast %max3A_119 : f32 to vector<256x2048xf32>
    %max3A_121 = arith.maximumf %dot_general3A_118, %max3A_120 : vector<256x2048xf32>
    %convert_element_type3A_122 = arith.truncf %max3A_121 : vector<256x2048xf32> to vector<256x2048xbf16>
    %convert_element_type3A_123 = arith.extf %convert_element_type3A_122 : vector<256x2048xbf16> to vector<256x2048xf32>
    %slice3A_124 = vector.extract_strided_slice %convert_element_type3A_6 {offsets = [0, 8], sizes = [1, 1], strides = [1, 1]} : vector<1x12xf32> to vector<1x1xf32>
    %mul3A_125 = vector.broadcast %slice3A_124 : vector<1x1xf32> to vector<256x2048xf32>
    %mul3A_126 = arith.mulf %convert_element_type3A_123, %mul3A_125 : vector<256x2048xf32>
    %add3A_127 = arith.addf %add3A_113, %mul3A_126 : vector<256x2048xf32>
    %get3A_128 = arith.constant 0 : index
    %get3A_129 = arith.constant 576 : index
    %get3A_130 = vector.load %arg1[%get3A_128, %get3A_129] : memref<256x768xf32, #tpu.memory_space<vmem>>, vector<256x64xf32>
    %dot_general3A_131 = arith.constant dense<0.000000e+00> : vector<256x2048xf32>
    %dot_general3A_132 = tpu.matmul %get3A_130, %get3A_1, %dot_general3A_131 {dimension_numbers = #tpu.dot_dimension_numbers<[1], [1], [0], [0], [0, 0, 1, 0], [], []>, transpose_lhs_hint = false} : vector<256x64xf32>, vector<2048x64xf32>, vector<256x2048xf32> -> vector<256x2048xf32>
    %max3A_133 = arith.constant 0.000000e+00 : f32
    %max3A_134 = vector.broadcast %max3A_133 : f32 to vector<256x2048xf32>
    %max3A_135 = arith.maximumf %dot_general3A_132, %max3A_134 : vector<256x2048xf32>
    %convert_element_type3A_136 = arith.truncf %max3A_135 : vector<256x2048xf32> to vector<256x2048xbf16>
    %convert_element_type3A_137 = arith.extf %convert_element_type3A_136 : vector<256x2048xbf16> to vector<256x2048xf32>
    %slice3A_138 = vector.extract_strided_slice %convert_element_type3A_6 {offsets = [0, 9], sizes = [1, 1], strides = [1, 1]} : vector<1x12xf32> to vector<1x1xf32>
    %mul3A_139 = vector.broadcast %slice3A_138 : vector<1x1xf32> to vector<256x2048xf32>
    %mul3A_140 = arith.mulf %convert_element_type3A_137, %mul3A_139 : vector<256x2048xf32>
    %add3A_141 = arith.addf %add3A_127, %mul3A_140 : vector<256x2048xf32>
    %get3A_142 = arith.constant 0 : index
    %get3A_143 = arith.constant 640 : index
    %get3A_144 = vector.load %arg1[%get3A_142, %get3A_143] : memref<256x768xf32, #tpu.memory_space<vmem>>, vector<256x64xf32>
    %dot_general3A_145 = arith.constant dense<0.000000e+00> : vector<256x2048xf32>
    %dot_general3A_146 = tpu.matmul %get3A_144, %get3A_1, %dot_general3A_145 {dimension_numbers = #tpu.dot_dimension_numbers<[1], [1], [0], [0], [0, 0, 1, 0], [], []>, transpose_lhs_hint = false} : vector<256x64xf32>, vector<2048x64xf32>, vector<256x2048xf32> -> vector<256x2048xf32>
    %max3A_147 = arith.constant 0.000000e+00 : f32
    %max3A_148 = vector.broadcast %max3A_147 : f32 to vector<256x2048xf32>
    %max3A_149 = arith.maximumf %dot_general3A_146, %max3A_148 : vector<256x2048xf32>
    %convert_element_type3A_150 = arith.truncf %max3A_149 : vector<256x2048xf32> to vector<256x2048xbf16>
    %convert_element_type3A_151 = arith.extf %convert_element_type3A_150 : vector<256x2048xbf16> to vector<256x2048xf32>
    %slice3A_152 = vector.extract_strided_slice %convert_element_type3A_6 {offsets = [0, 10], sizes = [1, 1], strides = [1, 1]} : vector<1x12xf32> to vector<1x1xf32>
    %mul3A_153 = vector.broadcast %slice3A_152 : vector<1x1xf32> to vector<256x2048xf32>
    %mul3A_154 = arith.mulf %convert_element_type3A_151, %mul3A_153 : vector<256x2048xf32>
    %add3A_155 = arith.addf %add3A_141, %mul3A_154 : vector<256x2048xf32>
    %get3A_156 = arith.constant 0 : index
    %get3A_157 = arith.constant 704 : index
    %get3A_158 = vector.load %arg1[%get3A_156, %get3A_157] : memref<256x768xf32, #tpu.memory_space<vmem>>, vector<256x64xf32>
    %dot_general3A_159 = arith.constant dense<0.000000e+00> : vector<256x2048xf32>
    %dot_general3A_160 = tpu.matmul %get3A_158, %get3A_1, %dot_general3A_159 {dimension_numbers = #tpu.dot_dimension_numbers<[1], [1], [0], [0], [0, 0, 1, 0], [], []>, transpose_lhs_hint = false} : vector<256x64xf32>, vector<2048x64xf32>, vector<256x2048xf32> -> vector<256x2048xf32>
    %max3A_161 = arith.constant 0.000000e+00 : f32
    %max3A_162 = vector.broadcast %max3A_161 : f32 to vector<256x2048xf32>
    %max3A_163 = arith.maximumf %dot_general3A_160, %max3A_162 : vector<256x2048xf32>
    %convert_element_type3A_164 = arith.truncf %max3A_163 : vector<256x2048xf32> to vector<256x2048xbf16>
    %convert_element_type3A_165 = arith.extf %convert_element_type3A_164 : vector<256x2048xbf16> to vector<256x2048xf32>
    %slice3A_166 = vector.extract_strided_slice %convert_element_type3A_6 {offsets = [0, 11], sizes = [1, 1], strides = [1, 1]} : vector<1x12xf32> to vector<1x1xf32>
    %mul3A_167 = vector.broadcast %slice3A_166 : vector<1x1xf32> to vector<256x2048xf32>
    %mul3A_168 = arith.mulf %convert_element_type3A_165, %mul3A_167 : vector<256x2048xf32>
    %add3A_169 = arith.addf %add3A_155, %mul3A_168 : vector<256x2048xf32>
    %iota3A = tpu.iota {dimensions = array<i32: 0>} : vector<256x1xi32>
    %add3A_170 = arith.constant 1792 : i32
    %add3A_171 = vector.broadcast %add3A_170 : i32 to vector<256x1xi32>
    %add3A_172 = arith.addi %add3A_171, %iota3A : vector<256x1xi32>
    %iota3A_173 = tpu.iota {dimensions = array<i32: 1>} : vector<256x2048xi32>
    %sub3A = arith.constant 15 : i32
    %sub3A_174 = vector.broadcast %sub3A : i32 to vector<256x1xi32>
    %sub3A_175 = arith.subi %add3A_172, %sub3A_174 : vector<256x1xi32>
    %max3A_176 = arith.constant 0 : i32
    %max3A_177 = vector.broadcast %max3A_176 : i32 to vector<256x1xi32>
    %max3A_178 = arith.maxsi %sub3A_175, %max3A_177 : vector<256x1xi32>
    %ge3A = vector.broadcast %max3A_178 : vector<256x1xi32> to vector<256x2048xi32>
    %ge3A_179 = arith.cmpi sge, %iota3A_173, %ge3A : vector<256x2048xi32>
    %add3A_180 = arith.constant 15 : i32
    %add3A_181 = vector.broadcast %add3A_180 : i32 to vector<256x1xi32>
    %add3A_182 = arith.addi %max3A_178, %add3A_181 : vector<256x1xi32>
    %le3A = vector.broadcast %add3A_182 : vector<256x1xi32> to vector<256x2048xi32>
    %le3A_183 = arith.cmpi sle, %iota3A_173, %le3A : vector<256x2048xi32>
    %and3A = arith.andi %ge3A_179, %le3A_183 : vector<256x2048xi1>
    %gt3A = vector.broadcast %add3A_172 : vector<256x1xi32> to vector<256x2048xi32>
    %gt3A_184 = arith.cmpi sgt, %iota3A_173, %gt3A : vector<256x2048xi32>
    %jit3A = arith.constant 0xFF800000 : f32
    %broadcast_in_dim3A_185 = vector.broadcast %jit3A : f32 to vector<256x2048xf32>
    %select_n3A = arith.select %gt3A_184, %broadcast_in_dim3A_185, %add3A_169 : vector<256x2048xi1>, vector<256x2048xf32>
    %bitcast_convert_type3A = tpu.bitcast %select_n3A : vector<256x2048xf32> -> vector<256x2048xi32>
    %lt3A = arith.constant 0 : i32
    %lt3A_186 = vector.broadcast %lt3A : i32 to vector<256x2048xi32>
    %lt3A_187 = arith.cmpi slt, %bitcast_convert_type3A, %lt3A_186 : vector<256x2048xi32>
    %xor3A = arith.constant 2147483647 : i32
    %xor3A_188 = vector.broadcast %xor3A : i32 to vector<256x2048xi32>
    %xor3A_189 = arith.xori %bitcast_convert_type3A, %xor3A_188 : vector<256x2048xi32>
    %select_n3A_190 = arith.select %lt3A_187, %xor3A_189, %bitcast_convert_type3A : vector<256x2048xi1>, vector<256x2048xi32>
    %jit3A_191 = arith.constant -2147483648 : i32
    %broadcast_in_dim3A_192 = vector.broadcast %jit3A_191 : i32 to vector<256x2048xi32>
    %select_n3A_193 = arith.select %and3A, %broadcast_in_dim3A_192, %select_n3A_190 : vector<256x2048xi1>, vector<256x2048xi32>
    %iota3A_194 = tpu.iota {dimensions = array<i32: 1>} : vector<256x16xi32>
    %broadcast_in_dim3A_195 = arith.constant 0 : i32
    %broadcast_in_dim3A_196 = vector.broadcast %broadcast_in_dim3A_195 : i32 to vector<256x16xi32>
    %scan3A = arith.constant 0 : i32
    %scan3A_197 = arith.constant 16 : i32
    %scan3A_198 = arith.addi %scan3A, %scan3A_197 : i32
    %scan3A_199 = arith.constant 1 : i32
    %scan3A_200:2 = scf.for %scan3A_209 = %scan3A to %scan3A_198 step %scan3A_199 iter_args(%scan3A_210 = %select_n3A_193, %scan3A_211 = %broadcast_in_dim3A_196) -> (vector<256x2048xi32>, vector<256x16xi32>)  : i32 {
      %reduce_max3A = arith.constant dense<-2147483648> : vector<256xi32>
      %reduce_max3A_212 = vector.multi_reduction <maxsi>, %scan3A_210, %reduce_max3A [1] : vector<256x2048xi32> to vector<256xi32>
      %broadcast_in_dim3A_213 = vector.shape_cast %reduce_max3A_212 : vector<256xi32> to vector<256x1xi32>
      %eq3A = vector.broadcast %broadcast_in_dim3A_213 : vector<256x1xi32> to vector<256x2048xi32>
      %eq3A_214 = arith.cmpi eq, %scan3A_210, %eq3A : vector<256x2048xi32>
      %jit3A_215 = arith.constant 2048 : i32
      %broadcast_in_dim3A_216 = vector.broadcast %jit3A_215 : i32 to vector<256x2048xi32>
      %select_n3A_217 = arith.select %eq3A_214, %iota3A_173, %broadcast_in_dim3A_216 : vector<256x2048xi1>, vector<256x2048xi32>
      %reduce_min3A = arith.constant dense<2147483647> : vector<256xi32>
      %reduce_min3A_218 = vector.multi_reduction <minsi>, %select_n3A_217, %reduce_min3A [1] : vector<256x2048xi32> to vector<256xi32>
      %broadcast_in_dim3A_219 = vector.shape_cast %reduce_min3A_218 : vector<256xi32> to vector<256x1xi32>
      %eq3A_220 = vector.broadcast %broadcast_in_dim3A_219 : vector<256x1xi32> to vector<256x2048xi32>
      %eq3A_221 = arith.cmpi eq, %iota3A_173, %eq3A_220 : vector<256x2048xi32>
      %jit3A_222 = arith.constant -2147483648 : i32
      %broadcast_in_dim3A_223 = vector.broadcast %jit3A_222 : i32 to vector<256x2048xi32>
      %select_n3A_224 = arith.select %eq3A_221, %broadcast_in_dim3A_223, %scan3A_210 : vector<256x2048xi1>, vector<256x2048xi32>
      %eq3A_225 = vector.broadcast %scan3A_209 : i32 to vector<256x16xi32>
      %eq3A_226 = arith.cmpi eq, %iota3A_194, %eq3A_225 : vector<256x16xi32>
      %broadcast_in_dim3A_227 = vector.shape_cast %broadcast_in_dim3A_219 : vector<256x1xi32> to vector<256x1xi32>
      %broadcast_in_dim3A_228 = vector.broadcast %broadcast_in_dim3A_227 : vector<256x1xi32> to vector<256x16xi32>
      %select_n3A_229 = arith.select %eq3A_226, %broadcast_in_dim3A_228, %scan3A_211 : vector<256x16xi1>, vector<256x16xi32>
      scf.yield %select_n3A_224, %select_n3A_229 : vector<256x2048xi32>, vector<256x16xi32>
    }
    %scan3A_201 = arith.constant 16 : i32
    %add3A_202 = vector.broadcast %max3A_178 : vector<256x1xi32> to vector<256x16xi32>
    %add3A_203 = arith.addi %add3A_202, %iota3A_194 : vector<256x16xi32>
    %swap3A = arith.constant 0 : index
    %swap3A_204 = arith.constant 0 : index
    %swap3A_205 = vector.load %arg4[%swap3A, %swap3A_204] : memref<256x32xi32, #tpu.memory_space<vmem>>, vector<256x16xi32>
    tpu.vector_store %arg4[%swap3A, %swap3A_204], %add3A_203 {strides = array<i32>} : memref<256x32xi32, #tpu.memory_space<vmem>>, vector<256x16xi32>,
    %swap3A_206 = arith.constant 0 : index
    %swap3A_207 = arith.constant 16 : index
    %swap3A_208 = vector.load %arg4[%swap3A_206, %swap3A_207] : memref<256x32xi32, #tpu.memory_space<vmem>>, vector<256x16xi32>
    tpu.vector_store %arg4[%swap3A_206, %swap3A_207], %scan3A_200#1 {strides = array<i32>} : memref<256x32xi32, #tpu.memory_space<vmem>>, vector<256x16xi32>,
    return
  }
  func.func @transform_0(%arg0: i32) -> (i32, i32) {
    %c7_i32 = arith.constant 7 : i32
    %c0_i32 = arith.constant 0 : i32
    %c0_i32_0 = arith.constant 0 : i32
    return %c7_i32, %c0_i32 : i32, i32
  }
  func.func @transform_1(%arg0: i32) -> (i32, i32) {
    %c0_i32 = arith.constant 0 : i32
    %c0_i32_0 = arith.constant 0 : i32
    %c0_i32_1 = arith.constant 0 : i32
    return %c0_i32, %c0_i32_0 : i32, i32
  }
  func.func @transform_2(%arg0: i32) -> (i32, i32) {
    %c0_i32 = arith.constant 0 : i32
    %c0_i32_0 = arith.constant 0 : i32
    %c0_i32_1 = arith.constant 0 : i32
    return %c0_i32, %c0_i32_0 : i32, i32
  }
  func.func @transform_3(%arg0: i32) -> (i32, i32) {
    %c0_i32 = arith.constant 0 : i32
    %c0_i32_0 = arith.constant 0 : i32
    %c0_i32_1 = arith.constant 0 : i32
    return %c0_i32, %c0_i32_0 : i32, i32
  }
}

module attributes {stable_mosaic.version = 14 : i64} {
  func.func @_topk_body(%arg0: i32, %arg1: memref<256x768xf32, #tpu.memory_space<vmem>>, %arg2: memref<1536x64xf32, #tpu.memory_space<vmem>>, %arg3: memref<1x12xf32, #tpu.memory_space<vmem>>, %arg4: memref<256x32xi32, #tpu.memory_space<vmem>>) attributes {dimension_semantics = [#tpu.dimension_semantics<arbitrary>], iteration_bounds = array<i64: 1>, scalar_prefetch = 0 : i64, scratch_operands = 0 : i64, tpu.core_type = #tpu.core_type<tc>, window_params = [{transform_indices = @transform_0, window_bounds = array<i64: 256, 768>}, {transform_indices = @transform_1, window_bounds = array<i64: 1536, 64>}, {pipeline_mode = #tpu.pipeline_mode<synchronous>, transform_indices = @transform_2, window_bounds = array<i64: 1, 12>}, {pipeline_mode = #tpu.pipeline_mode<synchronous>, transform_indices = @transform_3, window_bounds = array<i64: 256, 32>}]} {
    %get3A = arith.constant 0 : index
    %get3A_0 = arith.constant 0 : index
    %get3A_1 = vector.load %arg2[%get3A, %get3A_0] : memref<1536x64xf32, #tpu.memory_space<vmem>>, vector<1536x64xf32>
    %broadcast_in_dim3A = arith.constant 0.000000e+00 : f32
    %broadcast_in_dim3A_2 = vector.broadcast %broadcast_in_dim3A : f32 to vector<256x1536xf32>
    %get3A_3 = arith.constant 0 : index
    %get3A_4 = arith.constant 0 : index
    %get3A_5 = vector.load %arg3[%get3A_3, %get3A_4] : memref<1x12xf32, #tpu.memory_space<vmem>>, vector<1x12xf32>
    %convert_element_type3A = arith.truncf %get3A_5 : vector<1x12xf32> to vector<1x12xbf16>
    %convert_element_type3A_6 = arith.extf %convert_element_type3A : vector<1x12xbf16> to vector<1x12xf32>
    %get3A_7 = arith.constant 0 : index
    %get3A_8 = arith.constant 0 : index
    %get3A_9 = vector.load %arg1[%get3A_7, %get3A_8] : memref<256x768xf32, #tpu.memory_space<vmem>>, vector<256x64xf32>
    %dot_general3A = arith.constant dense<0.000000e+00> : vector<256x1536xf32>
    %dot_general3A_10 = tpu.matmul %get3A_9, %get3A_1, %dot_general3A {dimension_numbers = #tpu.dot_dimension_numbers<[1], [1], [0], [0], [0, 0, 1, 0], [], []>, transpose_lhs_hint = false} : vector<256x64xf32>, vector<1536x64xf32>, vector<256x1536xf32> -> vector<256x1536xf32>
    %max3A = arith.constant 0.000000e+00 : f32
    %max3A_11 = vector.broadcast %max3A : f32 to vector<256x1536xf32>
    %max3A_12 = arith.maximumf %dot_general3A_10, %max3A_11 : vector<256x1536xf32>
    %convert_element_type3A_13 = arith.truncf %max3A_12 : vector<256x1536xf32> to vector<256x1536xbf16>
    %convert_element_type3A_14 = arith.extf %convert_element_type3A_13 : vector<256x1536xbf16> to vector<256x1536xf32>
    %slice3A = vector.extract_strided_slice %convert_element_type3A_6 {offsets = [0, 0], sizes = [1, 1], strides = [1, 1]} : vector<1x12xf32> to vector<1x1xf32>
    %mul3A = vector.broadcast %slice3A : vector<1x1xf32> to vector<256x1536xf32>
    %mul3A_15 = arith.mulf %convert_element_type3A_14, %mul3A : vector<256x1536xf32>
    %add3A = arith.addf %broadcast_in_dim3A_2, %mul3A_15 : vector<256x1536xf32>
    %get3A_16 = arith.constant 0 : index
    %get3A_17 = arith.constant 64 : index
    %get3A_18 = vector.load %arg1[%get3A_16, %get3A_17] : memref<256x768xf32, #tpu.memory_space<vmem>>, vector<256x64xf32>
    %dot_general3A_19 = arith.constant dense<0.000000e+00> : vector<256x1536xf32>
    %dot_general3A_20 = tpu.matmul %get3A_18, %get3A_1, %dot_general3A_19 {dimension_numbers = #tpu.dot_dimension_numbers<[1], [1], [0], [0], [0, 0, 1, 0], [], []>, transpose_lhs_hint = false} : vector<256x64xf32>, vector<1536x64xf32>, vector<256x1536xf32> -> vector<256x1536xf32>
    %max3A_21 = arith.constant 0.000000e+00 : f32
    %max3A_22 = vector.broadcast %max3A_21 : f32 to vector<256x1536xf32>
    %max3A_23 = arith.maximumf %dot_general3A_20, %max3A_22 : vector<256x1536xf32>
    %convert_element_type3A_24 = arith.truncf %max3A_23 : vector<256x1536xf32> to vector<256x1536xbf16>
    %convert_element_type3A_25 = arith.extf %convert_element_type3A_24 : vector<256x1536xbf16> to vector<256x1536xf32>
    %slice3A_26 = vector.extract_strided_slice %convert_element_type3A_6 {offsets = [0, 1], sizes = [1, 1], strides = [1, 1]} : vector<1x12xf32> to vector<1x1xf32>
    %mul3A_27 = vector.broadcast %slice3A_26 : vector<1x1xf32> to vector<256x1536xf32>
    %mul3A_28 = arith.mulf %convert_element_type3A_25, %mul3A_27 : vector<256x1536xf32>
    %add3A_29 = arith.addf %add3A, %mul3A_28 : vector<256x1536xf32>
    %get3A_30 = arith.constant 0 : index
    %get3A_31 = arith.constant 128 : index
    %get3A_32 = vector.load %arg1[%get3A_30, %get3A_31] : memref<256x768xf32, #tpu.memory_space<vmem>>, vector<256x64xf32>
    %dot_general3A_33 = arith.constant dense<0.000000e+00> : vector<256x1536xf32>
    %dot_general3A_34 = tpu.matmul %get3A_32, %get3A_1, %dot_general3A_33 {dimension_numbers = #tpu.dot_dimension_numbers<[1], [1], [0], [0], [0, 0, 1, 0], [], []>, transpose_lhs_hint = false} : vector<256x64xf32>, vector<1536x64xf32>, vector<256x1536xf32> -> vector<256x1536xf32>
    %max3A_35 = arith.constant 0.000000e+00 : f32
    %max3A_36 = vector.broadcast %max3A_35 : f32 to vector<256x1536xf32>
    %max3A_37 = arith.maximumf %dot_general3A_34, %max3A_36 : vector<256x1536xf32>
    %convert_element_type3A_38 = arith.truncf %max3A_37 : vector<256x1536xf32> to vector<256x1536xbf16>
    %convert_element_type3A_39 = arith.extf %convert_element_type3A_38 : vector<256x1536xbf16> to vector<256x1536xf32>
    %slice3A_40 = vector.extract_strided_slice %convert_element_type3A_6 {offsets = [0, 2], sizes = [1, 1], strides = [1, 1]} : vector<1x12xf32> to vector<1x1xf32>
    %mul3A_41 = vector.broadcast %slice3A_40 : vector<1x1xf32> to vector<256x1536xf32>
    %mul3A_42 = arith.mulf %convert_element_type3A_39, %mul3A_41 : vector<256x1536xf32>
    %add3A_43 = arith.addf %add3A_29, %mul3A_42 : vector<256x1536xf32>
    %get3A_44 = arith.constant 0 : index
    %get3A_45 = arith.constant 192 : index
    %get3A_46 = vector.load %arg1[%get3A_44, %get3A_45] : memref<256x768xf32, #tpu.memory_space<vmem>>, vector<256x64xf32>
    %dot_general3A_47 = arith.constant dense<0.000000e+00> : vector<256x1536xf32>
    %dot_general3A_48 = tpu.matmul %get3A_46, %get3A_1, %dot_general3A_47 {dimension_numbers = #tpu.dot_dimension_numbers<[1], [1], [0], [0], [0, 0, 1, 0], [], []>, transpose_lhs_hint = false} : vector<256x64xf32>, vector<1536x64xf32>, vector<256x1536xf32> -> vector<256x1536xf32>
    %max3A_49 = arith.constant 0.000000e+00 : f32
    %max3A_50 = vector.broadcast %max3A_49 : f32 to vector<256x1536xf32>
    %max3A_51 = arith.maximumf %dot_general3A_48, %max3A_50 : vector<256x1536xf32>
    %convert_element_type3A_52 = arith.truncf %max3A_51 : vector<256x1536xf32> to vector<256x1536xbf16>
    %convert_element_type3A_53 = arith.extf %convert_element_type3A_52 : vector<256x1536xbf16> to vector<256x1536xf32>
    %slice3A_54 = vector.extract_strided_slice %convert_element_type3A_6 {offsets = [0, 3], sizes = [1, 1], strides = [1, 1]} : vector<1x12xf32> to vector<1x1xf32>
    %mul3A_55 = vector.broadcast %slice3A_54 : vector<1x1xf32> to vector<256x1536xf32>
    %mul3A_56 = arith.mulf %convert_element_type3A_53, %mul3A_55 : vector<256x1536xf32>
    %add3A_57 = arith.addf %add3A_43, %mul3A_56 : vector<256x1536xf32>
    %get3A_58 = arith.constant 0 : index
    %get3A_59 = arith.constant 256 : index
    %get3A_60 = vector.load %arg1[%get3A_58, %get3A_59] : memref<256x768xf32, #tpu.memory_space<vmem>>, vector<256x64xf32>
    %dot_general3A_61 = arith.constant dense<0.000000e+00> : vector<256x1536xf32>
    %dot_general3A_62 = tpu.matmul %get3A_60, %get3A_1, %dot_general3A_61 {dimension_numbers = #tpu.dot_dimension_numbers<[1], [1], [0], [0], [0, 0, 1, 0], [], []>, transpose_lhs_hint = false} : vector<256x64xf32>, vector<1536x64xf32>, vector<256x1536xf32> -> vector<256x1536xf32>
    %max3A_63 = arith.constant 0.000000e+00 : f32
    %max3A_64 = vector.broadcast %max3A_63 : f32 to vector<256x1536xf32>
    %max3A_65 = arith.maximumf %dot_general3A_62, %max3A_64 : vector<256x1536xf32>
    %convert_element_type3A_66 = arith.truncf %max3A_65 : vector<256x1536xf32> to vector<256x1536xbf16>
    %convert_element_type3A_67 = arith.extf %convert_element_type3A_66 : vector<256x1536xbf16> to vector<256x1536xf32>
    %slice3A_68 = vector.extract_strided_slice %convert_element_type3A_6 {offsets = [0, 4], sizes = [1, 1], strides = [1, 1]} : vector<1x12xf32> to vector<1x1xf32>
    %mul3A_69 = vector.broadcast %slice3A_68 : vector<1x1xf32> to vector<256x1536xf32>
    %mul3A_70 = arith.mulf %convert_element_type3A_67, %mul3A_69 : vector<256x1536xf32>
    %add3A_71 = arith.addf %add3A_57, %mul3A_70 : vector<256x1536xf32>
    %get3A_72 = arith.constant 0 : index
    %get3A_73 = arith.constant 320 : index
    %get3A_74 = vector.load %arg1[%get3A_72, %get3A_73] : memref<256x768xf32, #tpu.memory_space<vmem>>, vector<256x64xf32>
    %dot_general3A_75 = arith.constant dense<0.000000e+00> : vector<256x1536xf32>
    %dot_general3A_76 = tpu.matmul %get3A_74, %get3A_1, %dot_general3A_75 {dimension_numbers = #tpu.dot_dimension_numbers<[1], [1], [0], [0], [0, 0, 1, 0], [], []>, transpose_lhs_hint = false} : vector<256x64xf32>, vector<1536x64xf32>, vector<256x1536xf32> -> vector<256x1536xf32>
    %max3A_77 = arith.constant 0.000000e+00 : f32
    %max3A_78 = vector.broadcast %max3A_77 : f32 to vector<256x1536xf32>
    %max3A_79 = arith.maximumf %dot_general3A_76, %max3A_78 : vector<256x1536xf32>
    %convert_element_type3A_80 = arith.truncf %max3A_79 : vector<256x1536xf32> to vector<256x1536xbf16>
    %convert_element_type3A_81 = arith.extf %convert_element_type3A_80 : vector<256x1536xbf16> to vector<256x1536xf32>
    %slice3A_82 = vector.extract_strided_slice %convert_element_type3A_6 {offsets = [0, 5], sizes = [1, 1], strides = [1, 1]} : vector<1x12xf32> to vector<1x1xf32>
    %mul3A_83 = vector.broadcast %slice3A_82 : vector<1x1xf32> to vector<256x1536xf32>
    %mul3A_84 = arith.mulf %convert_element_type3A_81, %mul3A_83 : vector<256x1536xf32>
    %add3A_85 = arith.addf %add3A_71, %mul3A_84 : vector<256x1536xf32>
    %get3A_86 = arith.constant 0 : index
    %get3A_87 = arith.constant 384 : index
    %get3A_88 = vector.load %arg1[%get3A_86, %get3A_87] : memref<256x768xf32, #tpu.memory_space<vmem>>, vector<256x64xf32>
    %dot_general3A_89 = arith.constant dense<0.000000e+00> : vector<256x1536xf32>
    %dot_general3A_90 = tpu.matmul %get3A_88, %get3A_1, %dot_general3A_89 {dimension_numbers = #tpu.dot_dimension_numbers<[1], [1], [0], [0], [0, 0, 1, 0], [], []>, transpose_lhs_hint = false} : vector<256x64xf32>, vector<1536x64xf32>, vector<256x1536xf32> -> vector<256x1536xf32>
    %max3A_91 = arith.constant 0.000000e+00 : f32
    %max3A_92 = vector.broadcast %max3A_91 : f32 to vector<256x1536xf32>
    %max3A_93 = arith.maximumf %dot_general3A_90, %max3A_92 : vector<256x1536xf32>
    %convert_element_type3A_94 = arith.truncf %max3A_93 : vector<256x1536xf32> to vector<256x1536xbf16>
    %convert_element_type3A_95 = arith.extf %convert_element_type3A_94 : vector<256x1536xbf16> to vector<256x1536xf32>
    %slice3A_96 = vector.extract_strided_slice %convert_element_type3A_6 {offsets = [0, 6], sizes = [1, 1], strides = [1, 1]} : vector<1x12xf32> to vector<1x1xf32>
    %mul3A_97 = vector.broadcast %slice3A_96 : vector<1x1xf32> to vector<256x1536xf32>
    %mul3A_98 = arith.mulf %convert_element_type3A_95, %mul3A_97 : vector<256x1536xf32>
    %add3A_99 = arith.addf %add3A_85, %mul3A_98 : vector<256x1536xf32>
    %get3A_100 = arith.constant 0 : index
    %get3A_101 = arith.constant 448 : index
    %get3A_102 = vector.load %arg1[%get3A_100, %get3A_101] : memref<256x768xf32, #tpu.memory_space<vmem>>, vector<256x64xf32>
    %dot_general3A_103 = arith.constant dense<0.000000e+00> : vector<256x1536xf32>
    %dot_general3A_104 = tpu.matmul %get3A_102, %get3A_1, %dot_general3A_103 {dimension_numbers = #tpu.dot_dimension_numbers<[1], [1], [0], [0], [0, 0, 1, 0], [], []>, transpose_lhs_hint = false} : vector<256x64xf32>, vector<1536x64xf32>, vector<256x1536xf32> -> vector<256x1536xf32>
    %max3A_105 = arith.constant 0.000000e+00 : f32
    %max3A_106 = vector.broadcast %max3A_105 : f32 to vector<256x1536xf32>
    %max3A_107 = arith.maximumf %dot_general3A_104, %max3A_106 : vector<256x1536xf32>
    %convert_element_type3A_108 = arith.truncf %max3A_107 : vector<256x1536xf32> to vector<256x1536xbf16>
    %convert_element_type3A_109 = arith.extf %convert_element_type3A_108 : vector<256x1536xbf16> to vector<256x1536xf32>
    %slice3A_110 = vector.extract_strided_slice %convert_element_type3A_6 {offsets = [0, 7], sizes = [1, 1], strides = [1, 1]} : vector<1x12xf32> to vector<1x1xf32>
    %mul3A_111 = vector.broadcast %slice3A_110 : vector<1x1xf32> to vector<256x1536xf32>
    %mul3A_112 = arith.mulf %convert_element_type3A_109, %mul3A_111 : vector<256x1536xf32>
    %add3A_113 = arith.addf %add3A_99, %mul3A_112 : vector<256x1536xf32>
    %get3A_114 = arith.constant 0 : index
    %get3A_115 = arith.constant 512 : index
    %get3A_116 = vector.load %arg1[%get3A_114, %get3A_115] : memref<256x768xf32, #tpu.memory_space<vmem>>, vector<256x64xf32>
    %dot_general3A_117 = arith.constant dense<0.000000e+00> : vector<256x1536xf32>
    %dot_general3A_118 = tpu.matmul %get3A_116, %get3A_1, %dot_general3A_117 {dimension_numbers = #tpu.dot_dimension_numbers<[1], [1], [0], [0], [0, 0, 1, 0], [], []>, transpose_lhs_hint = false} : vector<256x64xf32>, vector<1536x64xf32>, vector<256x1536xf32> -> vector<256x1536xf32>
    %max3A_119 = arith.constant 0.000000e+00 : f32
    %max3A_120 = vector.broadcast %max3A_119 : f32 to vector<256x1536xf32>
    %max3A_121 = arith.maximumf %dot_general3A_118, %max3A_120 : vector<256x1536xf32>
    %convert_element_type3A_122 = arith.truncf %max3A_121 : vector<256x1536xf32> to vector<256x1536xbf16>
    %convert_element_type3A_123 = arith.extf %convert_element_type3A_122 : vector<256x1536xbf16> to vector<256x1536xf32>
    %slice3A_124 = vector.extract_strided_slice %convert_element_type3A_6 {offsets = [0, 8], sizes = [1, 1], strides = [1, 1]} : vector<1x12xf32> to vector<1x1xf32>
    %mul3A_125 = vector.broadcast %slice3A_124 : vector<1x1xf32> to vector<256x1536xf32>
    %mul3A_126 = arith.mulf %convert_element_type3A_123, %mul3A_125 : vector<256x1536xf32>
    %add3A_127 = arith.addf %add3A_113, %mul3A_126 : vector<256x1536xf32>
    %get3A_128 = arith.constant 0 : index
    %get3A_129 = arith.constant 576 : index
    %get3A_130 = vector.load %arg1[%get3A_128, %get3A_129] : memref<256x768xf32, #tpu.memory_space<vmem>>, vector<256x64xf32>
    %dot_general3A_131 = arith.constant dense<0.000000e+00> : vector<256x1536xf32>
    %dot_general3A_132 = tpu.matmul %get3A_130, %get3A_1, %dot_general3A_131 {dimension_numbers = #tpu.dot_dimension_numbers<[1], [1], [0], [0], [0, 0, 1, 0], [], []>, transpose_lhs_hint = false} : vector<256x64xf32>, vector<1536x64xf32>, vector<256x1536xf32> -> vector<256x1536xf32>
    %max3A_133 = arith.constant 0.000000e+00 : f32
    %max3A_134 = vector.broadcast %max3A_133 : f32 to vector<256x1536xf32>
    %max3A_135 = arith.maximumf %dot_general3A_132, %max3A_134 : vector<256x1536xf32>
    %convert_element_type3A_136 = arith.truncf %max3A_135 : vector<256x1536xf32> to vector<256x1536xbf16>
    %convert_element_type3A_137 = arith.extf %convert_element_type3A_136 : vector<256x1536xbf16> to vector<256x1536xf32>
    %slice3A_138 = vector.extract_strided_slice %convert_element_type3A_6 {offsets = [0, 9], sizes = [1, 1], strides = [1, 1]} : vector<1x12xf32> to vector<1x1xf32>
    %mul3A_139 = vector.broadcast %slice3A_138 : vector<1x1xf32> to vector<256x1536xf32>
    %mul3A_140 = arith.mulf %convert_element_type3A_137, %mul3A_139 : vector<256x1536xf32>
    %add3A_141 = arith.addf %add3A_127, %mul3A_140 : vector<256x1536xf32>
    %get3A_142 = arith.constant 0 : index
    %get3A_143 = arith.constant 640 : index
    %get3A_144 = vector.load %arg1[%get3A_142, %get3A_143] : memref<256x768xf32, #tpu.memory_space<vmem>>, vector<256x64xf32>
    %dot_general3A_145 = arith.constant dense<0.000000e+00> : vector<256x1536xf32>
    %dot_general3A_146 = tpu.matmul %get3A_144, %get3A_1, %dot_general3A_145 {dimension_numbers = #tpu.dot_dimension_numbers<[1], [1], [0], [0], [0, 0, 1, 0], [], []>, transpose_lhs_hint = false} : vector<256x64xf32>, vector<1536x64xf32>, vector<256x1536xf32> -> vector<256x1536xf32>
    %max3A_147 = arith.constant 0.000000e+00 : f32
    %max3A_148 = vector.broadcast %max3A_147 : f32 to vector<256x1536xf32>
    %max3A_149 = arith.maximumf %dot_general3A_146, %max3A_148 : vector<256x1536xf32>
    %convert_element_type3A_150 = arith.truncf %max3A_149 : vector<256x1536xf32> to vector<256x1536xbf16>
    %convert_element_type3A_151 = arith.extf %convert_element_type3A_150 : vector<256x1536xbf16> to vector<256x1536xf32>
    %slice3A_152 = vector.extract_strided_slice %convert_element_type3A_6 {offsets = [0, 10], sizes = [1, 1], strides = [1, 1]} : vector<1x12xf32> to vector<1x1xf32>
    %mul3A_153 = vector.broadcast %slice3A_152 : vector<1x1xf32> to vector<256x1536xf32>
    %mul3A_154 = arith.mulf %convert_element_type3A_151, %mul3A_153 : vector<256x1536xf32>
    %add3A_155 = arith.addf %add3A_141, %mul3A_154 : vector<256x1536xf32>
    %get3A_156 = arith.constant 0 : index
    %get3A_157 = arith.constant 704 : index
    %get3A_158 = vector.load %arg1[%get3A_156, %get3A_157] : memref<256x768xf32, #tpu.memory_space<vmem>>, vector<256x64xf32>
    %dot_general3A_159 = arith.constant dense<0.000000e+00> : vector<256x1536xf32>
    %dot_general3A_160 = tpu.matmul %get3A_158, %get3A_1, %dot_general3A_159 {dimension_numbers = #tpu.dot_dimension_numbers<[1], [1], [0], [0], [0, 0, 1, 0], [], []>, transpose_lhs_hint = false} : vector<256x64xf32>, vector<1536x64xf32>, vector<256x1536xf32> -> vector<256x1536xf32>
    %max3A_161 = arith.constant 0.000000e+00 : f32
    %max3A_162 = vector.broadcast %max3A_161 : f32 to vector<256x1536xf32>
    %max3A_163 = arith.maximumf %dot_general3A_160, %max3A_162 : vector<256x1536xf32>
    %convert_element_type3A_164 = arith.truncf %max3A_163 : vector<256x1536xf32> to vector<256x1536xbf16>
    %convert_element_type3A_165 = arith.extf %convert_element_type3A_164 : vector<256x1536xbf16> to vector<256x1536xf32>
    %slice3A_166 = vector.extract_strided_slice %convert_element_type3A_6 {offsets = [0, 11], sizes = [1, 1], strides = [1, 1]} : vector<1x12xf32> to vector<1x1xf32>
    %mul3A_167 = vector.broadcast %slice3A_166 : vector<1x1xf32> to vector<256x1536xf32>
    %mul3A_168 = arith.mulf %convert_element_type3A_165, %mul3A_167 : vector<256x1536xf32>
    %add3A_169 = arith.addf %add3A_155, %mul3A_168 : vector<256x1536xf32>
    %iota3A = tpu.iota {dimensions = array<i32: 0>} : vector<256x1xi32>
    %add3A_170 = arith.constant 1280 : i32
    %add3A_171 = vector.broadcast %add3A_170 : i32 to vector<256x1xi32>
    %add3A_172 = arith.addi %add3A_171, %iota3A : vector<256x1xi32>
    %iota3A_173 = tpu.iota {dimensions = array<i32: 1>} : vector<256x1536xi32>
    %sub3A = arith.constant 15 : i32
    %sub3A_174 = vector.broadcast %sub3A : i32 to vector<256x1xi32>
    %sub3A_175 = arith.subi %add3A_172, %sub3A_174 : vector<256x1xi32>
    %max3A_176 = arith.constant 0 : i32
    %max3A_177 = vector.broadcast %max3A_176 : i32 to vector<256x1xi32>
    %max3A_178 = arith.maxsi %sub3A_175, %max3A_177 : vector<256x1xi32>
    %ge3A = vector.broadcast %max3A_178 : vector<256x1xi32> to vector<256x1536xi32>
    %ge3A_179 = arith.cmpi sge, %iota3A_173, %ge3A : vector<256x1536xi32>
    %add3A_180 = arith.constant 15 : i32
    %add3A_181 = vector.broadcast %add3A_180 : i32 to vector<256x1xi32>
    %add3A_182 = arith.addi %max3A_178, %add3A_181 : vector<256x1xi32>
    %le3A = vector.broadcast %add3A_182 : vector<256x1xi32> to vector<256x1536xi32>
    %le3A_183 = arith.cmpi sle, %iota3A_173, %le3A : vector<256x1536xi32>
    %and3A = arith.andi %ge3A_179, %le3A_183 : vector<256x1536xi1>
    %gt3A = vector.broadcast %add3A_172 : vector<256x1xi32> to vector<256x1536xi32>
    %gt3A_184 = arith.cmpi sgt, %iota3A_173, %gt3A : vector<256x1536xi32>
    %jit3A = arith.constant 0xFF800000 : f32
    %broadcast_in_dim3A_185 = vector.broadcast %jit3A : f32 to vector<256x1536xf32>
    %select_n3A = arith.select %gt3A_184, %broadcast_in_dim3A_185, %add3A_169 : vector<256x1536xi1>, vector<256x1536xf32>
    %bitcast_convert_type3A = tpu.bitcast %select_n3A : vector<256x1536xf32> -> vector<256x1536xi32>
    %lt3A = arith.constant 0 : i32
    %lt3A_186 = vector.broadcast %lt3A : i32 to vector<256x1536xi32>
    %lt3A_187 = arith.cmpi slt, %bitcast_convert_type3A, %lt3A_186 : vector<256x1536xi32>
    %xor3A = arith.constant 2147483647 : i32
    %xor3A_188 = vector.broadcast %xor3A : i32 to vector<256x1536xi32>
    %xor3A_189 = arith.xori %bitcast_convert_type3A, %xor3A_188 : vector<256x1536xi32>
    %select_n3A_190 = arith.select %lt3A_187, %xor3A_189, %bitcast_convert_type3A : vector<256x1536xi1>, vector<256x1536xi32>
    %jit3A_191 = arith.constant -2147483648 : i32
    %broadcast_in_dim3A_192 = vector.broadcast %jit3A_191 : i32 to vector<256x1536xi32>
    %select_n3A_193 = arith.select %and3A, %broadcast_in_dim3A_192, %select_n3A_190 : vector<256x1536xi1>, vector<256x1536xi32>
    %iota3A_194 = tpu.iota {dimensions = array<i32: 1>} : vector<256x16xi32>
    %broadcast_in_dim3A_195 = arith.constant 0 : i32
    %broadcast_in_dim3A_196 = vector.broadcast %broadcast_in_dim3A_195 : i32 to vector<256x16xi32>
    %scan3A = arith.constant 0 : i32
    %scan3A_197 = arith.constant 16 : i32
    %scan3A_198 = arith.addi %scan3A, %scan3A_197 : i32
    %scan3A_199 = arith.constant 1 : i32
    %scan3A_200:2 = scf.for %scan3A_209 = %scan3A to %scan3A_198 step %scan3A_199 iter_args(%scan3A_210 = %select_n3A_193, %scan3A_211 = %broadcast_in_dim3A_196) -> (vector<256x1536xi32>, vector<256x16xi32>)  : i32 {
      %reduce_max3A = arith.constant dense<-2147483648> : vector<256xi32>
      %reduce_max3A_212 = vector.multi_reduction <maxsi>, %scan3A_210, %reduce_max3A [1] : vector<256x1536xi32> to vector<256xi32>
      %broadcast_in_dim3A_213 = vector.shape_cast %reduce_max3A_212 : vector<256xi32> to vector<256x1xi32>
      %eq3A = vector.broadcast %broadcast_in_dim3A_213 : vector<256x1xi32> to vector<256x1536xi32>
      %eq3A_214 = arith.cmpi eq, %scan3A_210, %eq3A : vector<256x1536xi32>
      %jit3A_215 = arith.constant 1536 : i32
      %broadcast_in_dim3A_216 = vector.broadcast %jit3A_215 : i32 to vector<256x1536xi32>
      %select_n3A_217 = arith.select %eq3A_214, %iota3A_173, %broadcast_in_dim3A_216 : vector<256x1536xi1>, vector<256x1536xi32>
      %reduce_min3A = arith.constant dense<2147483647> : vector<256xi32>
      %reduce_min3A_218 = vector.multi_reduction <minsi>, %select_n3A_217, %reduce_min3A [1] : vector<256x1536xi32> to vector<256xi32>
      %broadcast_in_dim3A_219 = vector.shape_cast %reduce_min3A_218 : vector<256xi32> to vector<256x1xi32>
      %eq3A_220 = vector.broadcast %broadcast_in_dim3A_219 : vector<256x1xi32> to vector<256x1536xi32>
      %eq3A_221 = arith.cmpi eq, %iota3A_173, %eq3A_220 : vector<256x1536xi32>
      %jit3A_222 = arith.constant -2147483648 : i32
      %broadcast_in_dim3A_223 = vector.broadcast %jit3A_222 : i32 to vector<256x1536xi32>
      %select_n3A_224 = arith.select %eq3A_221, %broadcast_in_dim3A_223, %scan3A_210 : vector<256x1536xi1>, vector<256x1536xi32>
      %eq3A_225 = vector.broadcast %scan3A_209 : i32 to vector<256x16xi32>
      %eq3A_226 = arith.cmpi eq, %iota3A_194, %eq3A_225 : vector<256x16xi32>
      %broadcast_in_dim3A_227 = vector.shape_cast %broadcast_in_dim3A_219 : vector<256x1xi32> to vector<256x1xi32>
      %broadcast_in_dim3A_228 = vector.broadcast %broadcast_in_dim3A_227 : vector<256x1xi32> to vector<256x16xi32>
      %select_n3A_229 = arith.select %eq3A_226, %broadcast_in_dim3A_228, %scan3A_211 : vector<256x16xi1>, vector<256x16xi32>
      scf.yield %select_n3A_224, %select_n3A_229 : vector<256x1536xi32>, vector<256x16xi32>
    }
    %scan3A_201 = arith.constant 16 : i32
    %add3A_202 = vector.broadcast %max3A_178 : vector<256x1xi32> to vector<256x16xi32>
    %add3A_203 = arith.addi %add3A_202, %iota3A_194 : vector<256x16xi32>
    %swap3A = arith.constant 0 : index
    %swap3A_204 = arith.constant 0 : index
    %swap3A_205 = vector.load %arg4[%swap3A, %swap3A_204] : memref<256x32xi32, #tpu.memory_space<vmem>>, vector<256x16xi32>
    tpu.vector_store %arg4[%swap3A, %swap3A_204], %add3A_203 {strides = array<i32>} : memref<256x32xi32, #tpu.memory_space<vmem>>, vector<256x16xi32>,
    %swap3A_206 = arith.constant 0 : index
    %swap3A_207 = arith.constant 16 : index
    %swap3A_208 = vector.load %arg4[%swap3A_206, %swap3A_207] : memref<256x32xi32, #tpu.memory_space<vmem>>, vector<256x16xi32>
    tpu.vector_store %arg4[%swap3A_206, %swap3A_207], %scan3A_200#1 {strides = array<i32>} : memref<256x32xi32, #tpu.memory_space<vmem>>, vector<256x16xi32>,
    return
  }
  func.func @transform_0(%arg0: i32) -> (i32, i32) {
    %c5_i32 = arith.constant 5 : i32
    %c0_i32 = arith.constant 0 : i32
    %c0_i32_0 = arith.constant 0 : i32
    return %c5_i32, %c0_i32 : i32, i32
  }
  func.func @transform_1(%arg0: i32) -> (i32, i32) {
    %c0_i32 = arith.constant 0 : i32
    %c0_i32_0 = arith.constant 0 : i32
    %c0_i32_1 = arith.constant 0 : i32
    return %c0_i32, %c0_i32_0 : i32, i32
  }
  func.func @transform_2(%arg0: i32) -> (i32, i32) {
    %c0_i32 = arith.constant 0 : i32
    %c0_i32_0 = arith.constant 0 : i32
    %c0_i32_1 = arith.constant 0 : i32
    return %c0_i32, %c0_i32_0 : i32, i32
  }
  func.func @transform_3(%arg0: i32) -> (i32, i32) {
    %c0_i32 = arith.constant 0 : i32
    %c0_i32_0 = arith.constant 0 : i32
    %c0_i32_1 = arith.constant 0 : i32
    return %c0_i32, %c0_i32_0 : i32, i32
  }
}

module attributes {stable_mosaic.version = 14 : i64} {
  func.func @_topk_body(%arg0: i32, %arg1: memref<256x768xf32, #tpu.memory_space<vmem>>, %arg2: memref<1280x64xf32, #tpu.memory_space<vmem>>, %arg3: memref<1x12xf32, #tpu.memory_space<vmem>>, %arg4: memref<256x32xi32, #tpu.memory_space<vmem>>) attributes {dimension_semantics = [#tpu.dimension_semantics<arbitrary>], iteration_bounds = array<i64: 1>, scalar_prefetch = 0 : i64, scratch_operands = 0 : i64, tpu.core_type = #tpu.core_type<tc>, window_params = [{transform_indices = @transform_0, window_bounds = array<i64: 256, 768>}, {transform_indices = @transform_1, window_bounds = array<i64: 1280, 64>}, {pipeline_mode = #tpu.pipeline_mode<synchronous>, transform_indices = @transform_2, window_bounds = array<i64: 1, 12>}, {pipeline_mode = #tpu.pipeline_mode<synchronous>, transform_indices = @transform_3, window_bounds = array<i64: 256, 32>}]} {
    %get3A = arith.constant 0 : index
    %get3A_0 = arith.constant 0 : index
    %get3A_1 = vector.load %arg2[%get3A, %get3A_0] : memref<1280x64xf32, #tpu.memory_space<vmem>>, vector<1280x64xf32>
    %broadcast_in_dim3A = arith.constant 0.000000e+00 : f32
    %broadcast_in_dim3A_2 = vector.broadcast %broadcast_in_dim3A : f32 to vector<256x1280xf32>
    %get3A_3 = arith.constant 0 : index
    %get3A_4 = arith.constant 0 : index
    %get3A_5 = vector.load %arg3[%get3A_3, %get3A_4] : memref<1x12xf32, #tpu.memory_space<vmem>>, vector<1x12xf32>
    %convert_element_type3A = arith.truncf %get3A_5 : vector<1x12xf32> to vector<1x12xbf16>
    %convert_element_type3A_6 = arith.extf %convert_element_type3A : vector<1x12xbf16> to vector<1x12xf32>
    %get3A_7 = arith.constant 0 : index
    %get3A_8 = arith.constant 0 : index
    %get3A_9 = vector.load %arg1[%get3A_7, %get3A_8] : memref<256x768xf32, #tpu.memory_space<vmem>>, vector<256x64xf32>
    %dot_general3A = arith.constant dense<0.000000e+00> : vector<256x1280xf32>
    %dot_general3A_10 = tpu.matmul %get3A_9, %get3A_1, %dot_general3A {dimension_numbers = #tpu.dot_dimension_numbers<[1], [1], [0], [0], [0, 0, 1, 0], [], []>, transpose_lhs_hint = false} : vector<256x64xf32>, vector<1280x64xf32>, vector<256x1280xf32> -> vector<256x1280xf32>
    %max3A = arith.constant 0.000000e+00 : f32
    %max3A_11 = vector.broadcast %max3A : f32 to vector<256x1280xf32>
    %max3A_12 = arith.maximumf %dot_general3A_10, %max3A_11 : vector<256x1280xf32>
    %convert_element_type3A_13 = arith.truncf %max3A_12 : vector<256x1280xf32> to vector<256x1280xbf16>
    %convert_element_type3A_14 = arith.extf %convert_element_type3A_13 : vector<256x1280xbf16> to vector<256x1280xf32>
    %slice3A = vector.extract_strided_slice %convert_element_type3A_6 {offsets = [0, 0], sizes = [1, 1], strides = [1, 1]} : vector<1x12xf32> to vector<1x1xf32>
    %mul3A = vector.broadcast %slice3A : vector<1x1xf32> to vector<256x1280xf32>
    %mul3A_15 = arith.mulf %convert_element_type3A_14, %mul3A : vector<256x1280xf32>
    %add3A = arith.addf %broadcast_in_dim3A_2, %mul3A_15 : vector<256x1280xf32>
    %get3A_16 = arith.constant 0 : index
    %get3A_17 = arith.constant 64 : index
    %get3A_18 = vector.load %arg1[%get3A_16, %get3A_17] : memref<256x768xf32, #tpu.memory_space<vmem>>, vector<256x64xf32>
    %dot_general3A_19 = arith.constant dense<0.000000e+00> : vector<256x1280xf32>
    %dot_general3A_20 = tpu.matmul %get3A_18, %get3A_1, %dot_general3A_19 {dimension_numbers = #tpu.dot_dimension_numbers<[1], [1], [0], [0], [0, 0, 1, 0], [], []>, transpose_lhs_hint = false} : vector<256x64xf32>, vector<1280x64xf32>, vector<256x1280xf32> -> vector<256x1280xf32>
    %max3A_21 = arith.constant 0.000000e+00 : f32
    %max3A_22 = vector.broadcast %max3A_21 : f32 to vector<256x1280xf32>
    %max3A_23 = arith.maximumf %dot_general3A_20, %max3A_22 : vector<256x1280xf32>
    %convert_element_type3A_24 = arith.truncf %max3A_23 : vector<256x1280xf32> to vector<256x1280xbf16>
    %convert_element_type3A_25 = arith.extf %convert_element_type3A_24 : vector<256x1280xbf16> to vector<256x1280xf32>
    %slice3A_26 = vector.extract_strided_slice %convert_element_type3A_6 {offsets = [0, 1], sizes = [1, 1], strides = [1, 1]} : vector<1x12xf32> to vector<1x1xf32>
    %mul3A_27 = vector.broadcast %slice3A_26 : vector<1x1xf32> to vector<256x1280xf32>
    %mul3A_28 = arith.mulf %convert_element_type3A_25, %mul3A_27 : vector<256x1280xf32>
    %add3A_29 = arith.addf %add3A, %mul3A_28 : vector<256x1280xf32>
    %get3A_30 = arith.constant 0 : index
    %get3A_31 = arith.constant 128 : index
    %get3A_32 = vector.load %arg1[%get3A_30, %get3A_31] : memref<256x768xf32, #tpu.memory_space<vmem>>, vector<256x64xf32>
    %dot_general3A_33 = arith.constant dense<0.000000e+00> : vector<256x1280xf32>
    %dot_general3A_34 = tpu.matmul %get3A_32, %get3A_1, %dot_general3A_33 {dimension_numbers = #tpu.dot_dimension_numbers<[1], [1], [0], [0], [0, 0, 1, 0], [], []>, transpose_lhs_hint = false} : vector<256x64xf32>, vector<1280x64xf32>, vector<256x1280xf32> -> vector<256x1280xf32>
    %max3A_35 = arith.constant 0.000000e+00 : f32
    %max3A_36 = vector.broadcast %max3A_35 : f32 to vector<256x1280xf32>
    %max3A_37 = arith.maximumf %dot_general3A_34, %max3A_36 : vector<256x1280xf32>
    %convert_element_type3A_38 = arith.truncf %max3A_37 : vector<256x1280xf32> to vector<256x1280xbf16>
    %convert_element_type3A_39 = arith.extf %convert_element_type3A_38 : vector<256x1280xbf16> to vector<256x1280xf32>
    %slice3A_40 = vector.extract_strided_slice %convert_element_type3A_6 {offsets = [0, 2], sizes = [1, 1], strides = [1, 1]} : vector<1x12xf32> to vector<1x1xf32>
    %mul3A_41 = vector.broadcast %slice3A_40 : vector<1x1xf32> to vector<256x1280xf32>
    %mul3A_42 = arith.mulf %convert_element_type3A_39, %mul3A_41 : vector<256x1280xf32>
    %add3A_43 = arith.addf %add3A_29, %mul3A_42 : vector<256x1280xf32>
    %get3A_44 = arith.constant 0 : index
    %get3A_45 = arith.constant 192 : index
    %get3A_46 = vector.load %arg1[%get3A_44, %get3A_45] : memref<256x768xf32, #tpu.memory_space<vmem>>, vector<256x64xf32>
    %dot_general3A_47 = arith.constant dense<0.000000e+00> : vector<256x1280xf32>
    %dot_general3A_48 = tpu.matmul %get3A_46, %get3A_1, %dot_general3A_47 {dimension_numbers = #tpu.dot_dimension_numbers<[1], [1], [0], [0], [0, 0, 1, 0], [], []>, transpose_lhs_hint = false} : vector<256x64xf32>, vector<1280x64xf32>, vector<256x1280xf32> -> vector<256x1280xf32>
    %max3A_49 = arith.constant 0.000000e+00 : f32
    %max3A_50 = vector.broadcast %max3A_49 : f32 to vector<256x1280xf32>
    %max3A_51 = arith.maximumf %dot_general3A_48, %max3A_50 : vector<256x1280xf32>
    %convert_element_type3A_52 = arith.truncf %max3A_51 : vector<256x1280xf32> to vector<256x1280xbf16>
    %convert_element_type3A_53 = arith.extf %convert_element_type3A_52 : vector<256x1280xbf16> to vector<256x1280xf32>
    %slice3A_54 = vector.extract_strided_slice %convert_element_type3A_6 {offsets = [0, 3], sizes = [1, 1], strides = [1, 1]} : vector<1x12xf32> to vector<1x1xf32>
    %mul3A_55 = vector.broadcast %slice3A_54 : vector<1x1xf32> to vector<256x1280xf32>
    %mul3A_56 = arith.mulf %convert_element_type3A_53, %mul3A_55 : vector<256x1280xf32>
    %add3A_57 = arith.addf %add3A_43, %mul3A_56 : vector<256x1280xf32>
    %get3A_58 = arith.constant 0 : index
    %get3A_59 = arith.constant 256 : index
    %get3A_60 = vector.load %arg1[%get3A_58, %get3A_59] : memref<256x768xf32, #tpu.memory_space<vmem>>, vector<256x64xf32>
    %dot_general3A_61 = arith.constant dense<0.000000e+00> : vector<256x1280xf32>
    %dot_general3A_62 = tpu.matmul %get3A_60, %get3A_1, %dot_general3A_61 {dimension_numbers = #tpu.dot_dimension_numbers<[1], [1], [0], [0], [0, 0, 1, 0], [], []>, transpose_lhs_hint = false} : vector<256x64xf32>, vector<1280x64xf32>, vector<256x1280xf32> -> vector<256x1280xf32>
    %max3A_63 = arith.constant 0.000000e+00 : f32
    %max3A_64 = vector.broadcast %max3A_63 : f32 to vector<256x1280xf32>
    %max3A_65 = arith.maximumf %dot_general3A_62, %max3A_64 : vector<256x1280xf32>
    %convert_element_type3A_66 = arith.truncf %max3A_65 : vector<256x1280xf32> to vector<256x1280xbf16>
    %convert_element_type3A_67 = arith.extf %convert_element_type3A_66 : vector<256x1280xbf16> to vector<256x1280xf32>
    %slice3A_68 = vector.extract_strided_slice %convert_element_type3A_6 {offsets = [0, 4], sizes = [1, 1], strides = [1, 1]} : vector<1x12xf32> to vector<1x1xf32>
    %mul3A_69 = vector.broadcast %slice3A_68 : vector<1x1xf32> to vector<256x1280xf32>
    %mul3A_70 = arith.mulf %convert_element_type3A_67, %mul3A_69 : vector<256x1280xf32>
    %add3A_71 = arith.addf %add3A_57, %mul3A_70 : vector<256x1280xf32>
    %get3A_72 = arith.constant 0 : index
    %get3A_73 = arith.constant 320 : index
    %get3A_74 = vector.load %arg1[%get3A_72, %get3A_73] : memref<256x768xf32, #tpu.memory_space<vmem>>, vector<256x64xf32>
    %dot_general3A_75 = arith.constant dense<0.000000e+00> : vector<256x1280xf32>
    %dot_general3A_76 = tpu.matmul %get3A_74, %get3A_1, %dot_general3A_75 {dimension_numbers = #tpu.dot_dimension_numbers<[1], [1], [0], [0], [0, 0, 1, 0], [], []>, transpose_lhs_hint = false} : vector<256x64xf32>, vector<1280x64xf32>, vector<256x1280xf32> -> vector<256x1280xf32>
    %max3A_77 = arith.constant 0.000000e+00 : f32
    %max3A_78 = vector.broadcast %max3A_77 : f32 to vector<256x1280xf32>
    %max3A_79 = arith.maximumf %dot_general3A_76, %max3A_78 : vector<256x1280xf32>
    %convert_element_type3A_80 = arith.truncf %max3A_79 : vector<256x1280xf32> to vector<256x1280xbf16>
    %convert_element_type3A_81 = arith.extf %convert_element_type3A_80 : vector<256x1280xbf16> to vector<256x1280xf32>
    %slice3A_82 = vector.extract_strided_slice %convert_element_type3A_6 {offsets = [0, 5], sizes = [1, 1], strides = [1, 1]} : vector<1x12xf32> to vector<1x1xf32>
    %mul3A_83 = vector.broadcast %slice3A_82 : vector<1x1xf32> to vector<256x1280xf32>
    %mul3A_84 = arith.mulf %convert_element_type3A_81, %mul3A_83 : vector<256x1280xf32>
    %add3A_85 = arith.addf %add3A_71, %mul3A_84 : vector<256x1280xf32>
    %get3A_86 = arith.constant 0 : index
    %get3A_87 = arith.constant 384 : index
    %get3A_88 = vector.load %arg1[%get3A_86, %get3A_87] : memref<256x768xf32, #tpu.memory_space<vmem>>, vector<256x64xf32>
    %dot_general3A_89 = arith.constant dense<0.000000e+00> : vector<256x1280xf32>
    %dot_general3A_90 = tpu.matmul %get3A_88, %get3A_1, %dot_general3A_89 {dimension_numbers = #tpu.dot_dimension_numbers<[1], [1], [0], [0], [0, 0, 1, 0], [], []>, transpose_lhs_hint = false} : vector<256x64xf32>, vector<1280x64xf32>, vector<256x1280xf32> -> vector<256x1280xf32>
    %max3A_91 = arith.constant 0.000000e+00 : f32
    %max3A_92 = vector.broadcast %max3A_91 : f32 to vector<256x1280xf32>
    %max3A_93 = arith.maximumf %dot_general3A_90, %max3A_92 : vector<256x1280xf32>
    %convert_element_type3A_94 = arith.truncf %max3A_93 : vector<256x1280xf32> to vector<256x1280xbf16>
    %convert_element_type3A_95 = arith.extf %convert_element_type3A_94 : vector<256x1280xbf16> to vector<256x1280xf32>
    %slice3A_96 = vector.extract_strided_slice %convert_element_type3A_6 {offsets = [0, 6], sizes = [1, 1], strides = [1, 1]} : vector<1x12xf32> to vector<1x1xf32>
    %mul3A_97 = vector.broadcast %slice3A_96 : vector<1x1xf32> to vector<256x1280xf32>
    %mul3A_98 = arith.mulf %convert_element_type3A_95, %mul3A_97 : vector<256x1280xf32>
    %add3A_99 = arith.addf %add3A_85, %mul3A_98 : vector<256x1280xf32>
    %get3A_100 = arith.constant 0 : index
    %get3A_101 = arith.constant 448 : index
    %get3A_102 = vector.load %arg1[%get3A_100, %get3A_101] : memref<256x768xf32, #tpu.memory_space<vmem>>, vector<256x64xf32>
    %dot_general3A_103 = arith.constant dense<0.000000e+00> : vector<256x1280xf32>
    %dot_general3A_104 = tpu.matmul %get3A_102, %get3A_1, %dot_general3A_103 {dimension_numbers = #tpu.dot_dimension_numbers<[1], [1], [0], [0], [0, 0, 1, 0], [], []>, transpose_lhs_hint = false} : vector<256x64xf32>, vector<1280x64xf32>, vector<256x1280xf32> -> vector<256x1280xf32>
    %max3A_105 = arith.constant 0.000000e+00 : f32
    %max3A_106 = vector.broadcast %max3A_105 : f32 to vector<256x1280xf32>
    %max3A_107 = arith.maximumf %dot_general3A_104, %max3A_106 : vector<256x1280xf32>
    %convert_element_type3A_108 = arith.truncf %max3A_107 : vector<256x1280xf32> to vector<256x1280xbf16>
    %convert_element_type3A_109 = arith.extf %convert_element_type3A_108 : vector<256x1280xbf16> to vector<256x1280xf32>
    %slice3A_110 = vector.extract_strided_slice %convert_element_type3A_6 {offsets = [0, 7], sizes = [1, 1], strides = [1, 1]} : vector<1x12xf32> to vector<1x1xf32>
    %mul3A_111 = vector.broadcast %slice3A_110 : vector<1x1xf32> to vector<256x1280xf32>
    %mul3A_112 = arith.mulf %convert_element_type3A_109, %mul3A_111 : vector<256x1280xf32>
    %add3A_113 = arith.addf %add3A_99, %mul3A_112 : vector<256x1280xf32>
    %get3A_114 = arith.constant 0 : index
    %get3A_115 = arith.constant 512 : index
    %get3A_116 = vector.load %arg1[%get3A_114, %get3A_115] : memref<256x768xf32, #tpu.memory_space<vmem>>, vector<256x64xf32>
    %dot_general3A_117 = arith.constant dense<0.000000e+00> : vector<256x1280xf32>
    %dot_general3A_118 = tpu.matmul %get3A_116, %get3A_1, %dot_general3A_117 {dimension_numbers = #tpu.dot_dimension_numbers<[1], [1], [0], [0], [0, 0, 1, 0], [], []>, transpose_lhs_hint = false} : vector<256x64xf32>, vector<1280x64xf32>, vector<256x1280xf32> -> vector<256x1280xf32>
    %max3A_119 = arith.constant 0.000000e+00 : f32
    %max3A_120 = vector.broadcast %max3A_119 : f32 to vector<256x1280xf32>
    %max3A_121 = arith.maximumf %dot_general3A_118, %max3A_120 : vector<256x1280xf32>
    %convert_element_type3A_122 = arith.truncf %max3A_121 : vector<256x1280xf32> to vector<256x1280xbf16>
    %convert_element_type3A_123 = arith.extf %convert_element_type3A_122 : vector<256x1280xbf16> to vector<256x1280xf32>
    %slice3A_124 = vector.extract_strided_slice %convert_element_type3A_6 {offsets = [0, 8], sizes = [1, 1], strides = [1, 1]} : vector<1x12xf32> to vector<1x1xf32>
    %mul3A_125 = vector.broadcast %slice3A_124 : vector<1x1xf32> to vector<256x1280xf32>
    %mul3A_126 = arith.mulf %convert_element_type3A_123, %mul3A_125 : vector<256x1280xf32>
    %add3A_127 = arith.addf %add3A_113, %mul3A_126 : vector<256x1280xf32>
    %get3A_128 = arith.constant 0 : index
    %get3A_129 = arith.constant 576 : index
    %get3A_130 = vector.load %arg1[%get3A_128, %get3A_129] : memref<256x768xf32, #tpu.memory_space<vmem>>, vector<256x64xf32>
    %dot_general3A_131 = arith.constant dense<0.000000e+00> : vector<256x1280xf32>
    %dot_general3A_132 = tpu.matmul %get3A_130, %get3A_1, %dot_general3A_131 {dimension_numbers = #tpu.dot_dimension_numbers<[1], [1], [0], [0], [0, 0, 1, 0], [], []>, transpose_lhs_hint = false} : vector<256x64xf32>, vector<1280x64xf32>, vector<256x1280xf32> -> vector<256x1280xf32>
    %max3A_133 = arith.constant 0.000000e+00 : f32
    %max3A_134 = vector.broadcast %max3A_133 : f32 to vector<256x1280xf32>
    %max3A_135 = arith.maximumf %dot_general3A_132, %max3A_134 : vector<256x1280xf32>
    %convert_element_type3A_136 = arith.truncf %max3A_135 : vector<256x1280xf32> to vector<256x1280xbf16>
    %convert_element_type3A_137 = arith.extf %convert_element_type3A_136 : vector<256x1280xbf16> to vector<256x1280xf32>
    %slice3A_138 = vector.extract_strided_slice %convert_element_type3A_6 {offsets = [0, 9], sizes = [1, 1], strides = [1, 1]} : vector<1x12xf32> to vector<1x1xf32>
    %mul3A_139 = vector.broadcast %slice3A_138 : vector<1x1xf32> to vector<256x1280xf32>
    %mul3A_140 = arith.mulf %convert_element_type3A_137, %mul3A_139 : vector<256x1280xf32>
    %add3A_141 = arith.addf %add3A_127, %mul3A_140 : vector<256x1280xf32>
    %get3A_142 = arith.constant 0 : index
    %get3A_143 = arith.constant 640 : index
    %get3A_144 = vector.load %arg1[%get3A_142, %get3A_143] : memref<256x768xf32, #tpu.memory_space<vmem>>, vector<256x64xf32>
    %dot_general3A_145 = arith.constant dense<0.000000e+00> : vector<256x1280xf32>
    %dot_general3A_146 = tpu.matmul %get3A_144, %get3A_1, %dot_general3A_145 {dimension_numbers = #tpu.dot_dimension_numbers<[1], [1], [0], [0], [0, 0, 1, 0], [], []>, transpose_lhs_hint = false} : vector<256x64xf32>, vector<1280x64xf32>, vector<256x1280xf32> -> vector<256x1280xf32>
    %max3A_147 = arith.constant 0.000000e+00 : f32
    %max3A_148 = vector.broadcast %max3A_147 : f32 to vector<256x1280xf32>
    %max3A_149 = arith.maximumf %dot_general3A_146, %max3A_148 : vector<256x1280xf32>
    %convert_element_type3A_150 = arith.truncf %max3A_149 : vector<256x1280xf32> to vector<256x1280xbf16>
    %convert_element_type3A_151 = arith.extf %convert_element_type3A_150 : vector<256x1280xbf16> to vector<256x1280xf32>
    %slice3A_152 = vector.extract_strided_slice %convert_element_type3A_6 {offsets = [0, 10], sizes = [1, 1], strides = [1, 1]} : vector<1x12xf32> to vector<1x1xf32>
    %mul3A_153 = vector.broadcast %slice3A_152 : vector<1x1xf32> to vector<256x1280xf32>
    %mul3A_154 = arith.mulf %convert_element_type3A_151, %mul3A_153 : vector<256x1280xf32>
    %add3A_155 = arith.addf %add3A_141, %mul3A_154 : vector<256x1280xf32>
    %get3A_156 = arith.constant 0 : index
    %get3A_157 = arith.constant 704 : index
    %get3A_158 = vector.load %arg1[%get3A_156, %get3A_157] : memref<256x768xf32, #tpu.memory_space<vmem>>, vector<256x64xf32>
    %dot_general3A_159 = arith.constant dense<0.000000e+00> : vector<256x1280xf32>
    %dot_general3A_160 = tpu.matmul %get3A_158, %get3A_1, %dot_general3A_159 {dimension_numbers = #tpu.dot_dimension_numbers<[1], [1], [0], [0], [0, 0, 1, 0], [], []>, transpose_lhs_hint = false} : vector<256x64xf32>, vector<1280x64xf32>, vector<256x1280xf32> -> vector<256x1280xf32>
    %max3A_161 = arith.constant 0.000000e+00 : f32
    %max3A_162 = vector.broadcast %max3A_161 : f32 to vector<256x1280xf32>
    %max3A_163 = arith.maximumf %dot_general3A_160, %max3A_162 : vector<256x1280xf32>
    %convert_element_type3A_164 = arith.truncf %max3A_163 : vector<256x1280xf32> to vector<256x1280xbf16>
    %convert_element_type3A_165 = arith.extf %convert_element_type3A_164 : vector<256x1280xbf16> to vector<256x1280xf32>
    %slice3A_166 = vector.extract_strided_slice %convert_element_type3A_6 {offsets = [0, 11], sizes = [1, 1], strides = [1, 1]} : vector<1x12xf32> to vector<1x1xf32>
    %mul3A_167 = vector.broadcast %slice3A_166 : vector<1x1xf32> to vector<256x1280xf32>
    %mul3A_168 = arith.mulf %convert_element_type3A_165, %mul3A_167 : vector<256x1280xf32>
    %add3A_169 = arith.addf %add3A_155, %mul3A_168 : vector<256x1280xf32>
    %iota3A = tpu.iota {dimensions = array<i32: 0>} : vector<256x1xi32>
    %add3A_170 = arith.constant 1024 : i32
    %add3A_171 = vector.broadcast %add3A_170 : i32 to vector<256x1xi32>
    %add3A_172 = arith.addi %add3A_171, %iota3A : vector<256x1xi32>
    %iota3A_173 = tpu.iota {dimensions = array<i32: 1>} : vector<256x1280xi32>
    %sub3A = arith.constant 15 : i32
    %sub3A_174 = vector.broadcast %sub3A : i32 to vector<256x1xi32>
    %sub3A_175 = arith.subi %add3A_172, %sub3A_174 : vector<256x1xi32>
    %max3A_176 = arith.constant 0 : i32
    %max3A_177 = vector.broadcast %max3A_176 : i32 to vector<256x1xi32>
    %max3A_178 = arith.maxsi %sub3A_175, %max3A_177 : vector<256x1xi32>
    %ge3A = vector.broadcast %max3A_178 : vector<256x1xi32> to vector<256x1280xi32>
    %ge3A_179 = arith.cmpi sge, %iota3A_173, %ge3A : vector<256x1280xi32>
    %add3A_180 = arith.constant 15 : i32
    %add3A_181 = vector.broadcast %add3A_180 : i32 to vector<256x1xi32>
    %add3A_182 = arith.addi %max3A_178, %add3A_181 : vector<256x1xi32>
    %le3A = vector.broadcast %add3A_182 : vector<256x1xi32> to vector<256x1280xi32>
    %le3A_183 = arith.cmpi sle, %iota3A_173, %le3A : vector<256x1280xi32>
    %and3A = arith.andi %ge3A_179, %le3A_183 : vector<256x1280xi1>
    %gt3A = vector.broadcast %add3A_172 : vector<256x1xi32> to vector<256x1280xi32>
    %gt3A_184 = arith.cmpi sgt, %iota3A_173, %gt3A : vector<256x1280xi32>
    %jit3A = arith.constant 0xFF800000 : f32
    %broadcast_in_dim3A_185 = vector.broadcast %jit3A : f32 to vector<256x1280xf32>
    %select_n3A = arith.select %gt3A_184, %broadcast_in_dim3A_185, %add3A_169 : vector<256x1280xi1>, vector<256x1280xf32>
    %bitcast_convert_type3A = tpu.bitcast %select_n3A : vector<256x1280xf32> -> vector<256x1280xi32>
    %lt3A = arith.constant 0 : i32
    %lt3A_186 = vector.broadcast %lt3A : i32 to vector<256x1280xi32>
    %lt3A_187 = arith.cmpi slt, %bitcast_convert_type3A, %lt3A_186 : vector<256x1280xi32>
    %xor3A = arith.constant 2147483647 : i32
    %xor3A_188 = vector.broadcast %xor3A : i32 to vector<256x1280xi32>
    %xor3A_189 = arith.xori %bitcast_convert_type3A, %xor3A_188 : vector<256x1280xi32>
    %select_n3A_190 = arith.select %lt3A_187, %xor3A_189, %bitcast_convert_type3A : vector<256x1280xi1>, vector<256x1280xi32>
    %jit3A_191 = arith.constant -2147483648 : i32
    %broadcast_in_dim3A_192 = vector.broadcast %jit3A_191 : i32 to vector<256x1280xi32>
    %select_n3A_193 = arith.select %and3A, %broadcast_in_dim3A_192, %select_n3A_190 : vector<256x1280xi1>, vector<256x1280xi32>
    %iota3A_194 = tpu.iota {dimensions = array<i32: 1>} : vector<256x16xi32>
    %broadcast_in_dim3A_195 = arith.constant 0 : i32
    %broadcast_in_dim3A_196 = vector.broadcast %broadcast_in_dim3A_195 : i32 to vector<256x16xi32>
    %scan3A = arith.constant 0 : i32
    %scan3A_197 = arith.constant 16 : i32
    %scan3A_198 = arith.addi %scan3A, %scan3A_197 : i32
    %scan3A_199 = arith.constant 1 : i32
    %scan3A_200:2 = scf.for %scan3A_209 = %scan3A to %scan3A_198 step %scan3A_199 iter_args(%scan3A_210 = %select_n3A_193, %scan3A_211 = %broadcast_in_dim3A_196) -> (vector<256x1280xi32>, vector<256x16xi32>)  : i32 {
      %reduce_max3A = arith.constant dense<-2147483648> : vector<256xi32>
      %reduce_max3A_212 = vector.multi_reduction <maxsi>, %scan3A_210, %reduce_max3A [1] : vector<256x1280xi32> to vector<256xi32>
      %broadcast_in_dim3A_213 = vector.shape_cast %reduce_max3A_212 : vector<256xi32> to vector<256x1xi32>
      %eq3A = vector.broadcast %broadcast_in_dim3A_213 : vector<256x1xi32> to vector<256x1280xi32>
      %eq3A_214 = arith.cmpi eq, %scan3A_210, %eq3A : vector<256x1280xi32>
      %jit3A_215 = arith.constant 1280 : i32
      %broadcast_in_dim3A_216 = vector.broadcast %jit3A_215 : i32 to vector<256x1280xi32>
      %select_n3A_217 = arith.select %eq3A_214, %iota3A_173, %broadcast_in_dim3A_216 : vector<256x1280xi1>, vector<256x1280xi32>
      %reduce_min3A = arith.constant dense<2147483647> : vector<256xi32>
      %reduce_min3A_218 = vector.multi_reduction <minsi>, %select_n3A_217, %reduce_min3A [1] : vector<256x1280xi32> to vector<256xi32>
      %broadcast_in_dim3A_219 = vector.shape_cast %reduce_min3A_218 : vector<256xi32> to vector<256x1xi32>
      %eq3A_220 = vector.broadcast %broadcast_in_dim3A_219 : vector<256x1xi32> to vector<256x1280xi32>
      %eq3A_221 = arith.cmpi eq, %iota3A_173, %eq3A_220 : vector<256x1280xi32>
      %jit3A_222 = arith.constant -2147483648 : i32
      %broadcast_in_dim3A_223 = vector.broadcast %jit3A_222 : i32 to vector<256x1280xi32>
      %select_n3A_224 = arith.select %eq3A_221, %broadcast_in_dim3A_223, %scan3A_210 : vector<256x1280xi1>, vector<256x1280xi32>
      %eq3A_225 = vector.broadcast %scan3A_209 : i32 to vector<256x16xi32>
      %eq3A_226 = arith.cmpi eq, %iota3A_194, %eq3A_225 : vector<256x16xi32>
      %broadcast_in_dim3A_227 = vector.shape_cast %broadcast_in_dim3A_219 : vector<256x1xi32> to vector<256x1xi32>
      %broadcast_in_dim3A_228 = vector.broadcast %broadcast_in_dim3A_227 : vector<256x1xi32> to vector<256x16xi32>
      %select_n3A_229 = arith.select %eq3A_226, %broadcast_in_dim3A_228, %scan3A_211 : vector<256x16xi1>, vector<256x16xi32>
      scf.yield %select_n3A_224, %select_n3A_229 : vector<256x1280xi32>, vector<256x16xi32>
    }
    %scan3A_201 = arith.constant 16 : i32
    %add3A_202 = vector.broadcast %max3A_178 : vector<256x1xi32> to vector<256x16xi32>
    %add3A_203 = arith.addi %add3A_202, %iota3A_194 : vector<256x16xi32>
    %swap3A = arith.constant 0 : index
    %swap3A_204 = arith.constant 0 : index
    %swap3A_205 = vector.load %arg4[%swap3A, %swap3A_204] : memref<256x32xi32, #tpu.memory_space<vmem>>, vector<256x16xi32>
    tpu.vector_store %arg4[%swap3A, %swap3A_204], %add3A_203 {strides = array<i32>} : memref<256x32xi32, #tpu.memory_space<vmem>>, vector<256x16xi32>,
    %swap3A_206 = arith.constant 0 : index
    %swap3A_207 = arith.constant 16 : index
    %swap3A_208 = vector.load %arg4[%swap3A_206, %swap3A_207] : memref<256x32xi32, #tpu.memory_space<vmem>>, vector<256x16xi32>
    tpu.vector_store %arg4[%swap3A_206, %swap3A_207], %scan3A_200#1 {strides = array<i32>} : memref<256x32xi32, #tpu.memory_space<vmem>>, vector<256x16xi32>,
    return
  }
  func.func @transform_0(%arg0: i32) -> (i32, i32) {
    %c4_i32 = arith.constant 4 : i32
    %c0_i32 = arith.constant 0 : i32
    %c0_i32_0 = arith.constant 0 : i32
    return %c4_i32, %c0_i32 : i32, i32
  }
  func.func @transform_1(%arg0: i32) -> (i32, i32) {
    %c0_i32 = arith.constant 0 : i32
    %c0_i32_0 = arith.constant 0 : i32
    %c0_i32_1 = arith.constant 0 : i32
    return %c0_i32, %c0_i32_0 : i32, i32
  }
  func.func @transform_2(%arg0: i32) -> (i32, i32) {
    %c0_i32 = arith.constant 0 : i32
    %c0_i32_0 = arith.constant 0 : i32
    %c0_i32_1 = arith.constant 0 : i32
    return %c0_i32, %c0_i32_0 : i32, i32
  }
  func.func @transform_3(%arg0: i32) -> (i32, i32) {
    %c0_i32 = arith.constant 0 : i32
    %c0_i32_0 = arith.constant 0 : i32
    %c0_i32_1 = arith.constant 0 : i32
    return %c0_i32, %c0_i32_0 : i32, i32
  }
}

module attributes {stable_mosaic.version = 14 : i64} {
  func.func @_topk_body(%arg0: i32, %arg1: memref<256x768xf32, #tpu.memory_space<vmem>>, %arg2: memref<1024x64xf32, #tpu.memory_space<vmem>>, %arg3: memref<1x12xf32, #tpu.memory_space<vmem>>, %arg4: memref<256x32xi32, #tpu.memory_space<vmem>>) attributes {dimension_semantics = [#tpu.dimension_semantics<arbitrary>], iteration_bounds = array<i64: 1>, scalar_prefetch = 0 : i64, scratch_operands = 0 : i64, tpu.core_type = #tpu.core_type<tc>, window_params = [{transform_indices = @transform_0, window_bounds = array<i64: 256, 768>}, {transform_indices = @transform_1, window_bounds = array<i64: 1024, 64>}, {pipeline_mode = #tpu.pipeline_mode<synchronous>, transform_indices = @transform_2, window_bounds = array<i64: 1, 12>}, {pipeline_mode = #tpu.pipeline_mode<synchronous>, transform_indices = @transform_3, window_bounds = array<i64: 256, 32>}]} {
    %get3A = arith.constant 0 : index
    %get3A_0 = arith.constant 0 : index
    %get3A_1 = vector.load %arg2[%get3A, %get3A_0] : memref<1024x64xf32, #tpu.memory_space<vmem>>, vector<1024x64xf32>
    %broadcast_in_dim3A = arith.constant 0.000000e+00 : f32
    %broadcast_in_dim3A_2 = vector.broadcast %broadcast_in_dim3A : f32 to vector<256x1024xf32>
    %get3A_3 = arith.constant 0 : index
    %get3A_4 = arith.constant 0 : index
    %get3A_5 = vector.load %arg3[%get3A_3, %get3A_4] : memref<1x12xf32, #tpu.memory_space<vmem>>, vector<1x12xf32>
    %convert_element_type3A = arith.truncf %get3A_5 : vector<1x12xf32> to vector<1x12xbf16>
    %convert_element_type3A_6 = arith.extf %convert_element_type3A : vector<1x12xbf16> to vector<1x12xf32>
    %get3A_7 = arith.constant 0 : index
    %get3A_8 = arith.constant 0 : index
    %get3A_9 = vector.load %arg1[%get3A_7, %get3A_8] : memref<256x768xf32, #tpu.memory_space<vmem>>, vector<256x64xf32>
    %dot_general3A = arith.constant dense<0.000000e+00> : vector<256x1024xf32>
    %dot_general3A_10 = tpu.matmul %get3A_9, %get3A_1, %dot_general3A {dimension_numbers = #tpu.dot_dimension_numbers<[1], [1], [0], [0], [0, 0, 1, 0], [], []>, transpose_lhs_hint = false} : vector<256x64xf32>, vector<1024x64xf32>, vector<256x1024xf32> -> vector<256x1024xf32>
    %max3A = arith.constant 0.000000e+00 : f32
    %max3A_11 = vector.broadcast %max3A : f32 to vector<256x1024xf32>
    %max3A_12 = arith.maximumf %dot_general3A_10, %max3A_11 : vector<256x1024xf32>
    %convert_element_type3A_13 = arith.truncf %max3A_12 : vector<256x1024xf32> to vector<256x1024xbf16>
    %convert_element_type3A_14 = arith.extf %convert_element_type3A_13 : vector<256x1024xbf16> to vector<256x1024xf32>
    %slice3A = vector.extract_strided_slice %convert_element_type3A_6 {offsets = [0, 0], sizes = [1, 1], strides = [1, 1]} : vector<1x12xf32> to vector<1x1xf32>
    %mul3A = vector.broadcast %slice3A : vector<1x1xf32> to vector<256x1024xf32>
    %mul3A_15 = arith.mulf %convert_element_type3A_14, %mul3A : vector<256x1024xf32>
    %add3A = arith.addf %broadcast_in_dim3A_2, %mul3A_15 : vector<256x1024xf32>
    %get3A_16 = arith.constant 0 : index
    %get3A_17 = arith.constant 64 : index
    %get3A_18 = vector.load %arg1[%get3A_16, %get3A_17] : memref<256x768xf32, #tpu.memory_space<vmem>>, vector<256x64xf32>
    %dot_general3A_19 = arith.constant dense<0.000000e+00> : vector<256x1024xf32>
    %dot_general3A_20 = tpu.matmul %get3A_18, %get3A_1, %dot_general3A_19 {dimension_numbers = #tpu.dot_dimension_numbers<[1], [1], [0], [0], [0, 0, 1, 0], [], []>, transpose_lhs_hint = false} : vector<256x64xf32>, vector<1024x64xf32>, vector<256x1024xf32> -> vector<256x1024xf32>
    %max3A_21 = arith.constant 0.000000e+00 : f32
    %max3A_22 = vector.broadcast %max3A_21 : f32 to vector<256x1024xf32>
    %max3A_23 = arith.maximumf %dot_general3A_20, %max3A_22 : vector<256x1024xf32>
    %convert_element_type3A_24 = arith.truncf %max3A_23 : vector<256x1024xf32> to vector<256x1024xbf16>
    %convert_element_type3A_25 = arith.extf %convert_element_type3A_24 : vector<256x1024xbf16> to vector<256x1024xf32>
    %slice3A_26 = vector.extract_strided_slice %convert_element_type3A_6 {offsets = [0, 1], sizes = [1, 1], strides = [1, 1]} : vector<1x12xf32> to vector<1x1xf32>
    %mul3A_27 = vector.broadcast %slice3A_26 : vector<1x1xf32> to vector<256x1024xf32>
    %mul3A_28 = arith.mulf %convert_element_type3A_25, %mul3A_27 : vector<256x1024xf32>
    %add3A_29 = arith.addf %add3A, %mul3A_28 : vector<256x1024xf32>
    %get3A_30 = arith.constant 0 : index
    %get3A_31 = arith.constant 128 : index
    %get3A_32 = vector.load %arg1[%get3A_30, %get3A_31] : memref<256x768xf32, #tpu.memory_space<vmem>>, vector<256x64xf32>
    %dot_general3A_33 = arith.constant dense<0.000000e+00> : vector<256x1024xf32>
    %dot_general3A_34 = tpu.matmul %get3A_32, %get3A_1, %dot_general3A_33 {dimension_numbers = #tpu.dot_dimension_numbers<[1], [1], [0], [0], [0, 0, 1, 0], [], []>, transpose_lhs_hint = false} : vector<256x64xf32>, vector<1024x64xf32>, vector<256x1024xf32> -> vector<256x1024xf32>
    %max3A_35 = arith.constant 0.000000e+00 : f32
    %max3A_36 = vector.broadcast %max3A_35 : f32 to vector<256x1024xf32>
    %max3A_37 = arith.maximumf %dot_general3A_34, %max3A_36 : vector<256x1024xf32>
    %convert_element_type3A_38 = arith.truncf %max3A_37 : vector<256x1024xf32> to vector<256x1024xbf16>
    %convert_element_type3A_39 = arith.extf %convert_element_type3A_38 : vector<256x1024xbf16> to vector<256x1024xf32>
    %slice3A_40 = vector.extract_strided_slice %convert_element_type3A_6 {offsets = [0, 2], sizes = [1, 1], strides = [1, 1]} : vector<1x12xf32> to vector<1x1xf32>
    %mul3A_41 = vector.broadcast %slice3A_40 : vector<1x1xf32> to vector<256x1024xf32>
    %mul3A_42 = arith.mulf %convert_element_type3A_39, %mul3A_41 : vector<256x1024xf32>
    %add3A_43 = arith.addf %add3A_29, %mul3A_42 : vector<256x1024xf32>
    %get3A_44 = arith.constant 0 : index
    %get3A_45 = arith.constant 192 : index
    %get3A_46 = vector.load %arg1[%get3A_44, %get3A_45] : memref<256x768xf32, #tpu.memory_space<vmem>>, vector<256x64xf32>
    %dot_general3A_47 = arith.constant dense<0.000000e+00> : vector<256x1024xf32>
    %dot_general3A_48 = tpu.matmul %get3A_46, %get3A_1, %dot_general3A_47 {dimension_numbers = #tpu.dot_dimension_numbers<[1], [1], [0], [0], [0, 0, 1, 0], [], []>, transpose_lhs_hint = false} : vector<256x64xf32>, vector<1024x64xf32>, vector<256x1024xf32> -> vector<256x1024xf32>
    %max3A_49 = arith.constant 0.000000e+00 : f32
    %max3A_50 = vector.broadcast %max3A_49 : f32 to vector<256x1024xf32>
    %max3A_51 = arith.maximumf %dot_general3A_48, %max3A_50 : vector<256x1024xf32>
    %convert_element_type3A_52 = arith.truncf %max3A_51 : vector<256x1024xf32> to vector<256x1024xbf16>
    %convert_element_type3A_53 = arith.extf %convert_element_type3A_52 : vector<256x1024xbf16> to vector<256x1024xf32>
    %slice3A_54 = vector.extract_strided_slice %convert_element_type3A_6 {offsets = [0, 3], sizes = [1, 1], strides = [1, 1]} : vector<1x12xf32> to vector<1x1xf32>
    %mul3A_55 = vector.broadcast %slice3A_54 : vector<1x1xf32> to vector<256x1024xf32>
    %mul3A_56 = arith.mulf %convert_element_type3A_53, %mul3A_55 : vector<256x1024xf32>
    %add3A_57 = arith.addf %add3A_43, %mul3A_56 : vector<256x1024xf32>
    %get3A_58 = arith.constant 0 : index
    %get3A_59 = arith.constant 256 : index
    %get3A_60 = vector.load %arg1[%get3A_58, %get3A_59] : memref<256x768xf32, #tpu.memory_space<vmem>>, vector<256x64xf32>
    %dot_general3A_61 = arith.constant dense<0.000000e+00> : vector<256x1024xf32>
    %dot_general3A_62 = tpu.matmul %get3A_60, %get3A_1, %dot_general3A_61 {dimension_numbers = #tpu.dot_dimension_numbers<[1], [1], [0], [0], [0, 0, 1, 0], [], []>, transpose_lhs_hint = false} : vector<256x64xf32>, vector<1024x64xf32>, vector<256x1024xf32> -> vector<256x1024xf32>
    %max3A_63 = arith.constant 0.000000e+00 : f32
    %max3A_64 = vector.broadcast %max3A_63 : f32 to vector<256x1024xf32>
    %max3A_65 = arith.maximumf %dot_general3A_62, %max3A_64 : vector<256x1024xf32>
    %convert_element_type3A_66 = arith.truncf %max3A_65 : vector<256x1024xf32> to vector<256x1024xbf16>
    %convert_element_type3A_67 = arith.extf %convert_element_type3A_66 : vector<256x1024xbf16> to vector<256x1024xf32>
    %slice3A_68 = vector.extract_strided_slice %convert_element_type3A_6 {offsets = [0, 4], sizes = [1, 1], strides = [1, 1]} : vector<1x12xf32> to vector<1x1xf32>
    %mul3A_69 = vector.broadcast %slice3A_68 : vector<1x1xf32> to vector<256x1024xf32>
    %mul3A_70 = arith.mulf %convert_element_type3A_67, %mul3A_69 : vector<256x1024xf32>
    %add3A_71 = arith.addf %add3A_57, %mul3A_70 : vector<256x1024xf32>
    %get3A_72 = arith.constant 0 : index
    %get3A_73 = arith.constant 320 : index
    %get3A_74 = vector.load %arg1[%get3A_72, %get3A_73] : memref<256x768xf32, #tpu.memory_space<vmem>>, vector<256x64xf32>
    %dot_general3A_75 = arith.constant dense<0.000000e+00> : vector<256x1024xf32>
    %dot_general3A_76 = tpu.matmul %get3A_74, %get3A_1, %dot_general3A_75 {dimension_numbers = #tpu.dot_dimension_numbers<[1], [1], [0], [0], [0, 0, 1, 0], [], []>, transpose_lhs_hint = false} : vector<256x64xf32>, vector<1024x64xf32>, vector<256x1024xf32> -> vector<256x1024xf32>
    %max3A_77 = arith.constant 0.000000e+00 : f32
    %max3A_78 = vector.broadcast %max3A_77 : f32 to vector<256x1024xf32>
    %max3A_79 = arith.maximumf %dot_general3A_76, %max3A_78 : vector<256x1024xf32>
    %convert_element_type3A_80 = arith.truncf %max3A_79 : vector<256x1024xf32> to vector<256x1024xbf16>
    %convert_element_type3A_81 = arith.extf %convert_element_type3A_80 : vector<256x1024xbf16> to vector<256x1024xf32>
    %slice3A_82 = vector.extract_strided_slice %convert_element_type3A_6 {offsets = [0, 5], sizes = [1, 1], strides = [1, 1]} : vector<1x12xf32> to vector<1x1xf32>
    %mul3A_83 = vector.broadcast %slice3A_82 : vector<1x1xf32> to vector<256x1024xf32>
    %mul3A_84 = arith.mulf %convert_element_type3A_81, %mul3A_83 : vector<256x1024xf32>
    %add3A_85 = arith.addf %add3A_71, %mul3A_84 : vector<256x1024xf32>
    %get3A_86 = arith.constant 0 : index
    %get3A_87 = arith.constant 384 : index
    %get3A_88 = vector.load %arg1[%get3A_86, %get3A_87] : memref<256x768xf32, #tpu.memory_space<vmem>>, vector<256x64xf32>
    %dot_general3A_89 = arith.constant dense<0.000000e+00> : vector<256x1024xf32>
    %dot_general3A_90 = tpu.matmul %get3A_88, %get3A_1, %dot_general3A_89 {dimension_numbers = #tpu.dot_dimension_numbers<[1], [1], [0], [0], [0, 0, 1, 0], [], []>, transpose_lhs_hint = false} : vector<256x64xf32>, vector<1024x64xf32>, vector<256x1024xf32> -> vector<256x1024xf32>
    %max3A_91 = arith.constant 0.000000e+00 : f32
    %max3A_92 = vector.broadcast %max3A_91 : f32 to vector<256x1024xf32>
    %max3A_93 = arith.maximumf %dot_general3A_90, %max3A_92 : vector<256x1024xf32>
    %convert_element_type3A_94 = arith.truncf %max3A_93 : vector<256x1024xf32> to vector<256x1024xbf16>
    %convert_element_type3A_95 = arith.extf %convert_element_type3A_94 : vector<256x1024xbf16> to vector<256x1024xf32>
    %slice3A_96 = vector.extract_strided_slice %convert_element_type3A_6 {offsets = [0, 6], sizes = [1, 1], strides = [1, 1]} : vector<1x12xf32> to vector<1x1xf32>
    %mul3A_97 = vector.broadcast %slice3A_96 : vector<1x1xf32> to vector<256x1024xf32>
    %mul3A_98 = arith.mulf %convert_element_type3A_95, %mul3A_97 : vector<256x1024xf32>
    %add3A_99 = arith.addf %add3A_85, %mul3A_98 : vector<256x1024xf32>
    %get3A_100 = arith.constant 0 : index
    %get3A_101 = arith.constant 448 : index
    %get3A_102 = vector.load %arg1[%get3A_100, %get3A_101] : memref<256x768xf32, #tpu.memory_space<vmem>>, vector<256x64xf32>
    %dot_general3A_103 = arith.constant dense<0.000000e+00> : vector<256x1024xf32>
    %dot_general3A_104 = tpu.matmul %get3A_102, %get3A_1, %dot_general3A_103 {dimension_numbers = #tpu.dot_dimension_numbers<[1], [1], [0], [0], [0, 0, 1, 0], [], []>, transpose_lhs_hint = false} : vector<256x64xf32>, vector<1024x64xf32>, vector<256x1024xf32> -> vector<256x1024xf32>
    %max3A_105 = arith.constant 0.000000e+00 : f32
    %max3A_106 = vector.broadcast %max3A_105 : f32 to vector<256x1024xf32>
    %max3A_107 = arith.maximumf %dot_general3A_104, %max3A_106 : vector<256x1024xf32>
    %convert_element_type3A_108 = arith.truncf %max3A_107 : vector<256x1024xf32> to vector<256x1024xbf16>
    %convert_element_type3A_109 = arith.extf %convert_element_type3A_108 : vector<256x1024xbf16> to vector<256x1024xf32>
    %slice3A_110 = vector.extract_strided_slice %convert_element_type3A_6 {offsets = [0, 7], sizes = [1, 1], strides = [1, 1]} : vector<1x12xf32> to vector<1x1xf32>
    %mul3A_111 = vector.broadcast %slice3A_110 : vector<1x1xf32> to vector<256x1024xf32>
    %mul3A_112 = arith.mulf %convert_element_type3A_109, %mul3A_111 : vector<256x1024xf32>
    %add3A_113 = arith.addf %add3A_99, %mul3A_112 : vector<256x1024xf32>
    %get3A_114 = arith.constant 0 : index
    %get3A_115 = arith.constant 512 : index
    %get3A_116 = vector.load %arg1[%get3A_114, %get3A_115] : memref<256x768xf32, #tpu.memory_space<vmem>>, vector<256x64xf32>
    %dot_general3A_117 = arith.constant dense<0.000000e+00> : vector<256x1024xf32>
    %dot_general3A_118 = tpu.matmul %get3A_116, %get3A_1, %dot_general3A_117 {dimension_numbers = #tpu.dot_dimension_numbers<[1], [1], [0], [0], [0, 0, 1, 0], [], []>, transpose_lhs_hint = false} : vector<256x64xf32>, vector<1024x64xf32>, vector<256x1024xf32> -> vector<256x1024xf32>
    %max3A_119 = arith.constant 0.000000e+00 : f32
    %max3A_120 = vector.broadcast %max3A_119 : f32 to vector<256x1024xf32>
    %max3A_121 = arith.maximumf %dot_general3A_118, %max3A_120 : vector<256x1024xf32>
    %convert_element_type3A_122 = arith.truncf %max3A_121 : vector<256x1024xf32> to vector<256x1024xbf16>
    %convert_element_type3A_123 = arith.extf %convert_element_type3A_122 : vector<256x1024xbf16> to vector<256x1024xf32>
    %slice3A_124 = vector.extract_strided_slice %convert_element_type3A_6 {offsets = [0, 8], sizes = [1, 1], strides = [1, 1]} : vector<1x12xf32> to vector<1x1xf32>
    %mul3A_125 = vector.broadcast %slice3A_124 : vector<1x1xf32> to vector<256x1024xf32>
    %mul3A_126 = arith.mulf %convert_element_type3A_123, %mul3A_125 : vector<256x1024xf32>
    %add3A_127 = arith.addf %add3A_113, %mul3A_126 : vector<256x1024xf32>
    %get3A_128 = arith.constant 0 : index
    %get3A_129 = arith.constant 576 : index
    %get3A_130 = vector.load %arg1[%get3A_128, %get3A_129] : memref<256x768xf32, #tpu.memory_space<vmem>>, vector<256x64xf32>
    %dot_general3A_131 = arith.constant dense<0.000000e+00> : vector<256x1024xf32>
    %dot_general3A_132 = tpu.matmul %get3A_130, %get3A_1, %dot_general3A_131 {dimension_numbers = #tpu.dot_dimension_numbers<[1], [1], [0], [0], [0, 0, 1, 0], [], []>, transpose_lhs_hint = false} : vector<256x64xf32>, vector<1024x64xf32>, vector<256x1024xf32> -> vector<256x1024xf32>
    %max3A_133 = arith.constant 0.000000e+00 : f32
    %max3A_134 = vector.broadcast %max3A_133 : f32 to vector<256x1024xf32>
    %max3A_135 = arith.maximumf %dot_general3A_132, %max3A_134 : vector<256x1024xf32>
    %convert_element_type3A_136 = arith.truncf %max3A_135 : vector<256x1024xf32> to vector<256x1024xbf16>
    %convert_element_type3A_137 = arith.extf %convert_element_type3A_136 : vector<256x1024xbf16> to vector<256x1024xf32>
    %slice3A_138 = vector.extract_strided_slice %convert_element_type3A_6 {offsets = [0, 9], sizes = [1, 1], strides = [1, 1]} : vector<1x12xf32> to vector<1x1xf32>
    %mul3A_139 = vector.broadcast %slice3A_138 : vector<1x1xf32> to vector<256x1024xf32>
    %mul3A_140 = arith.mulf %convert_element_type3A_137, %mul3A_139 : vector<256x1024xf32>
    %add3A_141 = arith.addf %add3A_127, %mul3A_140 : vector<256x1024xf32>
    %get3A_142 = arith.constant 0 : index
    %get3A_143 = arith.constant 640 : index
    %get3A_144 = vector.load %arg1[%get3A_142, %get3A_143] : memref<256x768xf32, #tpu.memory_space<vmem>>, vector<256x64xf32>
    %dot_general3A_145 = arith.constant dense<0.000000e+00> : vector<256x1024xf32>
    %dot_general3A_146 = tpu.matmul %get3A_144, %get3A_1, %dot_general3A_145 {dimension_numbers = #tpu.dot_dimension_numbers<[1], [1], [0], [0], [0, 0, 1, 0], [], []>, transpose_lhs_hint = false} : vector<256x64xf32>, vector<1024x64xf32>, vector<256x1024xf32> -> vector<256x1024xf32>
    %max3A_147 = arith.constant 0.000000e+00 : f32
    %max3A_148 = vector.broadcast %max3A_147 : f32 to vector<256x1024xf32>
    %max3A_149 = arith.maximumf %dot_general3A_146, %max3A_148 : vector<256x1024xf32>
    %convert_element_type3A_150 = arith.truncf %max3A_149 : vector<256x1024xf32> to vector<256x1024xbf16>
    %convert_element_type3A_151 = arith.extf %convert_element_type3A_150 : vector<256x1024xbf16> to vector<256x1024xf32>
    %slice3A_152 = vector.extract_strided_slice %convert_element_type3A_6 {offsets = [0, 10], sizes = [1, 1], strides = [1, 1]} : vector<1x12xf32> to vector<1x1xf32>
    %mul3A_153 = vector.broadcast %slice3A_152 : vector<1x1xf32> to vector<256x1024xf32>
    %mul3A_154 = arith.mulf %convert_element_type3A_151, %mul3A_153 : vector<256x1024xf32>
    %add3A_155 = arith.addf %add3A_141, %mul3A_154 : vector<256x1024xf32>
    %get3A_156 = arith.constant 0 : index
    %get3A_157 = arith.constant 704 : index
    %get3A_158 = vector.load %arg1[%get3A_156, %get3A_157] : memref<256x768xf32, #tpu.memory_space<vmem>>, vector<256x64xf32>
    %dot_general3A_159 = arith.constant dense<0.000000e+00> : vector<256x1024xf32>
    %dot_general3A_160 = tpu.matmul %get3A_158, %get3A_1, %dot_general3A_159 {dimension_numbers = #tpu.dot_dimension_numbers<[1], [1], [0], [0], [0, 0, 1, 0], [], []>, transpose_lhs_hint = false} : vector<256x64xf32>, vector<1024x64xf32>, vector<256x1024xf32> -> vector<256x1024xf32>
    %max3A_161 = arith.constant 0.000000e+00 : f32
    %max3A_162 = vector.broadcast %max3A_161 : f32 to vector<256x1024xf32>
    %max3A_163 = arith.maximumf %dot_general3A_160, %max3A_162 : vector<256x1024xf32>
    %convert_element_type3A_164 = arith.truncf %max3A_163 : vector<256x1024xf32> to vector<256x1024xbf16>
    %convert_element_type3A_165 = arith.extf %convert_element_type3A_164 : vector<256x1024xbf16> to vector<256x1024xf32>
    %slice3A_166 = vector.extract_strided_slice %convert_element_type3A_6 {offsets = [0, 11], sizes = [1, 1], strides = [1, 1]} : vector<1x12xf32> to vector<1x1xf32>
    %mul3A_167 = vector.broadcast %slice3A_166 : vector<1x1xf32> to vector<256x1024xf32>
    %mul3A_168 = arith.mulf %convert_element_type3A_165, %mul3A_167 : vector<256x1024xf32>
    %add3A_169 = arith.addf %add3A_155, %mul3A_168 : vector<256x1024xf32>
    %iota3A = tpu.iota {dimensions = array<i32: 0>} : vector<256x1xi32>
    %add3A_170 = arith.constant 768 : i32
    %add3A_171 = vector.broadcast %add3A_170 : i32 to vector<256x1xi32>
    %add3A_172 = arith.addi %add3A_171, %iota3A : vector<256x1xi32>
    %iota3A_173 = tpu.iota {dimensions = array<i32: 1>} : vector<256x1024xi32>
    %sub3A = arith.constant 15 : i32
    %sub3A_174 = vector.broadcast %sub3A : i32 to vector<256x1xi32>
    %sub3A_175 = arith.subi %add3A_172, %sub3A_174 : vector<256x1xi32>
    %max3A_176 = arith.constant 0 : i32
    %max3A_177 = vector.broadcast %max3A_176 : i32 to vector<256x1xi32>
    %max3A_178 = arith.maxsi %sub3A_175, %max3A_177 : vector<256x1xi32>
    %ge3A = vector.broadcast %max3A_178 : vector<256x1xi32> to vector<256x1024xi32>
    %ge3A_179 = arith.cmpi sge, %iota3A_173, %ge3A : vector<256x1024xi32>
    %add3A_180 = arith.constant 15 : i32
    %add3A_181 = vector.broadcast %add3A_180 : i32 to vector<256x1xi32>
    %add3A_182 = arith.addi %max3A_178, %add3A_181 : vector<256x1xi32>
    %le3A = vector.broadcast %add3A_182 : vector<256x1xi32> to vector<256x1024xi32>
    %le3A_183 = arith.cmpi sle, %iota3A_173, %le3A : vector<256x1024xi32>
    %and3A = arith.andi %ge3A_179, %le3A_183 : vector<256x1024xi1>
    %gt3A = vector.broadcast %add3A_172 : vector<256x1xi32> to vector<256x1024xi32>
    %gt3A_184 = arith.cmpi sgt, %iota3A_173, %gt3A : vector<256x1024xi32>
    %jit3A = arith.constant 0xFF800000 : f32
    %broadcast_in_dim3A_185 = vector.broadcast %jit3A : f32 to vector<256x1024xf32>
    %select_n3A = arith.select %gt3A_184, %broadcast_in_dim3A_185, %add3A_169 : vector<256x1024xi1>, vector<256x1024xf32>
    %bitcast_convert_type3A = tpu.bitcast %select_n3A : vector<256x1024xf32> -> vector<256x1024xi32>
    %lt3A = arith.constant 0 : i32
    %lt3A_186 = vector.broadcast %lt3A : i32 to vector<256x1024xi32>
    %lt3A_187 = arith.cmpi slt, %bitcast_convert_type3A, %lt3A_186 : vector<256x1024xi32>
    %xor3A = arith.constant 2147483647 : i32
    %xor3A_188 = vector.broadcast %xor3A : i32 to vector<256x1024xi32>
    %xor3A_189 = arith.xori %bitcast_convert_type3A, %xor3A_188 : vector<256x1024xi32>
    %select_n3A_190 = arith.select %lt3A_187, %xor3A_189, %bitcast_convert_type3A : vector<256x1024xi1>, vector<256x1024xi32>
    %jit3A_191 = arith.constant -2147483648 : i32
    %broadcast_in_dim3A_192 = vector.broadcast %jit3A_191 : i32 to vector<256x1024xi32>
    %select_n3A_193 = arith.select %and3A, %broadcast_in_dim3A_192, %select_n3A_190 : vector<256x1024xi1>, vector<256x1024xi32>
    %iota3A_194 = tpu.iota {dimensions = array<i32: 1>} : vector<256x16xi32>
    %broadcast_in_dim3A_195 = arith.constant 0 : i32
    %broadcast_in_dim3A_196 = vector.broadcast %broadcast_in_dim3A_195 : i32 to vector<256x16xi32>
    %scan3A = arith.constant 0 : i32
    %scan3A_197 = arith.constant 16 : i32
    %scan3A_198 = arith.addi %scan3A, %scan3A_197 : i32
    %scan3A_199 = arith.constant 1 : i32
    %scan3A_200:2 = scf.for %scan3A_209 = %scan3A to %scan3A_198 step %scan3A_199 iter_args(%scan3A_210 = %select_n3A_193, %scan3A_211 = %broadcast_in_dim3A_196) -> (vector<256x1024xi32>, vector<256x16xi32>)  : i32 {
      %reduce_max3A = arith.constant dense<-2147483648> : vector<256xi32>
      %reduce_max3A_212 = vector.multi_reduction <maxsi>, %scan3A_210, %reduce_max3A [1] : vector<256x1024xi32> to vector<256xi32>
      %broadcast_in_dim3A_213 = vector.shape_cast %reduce_max3A_212 : vector<256xi32> to vector<256x1xi32>
      %eq3A = vector.broadcast %broadcast_in_dim3A_213 : vector<256x1xi32> to vector<256x1024xi32>
      %eq3A_214 = arith.cmpi eq, %scan3A_210, %eq3A : vector<256x1024xi32>
      %jit3A_215 = arith.constant 1024 : i32
      %broadcast_in_dim3A_216 = vector.broadcast %jit3A_215 : i32 to vector<256x1024xi32>
      %select_n3A_217 = arith.select %eq3A_214, %iota3A_173, %broadcast_in_dim3A_216 : vector<256x1024xi1>, vector<256x1024xi32>
      %reduce_min3A = arith.constant dense<2147483647> : vector<256xi32>
      %reduce_min3A_218 = vector.multi_reduction <minsi>, %select_n3A_217, %reduce_min3A [1] : vector<256x1024xi32> to vector<256xi32>
      %broadcast_in_dim3A_219 = vector.shape_cast %reduce_min3A_218 : vector<256xi32> to vector<256x1xi32>
      %eq3A_220 = vector.broadcast %broadcast_in_dim3A_219 : vector<256x1xi32> to vector<256x1024xi32>
      %eq3A_221 = arith.cmpi eq, %iota3A_173, %eq3A_220 : vector<256x1024xi32>
      %jit3A_222 = arith.constant -2147483648 : i32
      %broadcast_in_dim3A_223 = vector.broadcast %jit3A_222 : i32 to vector<256x1024xi32>
      %select_n3A_224 = arith.select %eq3A_221, %broadcast_in_dim3A_223, %scan3A_210 : vector<256x1024xi1>, vector<256x1024xi32>
      %eq3A_225 = vector.broadcast %scan3A_209 : i32 to vector<256x16xi32>
      %eq3A_226 = arith.cmpi eq, %iota3A_194, %eq3A_225 : vector<256x16xi32>
      %broadcast_in_dim3A_227 = vector.shape_cast %broadcast_in_dim3A_219 : vector<256x1xi32> to vector<256x1xi32>
      %broadcast_in_dim3A_228 = vector.broadcast %broadcast_in_dim3A_227 : vector<256x1xi32> to vector<256x16xi32>
      %select_n3A_229 = arith.select %eq3A_226, %broadcast_in_dim3A_228, %scan3A_211 : vector<256x16xi1>, vector<256x16xi32>
      scf.yield %select_n3A_224, %select_n3A_229 : vector<256x1024xi32>, vector<256x16xi32>
    }
    %scan3A_201 = arith.constant 16 : i32
    %add3A_202 = vector.broadcast %max3A_178 : vector<256x1xi32> to vector<256x16xi32>
    %add3A_203 = arith.addi %add3A_202, %iota3A_194 : vector<256x16xi32>
    %swap3A = arith.constant 0 : index
    %swap3A_204 = arith.constant 0 : index
    %swap3A_205 = vector.load %arg4[%swap3A, %swap3A_204] : memref<256x32xi32, #tpu.memory_space<vmem>>, vector<256x16xi32>
    tpu.vector_store %arg4[%swap3A, %swap3A_204], %add3A_203 {strides = array<i32>} : memref<256x32xi32, #tpu.memory_space<vmem>>, vector<256x16xi32>,
    %swap3A_206 = arith.constant 0 : index
    %swap3A_207 = arith.constant 16 : index
    %swap3A_208 = vector.load %arg4[%swap3A_206, %swap3A_207] : memref<256x32xi32, #tpu.memory_space<vmem>>, vector<256x16xi32>
    tpu.vector_store %arg4[%swap3A_206, %swap3A_207], %scan3A_200#1 {strides = array<i32>} : memref<256x32xi32, #tpu.memory_space<vmem>>, vector<256x16xi32>,
    return
  }
  func.func @transform_0(%arg0: i32) -> (i32, i32) {
    %c3_i32 = arith.constant 3 : i32
    %c0_i32 = arith.constant 0 : i32
    %c0_i32_0 = arith.constant 0 : i32
    return %c3_i32, %c0_i32 : i32, i32
  }
  func.func @transform_1(%arg0: i32) -> (i32, i32) {
    %c0_i32 = arith.constant 0 : i32
    %c0_i32_0 = arith.constant 0 : i32
    %c0_i32_1 = arith.constant 0 : i32
    return %c0_i32, %c0_i32_0 : i32, i32
  }
  func.func @transform_2(%arg0: i32) -> (i32, i32) {
    %c0_i32 = arith.constant 0 : i32
    %c0_i32_0 = arith.constant 0 : i32
    %c0_i32_1 = arith.constant 0 : i32
    return %c0_i32, %c0_i32_0 : i32, i32
  }
  func.func @transform_3(%arg0: i32) -> (i32, i32) {
    %c0_i32 = arith.constant 0 : i32
    %c0_i32_0 = arith.constant 0 : i32
    %c0_i32_1 = arith.constant 0 : i32
    return %c0_i32, %c0_i32_0 : i32, i32
  }
}

module attributes {stable_mosaic.version = 14 : i64} {
  func.func @_topk_body(%arg0: i32, %arg1: memref<256x768xf32, #tpu.memory_space<vmem>>, %arg2: memref<768x64xf32, #tpu.memory_space<vmem>>, %arg3: memref<1x12xf32, #tpu.memory_space<vmem>>, %arg4: memref<256x32xi32, #tpu.memory_space<vmem>>) attributes {dimension_semantics = [#tpu.dimension_semantics<arbitrary>], iteration_bounds = array<i64: 1>, scalar_prefetch = 0 : i64, scratch_operands = 0 : i64, tpu.core_type = #tpu.core_type<tc>, window_params = [{transform_indices = @transform_0, window_bounds = array<i64: 256, 768>}, {transform_indices = @transform_1, window_bounds = array<i64: 768, 64>}, {pipeline_mode = #tpu.pipeline_mode<synchronous>, transform_indices = @transform_2, window_bounds = array<i64: 1, 12>}, {pipeline_mode = #tpu.pipeline_mode<synchronous>, transform_indices = @transform_3, window_bounds = array<i64: 256, 32>}]} {
    %get3A = arith.constant 0 : index
    %get3A_0 = arith.constant 0 : index
    %get3A_1 = vector.load %arg2[%get3A, %get3A_0] : memref<768x64xf32, #tpu.memory_space<vmem>>, vector<768x64xf32>
    %broadcast_in_dim3A = arith.constant 0.000000e+00 : f32
    %broadcast_in_dim3A_2 = vector.broadcast %broadcast_in_dim3A : f32 to vector<256x768xf32>
    %get3A_3 = arith.constant 0 : index
    %get3A_4 = arith.constant 0 : index
    %get3A_5 = vector.load %arg3[%get3A_3, %get3A_4] : memref<1x12xf32, #tpu.memory_space<vmem>>, vector<1x12xf32>
    %convert_element_type3A = arith.truncf %get3A_5 : vector<1x12xf32> to vector<1x12xbf16>
    %convert_element_type3A_6 = arith.extf %convert_element_type3A : vector<1x12xbf16> to vector<1x12xf32>
    %get3A_7 = arith.constant 0 : index
    %get3A_8 = arith.constant 0 : index
    %get3A_9 = vector.load %arg1[%get3A_7, %get3A_8] : memref<256x768xf32, #tpu.memory_space<vmem>>, vector<256x64xf32>
    %dot_general3A = arith.constant dense<0.000000e+00> : vector<256x768xf32>
    %dot_general3A_10 = tpu.matmul %get3A_9, %get3A_1, %dot_general3A {dimension_numbers = #tpu.dot_dimension_numbers<[1], [1], [0], [0], [0, 0, 1, 0], [], []>, transpose_lhs_hint = false} : vector<256x64xf32>, vector<768x64xf32>, vector<256x768xf32> -> vector<256x768xf32>
    %max3A = arith.constant 0.000000e+00 : f32
    %max3A_11 = vector.broadcast %max3A : f32 to vector<256x768xf32>
    %max3A_12 = arith.maximumf %dot_general3A_10, %max3A_11 : vector<256x768xf32>
    %convert_element_type3A_13 = arith.truncf %max3A_12 : vector<256x768xf32> to vector<256x768xbf16>
    %convert_element_type3A_14 = arith.extf %convert_element_type3A_13 : vector<256x768xbf16> to vector<256x768xf32>
    %slice3A = vector.extract_strided_slice %convert_element_type3A_6 {offsets = [0, 0], sizes = [1, 1], strides = [1, 1]} : vector<1x12xf32> to vector<1x1xf32>
    %mul3A = vector.broadcast %slice3A : vector<1x1xf32> to vector<256x768xf32>
    %mul3A_15 = arith.mulf %convert_element_type3A_14, %mul3A : vector<256x768xf32>
    %add3A = arith.addf %broadcast_in_dim3A_2, %mul3A_15 : vector<256x768xf32>
    %get3A_16 = arith.constant 0 : index
    %get3A_17 = arith.constant 64 : index
    %get3A_18 = vector.load %arg1[%get3A_16, %get3A_17] : memref<256x768xf32, #tpu.memory_space<vmem>>, vector<256x64xf32>
    %dot_general3A_19 = arith.constant dense<0.000000e+00> : vector<256x768xf32>
    %dot_general3A_20 = tpu.matmul %get3A_18, %get3A_1, %dot_general3A_19 {dimension_numbers = #tpu.dot_dimension_numbers<[1], [1], [0], [0], [0, 0, 1, 0], [], []>, transpose_lhs_hint = false} : vector<256x64xf32>, vector<768x64xf32>, vector<256x768xf32> -> vector<256x768xf32>
    %max3A_21 = arith.constant 0.000000e+00 : f32
    %max3A_22 = vector.broadcast %max3A_21 : f32 to vector<256x768xf32>
    %max3A_23 = arith.maximumf %dot_general3A_20, %max3A_22 : vector<256x768xf32>
    %convert_element_type3A_24 = arith.truncf %max3A_23 : vector<256x768xf32> to vector<256x768xbf16>
    %convert_element_type3A_25 = arith.extf %convert_element_type3A_24 : vector<256x768xbf16> to vector<256x768xf32>
    %slice3A_26 = vector.extract_strided_slice %convert_element_type3A_6 {offsets = [0, 1], sizes = [1, 1], strides = [1, 1]} : vector<1x12xf32> to vector<1x1xf32>
    %mul3A_27 = vector.broadcast %slice3A_26 : vector<1x1xf32> to vector<256x768xf32>
    %mul3A_28 = arith.mulf %convert_element_type3A_25, %mul3A_27 : vector<256x768xf32>
    %add3A_29 = arith.addf %add3A, %mul3A_28 : vector<256x768xf32>
    %get3A_30 = arith.constant 0 : index
    %get3A_31 = arith.constant 128 : index
    %get3A_32 = vector.load %arg1[%get3A_30, %get3A_31] : memref<256x768xf32, #tpu.memory_space<vmem>>, vector<256x64xf32>
    %dot_general3A_33 = arith.constant dense<0.000000e+00> : vector<256x768xf32>
    %dot_general3A_34 = tpu.matmul %get3A_32, %get3A_1, %dot_general3A_33 {dimension_numbers = #tpu.dot_dimension_numbers<[1], [1], [0], [0], [0, 0, 1, 0], [], []>, transpose_lhs_hint = false} : vector<256x64xf32>, vector<768x64xf32>, vector<256x768xf32> -> vector<256x768xf32>
    %max3A_35 = arith.constant 0.000000e+00 : f32
    %max3A_36 = vector.broadcast %max3A_35 : f32 to vector<256x768xf32>
    %max3A_37 = arith.maximumf %dot_general3A_34, %max3A_36 : vector<256x768xf32>
    %convert_element_type3A_38 = arith.truncf %max3A_37 : vector<256x768xf32> to vector<256x768xbf16>
    %convert_element_type3A_39 = arith.extf %convert_element_type3A_38 : vector<256x768xbf16> to vector<256x768xf32>
    %slice3A_40 = vector.extract_strided_slice %convert_element_type3A_6 {offsets = [0, 2], sizes = [1, 1], strides = [1, 1]} : vector<1x12xf32> to vector<1x1xf32>
    %mul3A_41 = vector.broadcast %slice3A_40 : vector<1x1xf32> to vector<256x768xf32>
    %mul3A_42 = arith.mulf %convert_element_type3A_39, %mul3A_41 : vector<256x768xf32>
    %add3A_43 = arith.addf %add3A_29, %mul3A_42 : vector<256x768xf32>
    %get3A_44 = arith.constant 0 : index
    %get3A_45 = arith.constant 192 : index
    %get3A_46 = vector.load %arg1[%get3A_44, %get3A_45] : memref<256x768xf32, #tpu.memory_space<vmem>>, vector<256x64xf32>
    %dot_general3A_47 = arith.constant dense<0.000000e+00> : vector<256x768xf32>
    %dot_general3A_48 = tpu.matmul %get3A_46, %get3A_1, %dot_general3A_47 {dimension_numbers = #tpu.dot_dimension_numbers<[1], [1], [0], [0], [0, 0, 1, 0], [], []>, transpose_lhs_hint = false} : vector<256x64xf32>, vector<768x64xf32>, vector<256x768xf32> -> vector<256x768xf32>
    %max3A_49 = arith.constant 0.000000e+00 : f32
    %max3A_50 = vector.broadcast %max3A_49 : f32 to vector<256x768xf32>
    %max3A_51 = arith.maximumf %dot_general3A_48, %max3A_50 : vector<256x768xf32>
    %convert_element_type3A_52 = arith.truncf %max3A_51 : vector<256x768xf32> to vector<256x768xbf16>
    %convert_element_type3A_53 = arith.extf %convert_element_type3A_52 : vector<256x768xbf16> to vector<256x768xf32>
    %slice3A_54 = vector.extract_strided_slice %convert_element_type3A_6 {offsets = [0, 3], sizes = [1, 1], strides = [1, 1]} : vector<1x12xf32> to vector<1x1xf32>
    %mul3A_55 = vector.broadcast %slice3A_54 : vector<1x1xf32> to vector<256x768xf32>
    %mul3A_56 = arith.mulf %convert_element_type3A_53, %mul3A_55 : vector<256x768xf32>
    %add3A_57 = arith.addf %add3A_43, %mul3A_56 : vector<256x768xf32>
    %get3A_58 = arith.constant 0 : index
    %get3A_59 = arith.constant 256 : index
    %get3A_60 = vector.load %arg1[%get3A_58, %get3A_59] : memref<256x768xf32, #tpu.memory_space<vmem>>, vector<256x64xf32>
    %dot_general3A_61 = arith.constant dense<0.000000e+00> : vector<256x768xf32>
    %dot_general3A_62 = tpu.matmul %get3A_60, %get3A_1, %dot_general3A_61 {dimension_numbers = #tpu.dot_dimension_numbers<[1], [1], [0], [0], [0, 0, 1, 0], [], []>, transpose_lhs_hint = false} : vector<256x64xf32>, vector<768x64xf32>, vector<256x768xf32> -> vector<256x768xf32>
    %max3A_63 = arith.constant 0.000000e+00 : f32
    %max3A_64 = vector.broadcast %max3A_63 : f32 to vector<256x768xf32>
    %max3A_65 = arith.maximumf %dot_general3A_62, %max3A_64 : vector<256x768xf32>
    %convert_element_type3A_66 = arith.truncf %max3A_65 : vector<256x768xf32> to vector<256x768xbf16>
    %convert_element_type3A_67 = arith.extf %convert_element_type3A_66 : vector<256x768xbf16> to vector<256x768xf32>
    %slice3A_68 = vector.extract_strided_slice %convert_element_type3A_6 {offsets = [0, 4], sizes = [1, 1], strides = [1, 1]} : vector<1x12xf32> to vector<1x1xf32>
    %mul3A_69 = vector.broadcast %slice3A_68 : vector<1x1xf32> to vector<256x768xf32>
    %mul3A_70 = arith.mulf %convert_element_type3A_67, %mul3A_69 : vector<256x768xf32>
    %add3A_71 = arith.addf %add3A_57, %mul3A_70 : vector<256x768xf32>
    %get3A_72 = arith.constant 0 : index
    %get3A_73 = arith.constant 320 : index
    %get3A_74 = vector.load %arg1[%get3A_72, %get3A_73] : memref<256x768xf32, #tpu.memory_space<vmem>>, vector<256x64xf32>
    %dot_general3A_75 = arith.constant dense<0.000000e+00> : vector<256x768xf32>
    %dot_general3A_76 = tpu.matmul %get3A_74, %get3A_1, %dot_general3A_75 {dimension_numbers = #tpu.dot_dimension_numbers<[1], [1], [0], [0], [0, 0, 1, 0], [], []>, transpose_lhs_hint = false} : vector<256x64xf32>, vector<768x64xf32>, vector<256x768xf32> -> vector<256x768xf32>
    %max3A_77 = arith.constant 0.000000e+00 : f32
    %max3A_78 = vector.broadcast %max3A_77 : f32 to vector<256x768xf32>
    %max3A_79 = arith.maximumf %dot_general3A_76, %max3A_78 : vector<256x768xf32>
    %convert_element_type3A_80 = arith.truncf %max3A_79 : vector<256x768xf32> to vector<256x768xbf16>
    %convert_element_type3A_81 = arith.extf %convert_element_type3A_80 : vector<256x768xbf16> to vector<256x768xf32>
    %slice3A_82 = vector.extract_strided_slice %convert_element_type3A_6 {offsets = [0, 5], sizes = [1, 1], strides = [1, 1]} : vector<1x12xf32> to vector<1x1xf32>
    %mul3A_83 = vector.broadcast %slice3A_82 : vector<1x1xf32> to vector<256x768xf32>
    %mul3A_84 = arith.mulf %convert_element_type3A_81, %mul3A_83 : vector<256x768xf32>
    %add3A_85 = arith.addf %add3A_71, %mul3A_84 : vector<256x768xf32>
    %get3A_86 = arith.constant 0 : index
    %get3A_87 = arith.constant 384 : index
    %get3A_88 = vector.load %arg1[%get3A_86, %get3A_87] : memref<256x768xf32, #tpu.memory_space<vmem>>, vector<256x64xf32>
    %dot_general3A_89 = arith.constant dense<0.000000e+00> : vector<256x768xf32>
    %dot_general3A_90 = tpu.matmul %get3A_88, %get3A_1, %dot_general3A_89 {dimension_numbers = #tpu.dot_dimension_numbers<[1], [1], [0], [0], [0, 0, 1, 0], [], []>, transpose_lhs_hint = false} : vector<256x64xf32>, vector<768x64xf32>, vector<256x768xf32> -> vector<256x768xf32>
    %max3A_91 = arith.constant 0.000000e+00 : f32
    %max3A_92 = vector.broadcast %max3A_91 : f32 to vector<256x768xf32>
    %max3A_93 = arith.maximumf %dot_general3A_90, %max3A_92 : vector<256x768xf32>
    %convert_element_type3A_94 = arith.truncf %max3A_93 : vector<256x768xf32> to vector<256x768xbf16>
    %convert_element_type3A_95 = arith.extf %convert_element_type3A_94 : vector<256x768xbf16> to vector<256x768xf32>
    %slice3A_96 = vector.extract_strided_slice %convert_element_type3A_6 {offsets = [0, 6], sizes = [1, 1], strides = [1, 1]} : vector<1x12xf32> to vector<1x1xf32>
    %mul3A_97 = vector.broadcast %slice3A_96 : vector<1x1xf32> to vector<256x768xf32>
    %mul3A_98 = arith.mulf %convert_element_type3A_95, %mul3A_97 : vector<256x768xf32>
    %add3A_99 = arith.addf %add3A_85, %mul3A_98 : vector<256x768xf32>
    %get3A_100 = arith.constant 0 : index
    %get3A_101 = arith.constant 448 : index
    %get3A_102 = vector.load %arg1[%get3A_100, %get3A_101] : memref<256x768xf32, #tpu.memory_space<vmem>>, vector<256x64xf32>
    %dot_general3A_103 = arith.constant dense<0.000000e+00> : vector<256x768xf32>
    %dot_general3A_104 = tpu.matmul %get3A_102, %get3A_1, %dot_general3A_103 {dimension_numbers = #tpu.dot_dimension_numbers<[1], [1], [0], [0], [0, 0, 1, 0], [], []>, transpose_lhs_hint = false} : vector<256x64xf32>, vector<768x64xf32>, vector<256x768xf32> -> vector<256x768xf32>
    %max3A_105 = arith.constant 0.000000e+00 : f32
    %max3A_106 = vector.broadcast %max3A_105 : f32 to vector<256x768xf32>
    %max3A_107 = arith.maximumf %dot_general3A_104, %max3A_106 : vector<256x768xf32>
    %convert_element_type3A_108 = arith.truncf %max3A_107 : vector<256x768xf32> to vector<256x768xbf16>
    %convert_element_type3A_109 = arith.extf %convert_element_type3A_108 : vector<256x768xbf16> to vector<256x768xf32>
    %slice3A_110 = vector.extract_strided_slice %convert_element_type3A_6 {offsets = [0, 7], sizes = [1, 1], strides = [1, 1]} : vector<1x12xf32> to vector<1x1xf32>
    %mul3A_111 = vector.broadcast %slice3A_110 : vector<1x1xf32> to vector<256x768xf32>
    %mul3A_112 = arith.mulf %convert_element_type3A_109, %mul3A_111 : vector<256x768xf32>
    %add3A_113 = arith.addf %add3A_99, %mul3A_112 : vector<256x768xf32>
    %get3A_114 = arith.constant 0 : index
    %get3A_115 = arith.constant 512 : index
    %get3A_116 = vector.load %arg1[%get3A_114, %get3A_115] : memref<256x768xf32, #tpu.memory_space<vmem>>, vector<256x64xf32>
    %dot_general3A_117 = arith.constant dense<0.000000e+00> : vector<256x768xf32>
    %dot_general3A_118 = tpu.matmul %get3A_116, %get3A_1, %dot_general3A_117 {dimension_numbers = #tpu.dot_dimension_numbers<[1], [1], [0], [0], [0, 0, 1, 0], [], []>, transpose_lhs_hint = false} : vector<256x64xf32>, vector<768x64xf32>, vector<256x768xf32> -> vector<256x768xf32>
    %max3A_119 = arith.constant 0.000000e+00 : f32
    %max3A_120 = vector.broadcast %max3A_119 : f32 to vector<256x768xf32>
    %max3A_121 = arith.maximumf %dot_general3A_118, %max3A_120 : vector<256x768xf32>
    %convert_element_type3A_122 = arith.truncf %max3A_121 : vector<256x768xf32> to vector<256x768xbf16>
    %convert_element_type3A_123 = arith.extf %convert_element_type3A_122 : vector<256x768xbf16> to vector<256x768xf32>
    %slice3A_124 = vector.extract_strided_slice %convert_element_type3A_6 {offsets = [0, 8], sizes = [1, 1], strides = [1, 1]} : vector<1x12xf32> to vector<1x1xf32>
    %mul3A_125 = vector.broadcast %slice3A_124 : vector<1x1xf32> to vector<256x768xf32>
    %mul3A_126 = arith.mulf %convert_element_type3A_123, %mul3A_125 : vector<256x768xf32>
    %add3A_127 = arith.addf %add3A_113, %mul3A_126 : vector<256x768xf32>
    %get3A_128 = arith.constant 0 : index
    %get3A_129 = arith.constant 576 : index
    %get3A_130 = vector.load %arg1[%get3A_128, %get3A_129] : memref<256x768xf32, #tpu.memory_space<vmem>>, vector<256x64xf32>
    %dot_general3A_131 = arith.constant dense<0.000000e+00> : vector<256x768xf32>
    %dot_general3A_132 = tpu.matmul %get3A_130, %get3A_1, %dot_general3A_131 {dimension_numbers = #tpu.dot_dimension_numbers<[1], [1], [0], [0], [0, 0, 1, 0], [], []>, transpose_lhs_hint = false} : vector<256x64xf32>, vector<768x64xf32>, vector<256x768xf32> -> vector<256x768xf32>
    %max3A_133 = arith.constant 0.000000e+00 : f32
    %max3A_134 = vector.broadcast %max3A_133 : f32 to vector<256x768xf32>
    %max3A_135 = arith.maximumf %dot_general3A_132, %max3A_134 : vector<256x768xf32>
    %convert_element_type3A_136 = arith.truncf %max3A_135 : vector<256x768xf32> to vector<256x768xbf16>
    %convert_element_type3A_137 = arith.extf %convert_element_type3A_136 : vector<256x768xbf16> to vector<256x768xf32>
    %slice3A_138 = vector.extract_strided_slice %convert_element_type3A_6 {offsets = [0, 9], sizes = [1, 1], strides = [1, 1]} : vector<1x12xf32> to vector<1x1xf32>
    %mul3A_139 = vector.broadcast %slice3A_138 : vector<1x1xf32> to vector<256x768xf32>
    %mul3A_140 = arith.mulf %convert_element_type3A_137, %mul3A_139 : vector<256x768xf32>
    %add3A_141 = arith.addf %add3A_127, %mul3A_140 : vector<256x768xf32>
    %get3A_142 = arith.constant 0 : index
    %get3A_143 = arith.constant 640 : index
    %get3A_144 = vector.load %arg1[%get3A_142, %get3A_143] : memref<256x768xf32, #tpu.memory_space<vmem>>, vector<256x64xf32>
    %dot_general3A_145 = arith.constant dense<0.000000e+00> : vector<256x768xf32>
    %dot_general3A_146 = tpu.matmul %get3A_144, %get3A_1, %dot_general3A_145 {dimension_numbers = #tpu.dot_dimension_numbers<[1], [1], [0], [0], [0, 0, 1, 0], [], []>, transpose_lhs_hint = false} : vector<256x64xf32>, vector<768x64xf32>, vector<256x768xf32> -> vector<256x768xf32>
    %max3A_147 = arith.constant 0.000000e+00 : f32
    %max3A_148 = vector.broadcast %max3A_147 : f32 to vector<256x768xf32>
    %max3A_149 = arith.maximumf %dot_general3A_146, %max3A_148 : vector<256x768xf32>
    %convert_element_type3A_150 = arith.truncf %max3A_149 : vector<256x768xf32> to vector<256x768xbf16>
    %convert_element_type3A_151 = arith.extf %convert_element_type3A_150 : vector<256x768xbf16> to vector<256x768xf32>
    %slice3A_152 = vector.extract_strided_slice %convert_element_type3A_6 {offsets = [0, 10], sizes = [1, 1], strides = [1, 1]} : vector<1x12xf32> to vector<1x1xf32>
    %mul3A_153 = vector.broadcast %slice3A_152 : vector<1x1xf32> to vector<256x768xf32>
    %mul3A_154 = arith.mulf %convert_element_type3A_151, %mul3A_153 : vector<256x768xf32>
    %add3A_155 = arith.addf %add3A_141, %mul3A_154 : vector<256x768xf32>
    %get3A_156 = arith.constant 0 : index
    %get3A_157 = arith.constant 704 : index
    %get3A_158 = vector.load %arg1[%get3A_156, %get3A_157] : memref<256x768xf32, #tpu.memory_space<vmem>>, vector<256x64xf32>
    %dot_general3A_159 = arith.constant dense<0.000000e+00> : vector<256x768xf32>
    %dot_general3A_160 = tpu.matmul %get3A_158, %get3A_1, %dot_general3A_159 {dimension_numbers = #tpu.dot_dimension_numbers<[1], [1], [0], [0], [0, 0, 1, 0], [], []>, transpose_lhs_hint = false} : vector<256x64xf32>, vector<768x64xf32>, vector<256x768xf32> -> vector<256x768xf32>
    %max3A_161 = arith.constant 0.000000e+00 : f32
    %max3A_162 = vector.broadcast %max3A_161 : f32 to vector<256x768xf32>
    %max3A_163 = arith.maximumf %dot_general3A_160, %max3A_162 : vector<256x768xf32>
    %convert_element_type3A_164 = arith.truncf %max3A_163 : vector<256x768xf32> to vector<256x768xbf16>
    %convert_element_type3A_165 = arith.extf %convert_element_type3A_164 : vector<256x768xbf16> to vector<256x768xf32>
    %slice3A_166 = vector.extract_strided_slice %convert_element_type3A_6 {offsets = [0, 11], sizes = [1, 1], strides = [1, 1]} : vector<1x12xf32> to vector<1x1xf32>
    %mul3A_167 = vector.broadcast %slice3A_166 : vector<1x1xf32> to vector<256x768xf32>
    %mul3A_168 = arith.mulf %convert_element_type3A_165, %mul3A_167 : vector<256x768xf32>
    %add3A_169 = arith.addf %add3A_155, %mul3A_168 : vector<256x768xf32>
    %iota3A = tpu.iota {dimensions = array<i32: 0>} : vector<256x1xi32>
    %add3A_170 = arith.constant 512 : i32
    %add3A_171 = vector.broadcast %add3A_170 : i32 to vector<256x1xi32>
    %add3A_172 = arith.addi %add3A_171, %iota3A : vector<256x1xi32>
    %iota3A_173 = tpu.iota {dimensions = array<i32: 1>} : vector<256x768xi32>
    %sub3A = arith.constant 15 : i32
    %sub3A_174 = vector.broadcast %sub3A : i32 to vector<256x1xi32>
    %sub3A_175 = arith.subi %add3A_172, %sub3A_174 : vector<256x1xi32>
    %max3A_176 = arith.constant 0 : i32
    %max3A_177 = vector.broadcast %max3A_176 : i32 to vector<256x1xi32>
    %max3A_178 = arith.maxsi %sub3A_175, %max3A_177 : vector<256x1xi32>
    %ge3A = vector.broadcast %max3A_178 : vector<256x1xi32> to vector<256x768xi32>
    %ge3A_179 = arith.cmpi sge, %iota3A_173, %ge3A : vector<256x768xi32>
    %add3A_180 = arith.constant 15 : i32
    %add3A_181 = vector.broadcast %add3A_180 : i32 to vector<256x1xi32>
    %add3A_182 = arith.addi %max3A_178, %add3A_181 : vector<256x1xi32>
    %le3A = vector.broadcast %add3A_182 : vector<256x1xi32> to vector<256x768xi32>
    %le3A_183 = arith.cmpi sle, %iota3A_173, %le3A : vector<256x768xi32>
    %and3A = arith.andi %ge3A_179, %le3A_183 : vector<256x768xi1>
    %gt3A = vector.broadcast %add3A_172 : vector<256x1xi32> to vector<256x768xi32>
    %gt3A_184 = arith.cmpi sgt, %iota3A_173, %gt3A : vector<256x768xi32>
    %jit3A = arith.constant 0xFF800000 : f32
    %broadcast_in_dim3A_185 = vector.broadcast %jit3A : f32 to vector<256x768xf32>
    %select_n3A = arith.select %gt3A_184, %broadcast_in_dim3A_185, %add3A_169 : vector<256x768xi1>, vector<256x768xf32>
    %bitcast_convert_type3A = tpu.bitcast %select_n3A : vector<256x768xf32> -> vector<256x768xi32>
    %lt3A = arith.constant 0 : i32
    %lt3A_186 = vector.broadcast %lt3A : i32 to vector<256x768xi32>
    %lt3A_187 = arith.cmpi slt, %bitcast_convert_type3A, %lt3A_186 : vector<256x768xi32>
    %xor3A = arith.constant 2147483647 : i32
    %xor3A_188 = vector.broadcast %xor3A : i32 to vector<256x768xi32>
    %xor3A_189 = arith.xori %bitcast_convert_type3A, %xor3A_188 : vector<256x768xi32>
    %select_n3A_190 = arith.select %lt3A_187, %xor3A_189, %bitcast_convert_type3A : vector<256x768xi1>, vector<256x768xi32>
    %jit3A_191 = arith.constant -2147483648 : i32
    %broadcast_in_dim3A_192 = vector.broadcast %jit3A_191 : i32 to vector<256x768xi32>
    %select_n3A_193 = arith.select %and3A, %broadcast_in_dim3A_192, %select_n3A_190 : vector<256x768xi1>, vector<256x768xi32>
    %iota3A_194 = tpu.iota {dimensions = array<i32: 1>} : vector<256x16xi32>
    %broadcast_in_dim3A_195 = arith.constant 0 : i32
    %broadcast_in_dim3A_196 = vector.broadcast %broadcast_in_dim3A_195 : i32 to vector<256x16xi32>
    %scan3A = arith.constant 0 : i32
    %scan3A_197 = arith.constant 16 : i32
    %scan3A_198 = arith.addi %scan3A, %scan3A_197 : i32
    %scan3A_199 = arith.constant 1 : i32
    %scan3A_200:2 = scf.for %scan3A_209 = %scan3A to %scan3A_198 step %scan3A_199 iter_args(%scan3A_210 = %select_n3A_193, %scan3A_211 = %broadcast_in_dim3A_196) -> (vector<256x768xi32>, vector<256x16xi32>)  : i32 {
      %reduce_max3A = arith.constant dense<-2147483648> : vector<256xi32>
      %reduce_max3A_212 = vector.multi_reduction <maxsi>, %scan3A_210, %reduce_max3A [1] : vector<256x768xi32> to vector<256xi32>
      %broadcast_in_dim3A_213 = vector.shape_cast %reduce_max3A_212 : vector<256xi32> to vector<256x1xi32>
      %eq3A = vector.broadcast %broadcast_in_dim3A_213 : vector<256x1xi32> to vector<256x768xi32>
      %eq3A_214 = arith.cmpi eq, %scan3A_210, %eq3A : vector<256x768xi32>
      %jit3A_215 = arith.constant 768 : i32
      %broadcast_in_dim3A_216 = vector.broadcast %jit3A_215 : i32 to vector<256x768xi32>
      %select_n3A_217 = arith.select %eq3A_214, %iota3A_173, %broadcast_in_dim3A_216 : vector<256x768xi1>, vector<256x768xi32>
      %reduce_min3A = arith.constant dense<2147483647> : vector<256xi32>
      %reduce_min3A_218 = vector.multi_reduction <minsi>, %select_n3A_217, %reduce_min3A [1] : vector<256x768xi32> to vector<256xi32>
      %broadcast_in_dim3A_219 = vector.shape_cast %reduce_min3A_218 : vector<256xi32> to vector<256x1xi32>
      %eq3A_220 = vector.broadcast %broadcast_in_dim3A_219 : vector<256x1xi32> to vector<256x768xi32>
      %eq3A_221 = arith.cmpi eq, %iota3A_173, %eq3A_220 : vector<256x768xi32>
      %jit3A_222 = arith.constant -2147483648 : i32
      %broadcast_in_dim3A_223 = vector.broadcast %jit3A_222 : i32 to vector<256x768xi32>
      %select_n3A_224 = arith.select %eq3A_221, %broadcast_in_dim3A_223, %scan3A_210 : vector<256x768xi1>, vector<256x768xi32>
      %eq3A_225 = vector.broadcast %scan3A_209 : i32 to vector<256x16xi32>
      %eq3A_226 = arith.cmpi eq, %iota3A_194, %eq3A_225 : vector<256x16xi32>
      %broadcast_in_dim3A_227 = vector.shape_cast %broadcast_in_dim3A_219 : vector<256x1xi32> to vector<256x1xi32>
      %broadcast_in_dim3A_228 = vector.broadcast %broadcast_in_dim3A_227 : vector<256x1xi32> to vector<256x16xi32>
      %select_n3A_229 = arith.select %eq3A_226, %broadcast_in_dim3A_228, %scan3A_211 : vector<256x16xi1>, vector<256x16xi32>
      scf.yield %select_n3A_224, %select_n3A_229 : vector<256x768xi32>, vector<256x16xi32>
    }
    %scan3A_201 = arith.constant 16 : i32
    %add3A_202 = vector.broadcast %max3A_178 : vector<256x1xi32> to vector<256x16xi32>
    %add3A_203 = arith.addi %add3A_202, %iota3A_194 : vector<256x16xi32>
    %swap3A = arith.constant 0 : index
    %swap3A_204 = arith.constant 0 : index
    %swap3A_205 = vector.load %arg4[%swap3A, %swap3A_204] : memref<256x32xi32, #tpu.memory_space<vmem>>, vector<256x16xi32>
    tpu.vector_store %arg4[%swap3A, %swap3A_204], %add3A_203 {strides = array<i32>} : memref<256x32xi32, #tpu.memory_space<vmem>>, vector<256x16xi32>,
    %swap3A_206 = arith.constant 0 : index
    %swap3A_207 = arith.constant 16 : index
    %swap3A_208 = vector.load %arg4[%swap3A_206, %swap3A_207] : memref<256x32xi32, #tpu.memory_space<vmem>>, vector<256x16xi32>
    tpu.vector_store %arg4[%swap3A_206, %swap3A_207], %scan3A_200#1 {strides = array<i32>} : memref<256x32xi32, #tpu.memory_space<vmem>>, vector<256x16xi32>,
    return
  }
  func.func @transform_0(%arg0: i32) -> (i32, i32) {
    %c2_i32 = arith.constant 2 : i32
    %c0_i32 = arith.constant 0 : i32
    %c0_i32_0 = arith.constant 0 : i32
    return %c2_i32, %c0_i32 : i32, i32
  }
  func.func @transform_1(%arg0: i32) -> (i32, i32) {
    %c0_i32 = arith.constant 0 : i32
    %c0_i32_0 = arith.constant 0 : i32
    %c0_i32_1 = arith.constant 0 : i32
    return %c0_i32, %c0_i32_0 : i32, i32
  }
  func.func @transform_2(%arg0: i32) -> (i32, i32) {
    %c0_i32 = arith.constant 0 : i32
    %c0_i32_0 = arith.constant 0 : i32
    %c0_i32_1 = arith.constant 0 : i32
    return %c0_i32, %c0_i32_0 : i32, i32
  }
  func.func @transform_3(%arg0: i32) -> (i32, i32) {
    %c0_i32 = arith.constant 0 : i32
    %c0_i32_0 = arith.constant 0 : i32
    %c0_i32_1 = arith.constant 0 : i32
    return %c0_i32, %c0_i32_0 : i32, i32
  }
}

module attributes {stable_mosaic.version = 14 : i64} {
  func.func @_topk_body(%arg0: i32, %arg1: memref<256x768xf32, #tpu.memory_space<vmem>>, %arg2: memref<512x64xf32, #tpu.memory_space<vmem>>, %arg3: memref<1x12xf32, #tpu.memory_space<vmem>>, %arg4: memref<256x32xi32, #tpu.memory_space<vmem>>) attributes {dimension_semantics = [#tpu.dimension_semantics<arbitrary>], iteration_bounds = array<i64: 1>, scalar_prefetch = 0 : i64, scratch_operands = 0 : i64, tpu.core_type = #tpu.core_type<tc>, window_params = [{transform_indices = @transform_0, window_bounds = array<i64: 256, 768>}, {transform_indices = @transform_1, window_bounds = array<i64: 512, 64>}, {pipeline_mode = #tpu.pipeline_mode<synchronous>, transform_indices = @transform_2, window_bounds = array<i64: 1, 12>}, {pipeline_mode = #tpu.pipeline_mode<synchronous>, transform_indices = @transform_3, window_bounds = array<i64: 256, 32>}]} {
    %get3A = arith.constant 0 : index
    %get3A_0 = arith.constant 0 : index
    %get3A_1 = vector.load %arg2[%get3A, %get3A_0] : memref<512x64xf32, #tpu.memory_space<vmem>>, vector<512x64xf32>
    %broadcast_in_dim3A = arith.constant 0.000000e+00 : f32
    %broadcast_in_dim3A_2 = vector.broadcast %broadcast_in_dim3A : f32 to vector<256x512xf32>
    %get3A_3 = arith.constant 0 : index
    %get3A_4 = arith.constant 0 : index
    %get3A_5 = vector.load %arg3[%get3A_3, %get3A_4] : memref<1x12xf32, #tpu.memory_space<vmem>>, vector<1x12xf32>
    %convert_element_type3A = arith.truncf %get3A_5 : vector<1x12xf32> to vector<1x12xbf16>
    %convert_element_type3A_6 = arith.extf %convert_element_type3A : vector<1x12xbf16> to vector<1x12xf32>
    %get3A_7 = arith.constant 0 : index
    %get3A_8 = arith.constant 0 : index
    %get3A_9 = vector.load %arg1[%get3A_7, %get3A_8] : memref<256x768xf32, #tpu.memory_space<vmem>>, vector<256x64xf32>
    %dot_general3A = arith.constant dense<0.000000e+00> : vector<256x512xf32>
    %dot_general3A_10 = tpu.matmul %get3A_9, %get3A_1, %dot_general3A {dimension_numbers = #tpu.dot_dimension_numbers<[1], [1], [0], [0], [0, 0, 1, 0], [], []>, transpose_lhs_hint = false} : vector<256x64xf32>, vector<512x64xf32>, vector<256x512xf32> -> vector<256x512xf32>
    %max3A = arith.constant 0.000000e+00 : f32
    %max3A_11 = vector.broadcast %max3A : f32 to vector<256x512xf32>
    %max3A_12 = arith.maximumf %dot_general3A_10, %max3A_11 : vector<256x512xf32>
    %convert_element_type3A_13 = arith.truncf %max3A_12 : vector<256x512xf32> to vector<256x512xbf16>
    %convert_element_type3A_14 = arith.extf %convert_element_type3A_13 : vector<256x512xbf16> to vector<256x512xf32>
    %slice3A = vector.extract_strided_slice %convert_element_type3A_6 {offsets = [0, 0], sizes = [1, 1], strides = [1, 1]} : vector<1x12xf32> to vector<1x1xf32>
    %mul3A = vector.broadcast %slice3A : vector<1x1xf32> to vector<256x512xf32>
    %mul3A_15 = arith.mulf %convert_element_type3A_14, %mul3A : vector<256x512xf32>
    %add3A = arith.addf %broadcast_in_dim3A_2, %mul3A_15 : vector<256x512xf32>
    %get3A_16 = arith.constant 0 : index
    %get3A_17 = arith.constant 64 : index
    %get3A_18 = vector.load %arg1[%get3A_16, %get3A_17] : memref<256x768xf32, #tpu.memory_space<vmem>>, vector<256x64xf32>
    %dot_general3A_19 = arith.constant dense<0.000000e+00> : vector<256x512xf32>
    %dot_general3A_20 = tpu.matmul %get3A_18, %get3A_1, %dot_general3A_19 {dimension_numbers = #tpu.dot_dimension_numbers<[1], [1], [0], [0], [0, 0, 1, 0], [], []>, transpose_lhs_hint = false} : vector<256x64xf32>, vector<512x64xf32>, vector<256x512xf32> -> vector<256x512xf32>
    %max3A_21 = arith.constant 0.000000e+00 : f32
    %max3A_22 = vector.broadcast %max3A_21 : f32 to vector<256x512xf32>
    %max3A_23 = arith.maximumf %dot_general3A_20, %max3A_22 : vector<256x512xf32>
    %convert_element_type3A_24 = arith.truncf %max3A_23 : vector<256x512xf32> to vector<256x512xbf16>
    %convert_element_type3A_25 = arith.extf %convert_element_type3A_24 : vector<256x512xbf16> to vector<256x512xf32>
    %slice3A_26 = vector.extract_strided_slice %convert_element_type3A_6 {offsets = [0, 1], sizes = [1, 1], strides = [1, 1]} : vector<1x12xf32> to vector<1x1xf32>
    %mul3A_27 = vector.broadcast %slice3A_26 : vector<1x1xf32> to vector<256x512xf32>
    %mul3A_28 = arith.mulf %convert_element_type3A_25, %mul3A_27 : vector<256x512xf32>
    %add3A_29 = arith.addf %add3A, %mul3A_28 : vector<256x512xf32>
    %get3A_30 = arith.constant 0 : index
    %get3A_31 = arith.constant 128 : index
    %get3A_32 = vector.load %arg1[%get3A_30, %get3A_31] : memref<256x768xf32, #tpu.memory_space<vmem>>, vector<256x64xf32>
    %dot_general3A_33 = arith.constant dense<0.000000e+00> : vector<256x512xf32>
    %dot_general3A_34 = tpu.matmul %get3A_32, %get3A_1, %dot_general3A_33 {dimension_numbers = #tpu.dot_dimension_numbers<[1], [1], [0], [0], [0, 0, 1, 0], [], []>, transpose_lhs_hint = false} : vector<256x64xf32>, vector<512x64xf32>, vector<256x512xf32> -> vector<256x512xf32>
    %max3A_35 = arith.constant 0.000000e+00 : f32
    %max3A_36 = vector.broadcast %max3A_35 : f32 to vector<256x512xf32>
    %max3A_37 = arith.maximumf %dot_general3A_34, %max3A_36 : vector<256x512xf32>
    %convert_element_type3A_38 = arith.truncf %max3A_37 : vector<256x512xf32> to vector<256x512xbf16>
    %convert_element_type3A_39 = arith.extf %convert_element_type3A_38 : vector<256x512xbf16> to vector<256x512xf32>
    %slice3A_40 = vector.extract_strided_slice %convert_element_type3A_6 {offsets = [0, 2], sizes = [1, 1], strides = [1, 1]} : vector<1x12xf32> to vector<1x1xf32>
    %mul3A_41 = vector.broadcast %slice3A_40 : vector<1x1xf32> to vector<256x512xf32>
    %mul3A_42 = arith.mulf %convert_element_type3A_39, %mul3A_41 : vector<256x512xf32>
    %add3A_43 = arith.addf %add3A_29, %mul3A_42 : vector<256x512xf32>
    %get3A_44 = arith.constant 0 : index
    %get3A_45 = arith.constant 192 : index
    %get3A_46 = vector.load %arg1[%get3A_44, %get3A_45] : memref<256x768xf32, #tpu.memory_space<vmem>>, vector<256x64xf32>
    %dot_general3A_47 = arith.constant dense<0.000000e+00> : vector<256x512xf32>
    %dot_general3A_48 = tpu.matmul %get3A_46, %get3A_1, %dot_general3A_47 {dimension_numbers = #tpu.dot_dimension_numbers<[1], [1], [0], [0], [0, 0, 1, 0], [], []>, transpose_lhs_hint = false} : vector<256x64xf32>, vector<512x64xf32>, vector<256x512xf32> -> vector<256x512xf32>
    %max3A_49 = arith.constant 0.000000e+00 : f32
    %max3A_50 = vector.broadcast %max3A_49 : f32 to vector<256x512xf32>
    %max3A_51 = arith.maximumf %dot_general3A_48, %max3A_50 : vector<256x512xf32>
    %convert_element_type3A_52 = arith.truncf %max3A_51 : vector<256x512xf32> to vector<256x512xbf16>
    %convert_element_type3A_53 = arith.extf %convert_element_type3A_52 : vector<256x512xbf16> to vector<256x512xf32>
    %slice3A_54 = vector.extract_strided_slice %convert_element_type3A_6 {offsets = [0, 3], sizes = [1, 1], strides = [1, 1]} : vector<1x12xf32> to vector<1x1xf32>
    %mul3A_55 = vector.broadcast %slice3A_54 : vector<1x1xf32> to vector<256x512xf32>
    %mul3A_56 = arith.mulf %convert_element_type3A_53, %mul3A_55 : vector<256x512xf32>
    %add3A_57 = arith.addf %add3A_43, %mul3A_56 : vector<256x512xf32>
    %get3A_58 = arith.constant 0 : index
    %get3A_59 = arith.constant 256 : index
    %get3A_60 = vector.load %arg1[%get3A_58, %get3A_59] : memref<256x768xf32, #tpu.memory_space<vmem>>, vector<256x64xf32>
    %dot_general3A_61 = arith.constant dense<0.000000e+00> : vector<256x512xf32>
    %dot_general3A_62 = tpu.matmul %get3A_60, %get3A_1, %dot_general3A_61 {dimension_numbers = #tpu.dot_dimension_numbers<[1], [1], [0], [0], [0, 0, 1, 0], [], []>, transpose_lhs_hint = false} : vector<256x64xf32>, vector<512x64xf32>, vector<256x512xf32> -> vector<256x512xf32>
    %max3A_63 = arith.constant 0.000000e+00 : f32
    %max3A_64 = vector.broadcast %max3A_63 : f32 to vector<256x512xf32>
    %max3A_65 = arith.maximumf %dot_general3A_62, %max3A_64 : vector<256x512xf32>
    %convert_element_type3A_66 = arith.truncf %max3A_65 : vector<256x512xf32> to vector<256x512xbf16>
    %convert_element_type3A_67 = arith.extf %convert_element_type3A_66 : vector<256x512xbf16> to vector<256x512xf32>
    %slice3A_68 = vector.extract_strided_slice %convert_element_type3A_6 {offsets = [0, 4], sizes = [1, 1], strides = [1, 1]} : vector<1x12xf32> to vector<1x1xf32>
    %mul3A_69 = vector.broadcast %slice3A_68 : vector<1x1xf32> to vector<256x512xf32>
    %mul3A_70 = arith.mulf %convert_element_type3A_67, %mul3A_69 : vector<256x512xf32>
    %add3A_71 = arith.addf %add3A_57, %mul3A_70 : vector<256x512xf32>
    %get3A_72 = arith.constant 0 : index
    %get3A_73 = arith.constant 320 : index
    %get3A_74 = vector.load %arg1[%get3A_72, %get3A_73] : memref<256x768xf32, #tpu.memory_space<vmem>>, vector<256x64xf32>
    %dot_general3A_75 = arith.constant dense<0.000000e+00> : vector<256x512xf32>
    %dot_general3A_76 = tpu.matmul %get3A_74, %get3A_1, %dot_general3A_75 {dimension_numbers = #tpu.dot_dimension_numbers<[1], [1], [0], [0], [0, 0, 1, 0], [], []>, transpose_lhs_hint = false} : vector<256x64xf32>, vector<512x64xf32>, vector<256x512xf32> -> vector<256x512xf32>
    %max3A_77 = arith.constant 0.000000e+00 : f32
    %max3A_78 = vector.broadcast %max3A_77 : f32 to vector<256x512xf32>
    %max3A_79 = arith.maximumf %dot_general3A_76, %max3A_78 : vector<256x512xf32>
    %convert_element_type3A_80 = arith.truncf %max3A_79 : vector<256x512xf32> to vector<256x512xbf16>
    %convert_element_type3A_81 = arith.extf %convert_element_type3A_80 : vector<256x512xbf16> to vector<256x512xf32>
    %slice3A_82 = vector.extract_strided_slice %convert_element_type3A_6 {offsets = [0, 5], sizes = [1, 1], strides = [1, 1]} : vector<1x12xf32> to vector<1x1xf32>
    %mul3A_83 = vector.broadcast %slice3A_82 : vector<1x1xf32> to vector<256x512xf32>
    %mul3A_84 = arith.mulf %convert_element_type3A_81, %mul3A_83 : vector<256x512xf32>
    %add3A_85 = arith.addf %add3A_71, %mul3A_84 : vector<256x512xf32>
    %get3A_86 = arith.constant 0 : index
    %get3A_87 = arith.constant 384 : index
    %get3A_88 = vector.load %arg1[%get3A_86, %get3A_87] : memref<256x768xf32, #tpu.memory_space<vmem>>, vector<256x64xf32>
    %dot_general3A_89 = arith.constant dense<0.000000e+00> : vector<256x512xf32>
    %dot_general3A_90 = tpu.matmul %get3A_88, %get3A_1, %dot_general3A_89 {dimension_numbers = #tpu.dot_dimension_numbers<[1], [1], [0], [0], [0, 0, 1, 0], [], []>, transpose_lhs_hint = false} : vector<256x64xf32>, vector<512x64xf32>, vector<256x512xf32> -> vector<256x512xf32>
    %max3A_91 = arith.constant 0.000000e+00 : f32
    %max3A_92 = vector.broadcast %max3A_91 : f32 to vector<256x512xf32>
    %max3A_93 = arith.maximumf %dot_general3A_90, %max3A_92 : vector<256x512xf32>
    %convert_element_type3A_94 = arith.truncf %max3A_93 : vector<256x512xf32> to vector<256x512xbf16>
    %convert_element_type3A_95 = arith.extf %convert_element_type3A_94 : vector<256x512xbf16> to vector<256x512xf32>
    %slice3A_96 = vector.extract_strided_slice %convert_element_type3A_6 {offsets = [0, 6], sizes = [1, 1], strides = [1, 1]} : vector<1x12xf32> to vector<1x1xf32>
    %mul3A_97 = vector.broadcast %slice3A_96 : vector<1x1xf32> to vector<256x512xf32>
    %mul3A_98 = arith.mulf %convert_element_type3A_95, %mul3A_97 : vector<256x512xf32>
    %add3A_99 = arith.addf %add3A_85, %mul3A_98 : vector<256x512xf32>
    %get3A_100 = arith.constant 0 : index
    %get3A_101 = arith.constant 448 : index
    %get3A_102 = vector.load %arg1[%get3A_100, %get3A_101] : memref<256x768xf32, #tpu.memory_space<vmem>>, vector<256x64xf32>
    %dot_general3A_103 = arith.constant dense<0.000000e+00> : vector<256x512xf32>
    %dot_general3A_104 = tpu.matmul %get3A_102, %get3A_1, %dot_general3A_103 {dimension_numbers = #tpu.dot_dimension_numbers<[1], [1], [0], [0], [0, 0, 1, 0], [], []>, transpose_lhs_hint = false} : vector<256x64xf32>, vector<512x64xf32>, vector<256x512xf32> -> vector<256x512xf32>
    %max3A_105 = arith.constant 0.000000e+00 : f32
    %max3A_106 = vector.broadcast %max3A_105 : f32 to vector<256x512xf32>
    %max3A_107 = arith.maximumf %dot_general3A_104, %max3A_106 : vector<256x512xf32>
    %convert_element_type3A_108 = arith.truncf %max3A_107 : vector<256x512xf32> to vector<256x512xbf16>
    %convert_element_type3A_109 = arith.extf %convert_element_type3A_108 : vector<256x512xbf16> to vector<256x512xf32>
    %slice3A_110 = vector.extract_strided_slice %convert_element_type3A_6 {offsets = [0, 7], sizes = [1, 1], strides = [1, 1]} : vector<1x12xf32> to vector<1x1xf32>
    %mul3A_111 = vector.broadcast %slice3A_110 : vector<1x1xf32> to vector<256x512xf32>
    %mul3A_112 = arith.mulf %convert_element_type3A_109, %mul3A_111 : vector<256x512xf32>
    %add3A_113 = arith.addf %add3A_99, %mul3A_112 : vector<256x512xf32>
    %get3A_114 = arith.constant 0 : index
    %get3A_115 = arith.constant 512 : index
    %get3A_116 = vector.load %arg1[%get3A_114, %get3A_115] : memref<256x768xf32, #tpu.memory_space<vmem>>, vector<256x64xf32>
    %dot_general3A_117 = arith.constant dense<0.000000e+00> : vector<256x512xf32>
    %dot_general3A_118 = tpu.matmul %get3A_116, %get3A_1, %dot_general3A_117 {dimension_numbers = #tpu.dot_dimension_numbers<[1], [1], [0], [0], [0, 0, 1, 0], [], []>, transpose_lhs_hint = false} : vector<256x64xf32>, vector<512x64xf32>, vector<256x512xf32> -> vector<256x512xf32>
    %max3A_119 = arith.constant 0.000000e+00 : f32
    %max3A_120 = vector.broadcast %max3A_119 : f32 to vector<256x512xf32>
    %max3A_121 = arith.maximumf %dot_general3A_118, %max3A_120 : vector<256x512xf32>
    %convert_element_type3A_122 = arith.truncf %max3A_121 : vector<256x512xf32> to vector<256x512xbf16>
    %convert_element_type3A_123 = arith.extf %convert_element_type3A_122 : vector<256x512xbf16> to vector<256x512xf32>
    %slice3A_124 = vector.extract_strided_slice %convert_element_type3A_6 {offsets = [0, 8], sizes = [1, 1], strides = [1, 1]} : vector<1x12xf32> to vector<1x1xf32>
    %mul3A_125 = vector.broadcast %slice3A_124 : vector<1x1xf32> to vector<256x512xf32>
    %mul3A_126 = arith.mulf %convert_element_type3A_123, %mul3A_125 : vector<256x512xf32>
    %add3A_127 = arith.addf %add3A_113, %mul3A_126 : vector<256x512xf32>
    %get3A_128 = arith.constant 0 : index
    %get3A_129 = arith.constant 576 : index
    %get3A_130 = vector.load %arg1[%get3A_128, %get3A_129] : memref<256x768xf32, #tpu.memory_space<vmem>>, vector<256x64xf32>
    %dot_general3A_131 = arith.constant dense<0.000000e+00> : vector<256x512xf32>
    %dot_general3A_132 = tpu.matmul %get3A_130, %get3A_1, %dot_general3A_131 {dimension_numbers = #tpu.dot_dimension_numbers<[1], [1], [0], [0], [0, 0, 1, 0], [], []>, transpose_lhs_hint = false} : vector<256x64xf32>, vector<512x64xf32>, vector<256x512xf32> -> vector<256x512xf32>
    %max3A_133 = arith.constant 0.000000e+00 : f32
    %max3A_134 = vector.broadcast %max3A_133 : f32 to vector<256x512xf32>
    %max3A_135 = arith.maximumf %dot_general3A_132, %max3A_134 : vector<256x512xf32>
    %convert_element_type3A_136 = arith.truncf %max3A_135 : vector<256x512xf32> to vector<256x512xbf16>
    %convert_element_type3A_137 = arith.extf %convert_element_type3A_136 : vector<256x512xbf16> to vector<256x512xf32>
    %slice3A_138 = vector.extract_strided_slice %convert_element_type3A_6 {offsets = [0, 9], sizes = [1, 1], strides = [1, 1]} : vector<1x12xf32> to vector<1x1xf32>
    %mul3A_139 = vector.broadcast %slice3A_138 : vector<1x1xf32> to vector<256x512xf32>
    %mul3A_140 = arith.mulf %convert_element_type3A_137, %mul3A_139 : vector<256x512xf32>
    %add3A_141 = arith.addf %add3A_127, %mul3A_140 : vector<256x512xf32>
    %get3A_142 = arith.constant 0 : index
    %get3A_143 = arith.constant 640 : index
    %get3A_144 = vector.load %arg1[%get3A_142, %get3A_143] : memref<256x768xf32, #tpu.memory_space<vmem>>, vector<256x64xf32>
    %dot_general3A_145 = arith.constant dense<0.000000e+00> : vector<256x512xf32>
    %dot_general3A_146 = tpu.matmul %get3A_144, %get3A_1, %dot_general3A_145 {dimension_numbers = #tpu.dot_dimension_numbers<[1], [1], [0], [0], [0, 0, 1, 0], [], []>, transpose_lhs_hint = false} : vector<256x64xf32>, vector<512x64xf32>, vector<256x512xf32> -> vector<256x512xf32>
    %max3A_147 = arith.constant 0.000000e+00 : f32
    %max3A_148 = vector.broadcast %max3A_147 : f32 to vector<256x512xf32>
    %max3A_149 = arith.maximumf %dot_general3A_146, %max3A_148 : vector<256x512xf32>
    %convert_element_type3A_150 = arith.truncf %max3A_149 : vector<256x512xf32> to vector<256x512xbf16>
    %convert_element_type3A_151 = arith.extf %convert_element_type3A_150 : vector<256x512xbf16> to vector<256x512xf32>
    %slice3A_152 = vector.extract_strided_slice %convert_element_type3A_6 {offsets = [0, 10], sizes = [1, 1], strides = [1, 1]} : vector<1x12xf32> to vector<1x1xf32>
    %mul3A_153 = vector.broadcast %slice3A_152 : vector<1x1xf32> to vector<256x512xf32>
    %mul3A_154 = arith.mulf %convert_element_type3A_151, %mul3A_153 : vector<256x512xf32>
    %add3A_155 = arith.addf %add3A_141, %mul3A_154 : vector<256x512xf32>
    %get3A_156 = arith.constant 0 : index
    %get3A_157 = arith.constant 704 : index
    %get3A_158 = vector.load %arg1[%get3A_156, %get3A_157] : memref<256x768xf32, #tpu.memory_space<vmem>>, vector<256x64xf32>
    %dot_general3A_159 = arith.constant dense<0.000000e+00> : vector<256x512xf32>
    %dot_general3A_160 = tpu.matmul %get3A_158, %get3A_1, %dot_general3A_159 {dimension_numbers = #tpu.dot_dimension_numbers<[1], [1], [0], [0], [0, 0, 1, 0], [], []>, transpose_lhs_hint = false} : vector<256x64xf32>, vector<512x64xf32>, vector<256x512xf32> -> vector<256x512xf32>
    %max3A_161 = arith.constant 0.000000e+00 : f32
    %max3A_162 = vector.broadcast %max3A_161 : f32 to vector<256x512xf32>
    %max3A_163 = arith.maximumf %dot_general3A_160, %max3A_162 : vector<256x512xf32>
    %convert_element_type3A_164 = arith.truncf %max3A_163 : vector<256x512xf32> to vector<256x512xbf16>
    %convert_element_type3A_165 = arith.extf %convert_element_type3A_164 : vector<256x512xbf16> to vector<256x512xf32>
    %slice3A_166 = vector.extract_strided_slice %convert_element_type3A_6 {offsets = [0, 11], sizes = [1, 1], strides = [1, 1]} : vector<1x12xf32> to vector<1x1xf32>
    %mul3A_167 = vector.broadcast %slice3A_166 : vector<1x1xf32> to vector<256x512xf32>
    %mul3A_168 = arith.mulf %convert_element_type3A_165, %mul3A_167 : vector<256x512xf32>
    %add3A_169 = arith.addf %add3A_155, %mul3A_168 : vector<256x512xf32>
    %iota3A = tpu.iota {dimensions = array<i32: 0>} : vector<256x1xi32>
    %add3A_170 = arith.constant 256 : i32
    %add3A_171 = vector.broadcast %add3A_170 : i32 to vector<256x1xi32>
    %add3A_172 = arith.addi %add3A_171, %iota3A : vector<256x1xi32>
    %iota3A_173 = tpu.iota {dimensions = array<i32: 1>} : vector<256x512xi32>
    %sub3A = arith.constant 15 : i32
    %sub3A_174 = vector.broadcast %sub3A : i32 to vector<256x1xi32>
    %sub3A_175 = arith.subi %add3A_172, %sub3A_174 : vector<256x1xi32>
    %max3A_176 = arith.constant 0 : i32
    %max3A_177 = vector.broadcast %max3A_176 : i32 to vector<256x1xi32>
    %max3A_178 = arith.maxsi %sub3A_175, %max3A_177 : vector<256x1xi32>
    %ge3A = vector.broadcast %max3A_178 : vector<256x1xi32> to vector<256x512xi32>
    %ge3A_179 = arith.cmpi sge, %iota3A_173, %ge3A : vector<256x512xi32>
    %add3A_180 = arith.constant 15 : i32
    %add3A_181 = vector.broadcast %add3A_180 : i32 to vector<256x1xi32>
    %add3A_182 = arith.addi %max3A_178, %add3A_181 : vector<256x1xi32>
    %le3A = vector.broadcast %add3A_182 : vector<256x1xi32> to vector<256x512xi32>
    %le3A_183 = arith.cmpi sle, %iota3A_173, %le3A : vector<256x512xi32>
    %and3A = arith.andi %ge3A_179, %le3A_183 : vector<256x512xi1>
    %gt3A = vector.broadcast %add3A_172 : vector<256x1xi32> to vector<256x512xi32>
    %gt3A_184 = arith.cmpi sgt, %iota3A_173, %gt3A : vector<256x512xi32>
    %jit3A = arith.constant 0xFF800000 : f32
    %broadcast_in_dim3A_185 = vector.broadcast %jit3A : f32 to vector<256x512xf32>
    %select_n3A = arith.select %gt3A_184, %broadcast_in_dim3A_185, %add3A_169 : vector<256x512xi1>, vector<256x512xf32>
    %bitcast_convert_type3A = tpu.bitcast %select_n3A : vector<256x512xf32> -> vector<256x512xi32>
    %lt3A = arith.constant 0 : i32
    %lt3A_186 = vector.broadcast %lt3A : i32 to vector<256x512xi32>
    %lt3A_187 = arith.cmpi slt, %bitcast_convert_type3A, %lt3A_186 : vector<256x512xi32>
    %xor3A = arith.constant 2147483647 : i32
    %xor3A_188 = vector.broadcast %xor3A : i32 to vector<256x512xi32>
    %xor3A_189 = arith.xori %bitcast_convert_type3A, %xor3A_188 : vector<256x512xi32>
    %select_n3A_190 = arith.select %lt3A_187, %xor3A_189, %bitcast_convert_type3A : vector<256x512xi1>, vector<256x512xi32>
    %jit3A_191 = arith.constant -2147483648 : i32
    %broadcast_in_dim3A_192 = vector.broadcast %jit3A_191 : i32 to vector<256x512xi32>
    %select_n3A_193 = arith.select %and3A, %broadcast_in_dim3A_192, %select_n3A_190 : vector<256x512xi1>, vector<256x512xi32>
    %iota3A_194 = tpu.iota {dimensions = array<i32: 1>} : vector<256x16xi32>
    %broadcast_in_dim3A_195 = arith.constant 0 : i32
    %broadcast_in_dim3A_196 = vector.broadcast %broadcast_in_dim3A_195 : i32 to vector<256x16xi32>
    %scan3A = arith.constant 0 : i32
    %scan3A_197 = arith.constant 16 : i32
    %scan3A_198 = arith.addi %scan3A, %scan3A_197 : i32
    %scan3A_199 = arith.constant 1 : i32
    %scan3A_200:2 = scf.for %scan3A_209 = %scan3A to %scan3A_198 step %scan3A_199 iter_args(%scan3A_210 = %select_n3A_193, %scan3A_211 = %broadcast_in_dim3A_196) -> (vector<256x512xi32>, vector<256x16xi32>)  : i32 {
      %reduce_max3A = arith.constant dense<-2147483648> : vector<256xi32>
      %reduce_max3A_212 = vector.multi_reduction <maxsi>, %scan3A_210, %reduce_max3A [1] : vector<256x512xi32> to vector<256xi32>
      %broadcast_in_dim3A_213 = vector.shape_cast %reduce_max3A_212 : vector<256xi32> to vector<256x1xi32>
      %eq3A = vector.broadcast %broadcast_in_dim3A_213 : vector<256x1xi32> to vector<256x512xi32>
      %eq3A_214 = arith.cmpi eq, %scan3A_210, %eq3A : vector<256x512xi32>
      %jit3A_215 = arith.constant 512 : i32
      %broadcast_in_dim3A_216 = vector.broadcast %jit3A_215 : i32 to vector<256x512xi32>
      %select_n3A_217 = arith.select %eq3A_214, %iota3A_173, %broadcast_in_dim3A_216 : vector<256x512xi1>, vector<256x512xi32>
      %reduce_min3A = arith.constant dense<2147483647> : vector<256xi32>
      %reduce_min3A_218 = vector.multi_reduction <minsi>, %select_n3A_217, %reduce_min3A [1] : vector<256x512xi32> to vector<256xi32>
      %broadcast_in_dim3A_219 = vector.shape_cast %reduce_min3A_218 : vector<256xi32> to vector<256x1xi32>
      %eq3A_220 = vector.broadcast %broadcast_in_dim3A_219 : vector<256x1xi32> to vector<256x512xi32>
      %eq3A_221 = arith.cmpi eq, %iota3A_173, %eq3A_220 : vector<256x512xi32>
      %jit3A_222 = arith.constant -2147483648 : i32
      %broadcast_in_dim3A_223 = vector.broadcast %jit3A_222 : i32 to vector<256x512xi32>
      %select_n3A_224 = arith.select %eq3A_221, %broadcast_in_dim3A_223, %scan3A_210 : vector<256x512xi1>, vector<256x512xi32>
      %eq3A_225 = vector.broadcast %scan3A_209 : i32 to vector<256x16xi32>
      %eq3A_226 = arith.cmpi eq, %iota3A_194, %eq3A_225 : vector<256x16xi32>
      %broadcast_in_dim3A_227 = vector.shape_cast %broadcast_in_dim3A_219 : vector<256x1xi32> to vector<256x1xi32>
      %broadcast_in_dim3A_228 = vector.broadcast %broadcast_in_dim3A_227 : vector<256x1xi32> to vector<256x16xi32>
      %select_n3A_229 = arith.select %eq3A_226, %broadcast_in_dim3A_228, %scan3A_211 : vector<256x16xi1>, vector<256x16xi32>
      scf.yield %select_n3A_224, %select_n3A_229 : vector<256x512xi32>, vector<256x16xi32>
    }
    %scan3A_201 = arith.constant 16 : i32
    %add3A_202 = vector.broadcast %max3A_178 : vector<256x1xi32> to vector<256x16xi32>
    %add3A_203 = arith.addi %add3A_202, %iota3A_194 : vector<256x16xi32>
    %swap3A = arith.constant 0 : index
    %swap3A_204 = arith.constant 0 : index
    %swap3A_205 = vector.load %arg4[%swap3A, %swap3A_204] : memref<256x32xi32, #tpu.memory_space<vmem>>, vector<256x16xi32>
    tpu.vector_store %arg4[%swap3A, %swap3A_204], %add3A_203 {strides = array<i32>} : memref<256x32xi32, #tpu.memory_space<vmem>>, vector<256x16xi32>,
    %swap3A_206 = arith.constant 0 : index
    %swap3A_207 = arith.constant 16 : index
    %swap3A_208 = vector.load %arg4[%swap3A_206, %swap3A_207] : memref<256x32xi32, #tpu.memory_space<vmem>>, vector<256x16xi32>
    tpu.vector_store %arg4[%swap3A_206, %swap3A_207], %scan3A_200#1 {strides = array<i32>} : memref<256x32xi32, #tpu.memory_space<vmem>>, vector<256x16xi32>,
    return
  }
  func.func @transform_0(%arg0: i32) -> (i32, i32) {
    %c1_i32 = arith.constant 1 : i32
    %c0_i32 = arith.constant 0 : i32
    %c0_i32_0 = arith.constant 0 : i32
    return %c1_i32, %c0_i32 : i32, i32
  }
  func.func @transform_1(%arg0: i32) -> (i32, i32) {
    %c0_i32 = arith.constant 0 : i32
    %c0_i32_0 = arith.constant 0 : i32
    %c0_i32_1 = arith.constant 0 : i32
    return %c0_i32, %c0_i32_0 : i32, i32
  }
  func.func @transform_2(%arg0: i32) -> (i32, i32) {
    %c0_i32 = arith.constant 0 : i32
    %c0_i32_0 = arith.constant 0 : i32
    %c0_i32_1 = arith.constant 0 : i32
    return %c0_i32, %c0_i32_0 : i32, i32
  }
  func.func @transform_3(%arg0: i32) -> (i32, i32) {
    %c0_i32 = arith.constant 0 : i32
    %c0_i32_0 = arith.constant 0 : i32
    %c0_i32_1 = arith.constant 0 : i32
    return %c0_i32, %c0_i32_0 : i32, i32
  }
}

module attributes {stable_mosaic.version = 14 : i64} {
  func.func @_topk_body(%arg0: i32, %arg1: memref<256x768xf32, #tpu.memory_space<vmem>>, %arg2: memref<256x64xf32, #tpu.memory_space<vmem>>, %arg3: memref<1x12xf32, #tpu.memory_space<vmem>>, %arg4: memref<256x32xi32, #tpu.memory_space<vmem>>) attributes {dimension_semantics = [#tpu.dimension_semantics<arbitrary>], iteration_bounds = array<i64: 1>, scalar_prefetch = 0 : i64, scratch_operands = 0 : i64, tpu.core_type = #tpu.core_type<tc>, window_params = [{transform_indices = @transform_0, window_bounds = array<i64: 256, 768>}, {transform_indices = @transform_1, window_bounds = array<i64: 256, 64>}, {pipeline_mode = #tpu.pipeline_mode<synchronous>, transform_indices = @transform_2, window_bounds = array<i64: 1, 12>}, {pipeline_mode = #tpu.pipeline_mode<synchronous>, transform_indices = @transform_3, window_bounds = array<i64: 256, 32>}]} {
    %get3A = arith.constant 0 : index
    %get3A_0 = arith.constant 0 : index
    %get3A_1 = vector.load %arg2[%get3A, %get3A_0] : memref<256x64xf32, #tpu.memory_space<vmem>>, vector<256x64xf32>
    %broadcast_in_dim3A = arith.constant 0.000000e+00 : f32
    %broadcast_in_dim3A_2 = vector.broadcast %broadcast_in_dim3A : f32 to vector<256x256xf32>
    %get3A_3 = arith.constant 0 : index
    %get3A_4 = arith.constant 0 : index
    %get3A_5 = vector.load %arg3[%get3A_3, %get3A_4] : memref<1x12xf32, #tpu.memory_space<vmem>>, vector<1x12xf32>
    %convert_element_type3A = arith.truncf %get3A_5 : vector<1x12xf32> to vector<1x12xbf16>
    %convert_element_type3A_6 = arith.extf %convert_element_type3A : vector<1x12xbf16> to vector<1x12xf32>
    %get3A_7 = arith.constant 0 : index
    %get3A_8 = arith.constant 0 : index
    %get3A_9 = vector.load %arg1[%get3A_7, %get3A_8] : memref<256x768xf32, #tpu.memory_space<vmem>>, vector<256x64xf32>
    %dot_general3A = arith.constant dense<0.000000e+00> : vector<256x256xf32>
    %dot_general3A_10 = tpu.matmul %get3A_9, %get3A_1, %dot_general3A {dimension_numbers = #tpu.dot_dimension_numbers<[1], [1], [0], [0], [0, 0, 1, 0], [], []>, transpose_lhs_hint = false} : vector<256x64xf32>, vector<256x64xf32>, vector<256x256xf32> -> vector<256x256xf32>
    %max3A = arith.constant 0.000000e+00 : f32
    %max3A_11 = vector.broadcast %max3A : f32 to vector<256x256xf32>
    %max3A_12 = arith.maximumf %dot_general3A_10, %max3A_11 : vector<256x256xf32>
    %convert_element_type3A_13 = arith.truncf %max3A_12 : vector<256x256xf32> to vector<256x256xbf16>
    %convert_element_type3A_14 = arith.extf %convert_element_type3A_13 : vector<256x256xbf16> to vector<256x256xf32>
    %slice3A = vector.extract_strided_slice %convert_element_type3A_6 {offsets = [0, 0], sizes = [1, 1], strides = [1, 1]} : vector<1x12xf32> to vector<1x1xf32>
    %mul3A = vector.broadcast %slice3A : vector<1x1xf32> to vector<256x256xf32>
    %mul3A_15 = arith.mulf %convert_element_type3A_14, %mul3A : vector<256x256xf32>
    %add3A = arith.addf %broadcast_in_dim3A_2, %mul3A_15 : vector<256x256xf32>
    %get3A_16 = arith.constant 0 : index
    %get3A_17 = arith.constant 64 : index
    %get3A_18 = vector.load %arg1[%get3A_16, %get3A_17] : memref<256x768xf32, #tpu.memory_space<vmem>>, vector<256x64xf32>
    %dot_general3A_19 = arith.constant dense<0.000000e+00> : vector<256x256xf32>
    %dot_general3A_20 = tpu.matmul %get3A_18, %get3A_1, %dot_general3A_19 {dimension_numbers = #tpu.dot_dimension_numbers<[1], [1], [0], [0], [0, 0, 1, 0], [], []>, transpose_lhs_hint = false} : vector<256x64xf32>, vector<256x64xf32>, vector<256x256xf32> -> vector<256x256xf32>
    %max3A_21 = arith.constant 0.000000e+00 : f32
    %max3A_22 = vector.broadcast %max3A_21 : f32 to vector<256x256xf32>
    %max3A_23 = arith.maximumf %dot_general3A_20, %max3A_22 : vector<256x256xf32>
    %convert_element_type3A_24 = arith.truncf %max3A_23 : vector<256x256xf32> to vector<256x256xbf16>
    %convert_element_type3A_25 = arith.extf %convert_element_type3A_24 : vector<256x256xbf16> to vector<256x256xf32>
    %slice3A_26 = vector.extract_strided_slice %convert_element_type3A_6 {offsets = [0, 1], sizes = [1, 1], strides = [1, 1]} : vector<1x12xf32> to vector<1x1xf32>
    %mul3A_27 = vector.broadcast %slice3A_26 : vector<1x1xf32> to vector<256x256xf32>
    %mul3A_28 = arith.mulf %convert_element_type3A_25, %mul3A_27 : vector<256x256xf32>
    %add3A_29 = arith.addf %add3A, %mul3A_28 : vector<256x256xf32>
    %get3A_30 = arith.constant 0 : index
    %get3A_31 = arith.constant 128 : index
    %get3A_32 = vector.load %arg1[%get3A_30, %get3A_31] : memref<256x768xf32, #tpu.memory_space<vmem>>, vector<256x64xf32>
    %dot_general3A_33 = arith.constant dense<0.000000e+00> : vector<256x256xf32>
    %dot_general3A_34 = tpu.matmul %get3A_32, %get3A_1, %dot_general3A_33 {dimension_numbers = #tpu.dot_dimension_numbers<[1], [1], [0], [0], [0, 0, 1, 0], [], []>, transpose_lhs_hint = false} : vector<256x64xf32>, vector<256x64xf32>, vector<256x256xf32> -> vector<256x256xf32>
    %max3A_35 = arith.constant 0.000000e+00 : f32
    %max3A_36 = vector.broadcast %max3A_35 : f32 to vector<256x256xf32>
    %max3A_37 = arith.maximumf %dot_general3A_34, %max3A_36 : vector<256x256xf32>
    %convert_element_type3A_38 = arith.truncf %max3A_37 : vector<256x256xf32> to vector<256x256xbf16>
    %convert_element_type3A_39 = arith.extf %convert_element_type3A_38 : vector<256x256xbf16> to vector<256x256xf32>
    %slice3A_40 = vector.extract_strided_slice %convert_element_type3A_6 {offsets = [0, 2], sizes = [1, 1], strides = [1, 1]} : vector<1x12xf32> to vector<1x1xf32>
    %mul3A_41 = vector.broadcast %slice3A_40 : vector<1x1xf32> to vector<256x256xf32>
    %mul3A_42 = arith.mulf %convert_element_type3A_39, %mul3A_41 : vector<256x256xf32>
    %add3A_43 = arith.addf %add3A_29, %mul3A_42 : vector<256x256xf32>
    %get3A_44 = arith.constant 0 : index
    %get3A_45 = arith.constant 192 : index
    %get3A_46 = vector.load %arg1[%get3A_44, %get3A_45] : memref<256x768xf32, #tpu.memory_space<vmem>>, vector<256x64xf32>
    %dot_general3A_47 = arith.constant dense<0.000000e+00> : vector<256x256xf32>
    %dot_general3A_48 = tpu.matmul %get3A_46, %get3A_1, %dot_general3A_47 {dimension_numbers = #tpu.dot_dimension_numbers<[1], [1], [0], [0], [0, 0, 1, 0], [], []>, transpose_lhs_hint = false} : vector<256x64xf32>, vector<256x64xf32>, vector<256x256xf32> -> vector<256x256xf32>
    %max3A_49 = arith.constant 0.000000e+00 : f32
    %max3A_50 = vector.broadcast %max3A_49 : f32 to vector<256x256xf32>
    %max3A_51 = arith.maximumf %dot_general3A_48, %max3A_50 : vector<256x256xf32>
    %convert_element_type3A_52 = arith.truncf %max3A_51 : vector<256x256xf32> to vector<256x256xbf16>
    %convert_element_type3A_53 = arith.extf %convert_element_type3A_52 : vector<256x256xbf16> to vector<256x256xf32>
    %slice3A_54 = vector.extract_strided_slice %convert_element_type3A_6 {offsets = [0, 3], sizes = [1, 1], strides = [1, 1]} : vector<1x12xf32> to vector<1x1xf32>
    %mul3A_55 = vector.broadcast %slice3A_54 : vector<1x1xf32> to vector<256x256xf32>
    %mul3A_56 = arith.mulf %convert_element_type3A_53, %mul3A_55 : vector<256x256xf32>
    %add3A_57 = arith.addf %add3A_43, %mul3A_56 : vector<256x256xf32>
    %get3A_58 = arith.constant 0 : index
    %get3A_59 = arith.constant 256 : index
    %get3A_60 = vector.load %arg1[%get3A_58, %get3A_59] : memref<256x768xf32, #tpu.memory_space<vmem>>, vector<256x64xf32>
    %dot_general3A_61 = arith.constant dense<0.000000e+00> : vector<256x256xf32>
    %dot_general3A_62 = tpu.matmul %get3A_60, %get3A_1, %dot_general3A_61 {dimension_numbers = #tpu.dot_dimension_numbers<[1], [1], [0], [0], [0, 0, 1, 0], [], []>, transpose_lhs_hint = false} : vector<256x64xf32>, vector<256x64xf32>, vector<256x256xf32> -> vector<256x256xf32>
    %max3A_63 = arith.constant 0.000000e+00 : f32
    %max3A_64 = vector.broadcast %max3A_63 : f32 to vector<256x256xf32>
    %max3A_65 = arith.maximumf %dot_general3A_62, %max3A_64 : vector<256x256xf32>
    %convert_element_type3A_66 = arith.truncf %max3A_65 : vector<256x256xf32> to vector<256x256xbf16>
    %convert_element_type3A_67 = arith.extf %convert_element_type3A_66 : vector<256x256xbf16> to vector<256x256xf32>
    %slice3A_68 = vector.extract_strided_slice %convert_element_type3A_6 {offsets = [0, 4], sizes = [1, 1], strides = [1, 1]} : vector<1x12xf32> to vector<1x1xf32>
    %mul3A_69 = vector.broadcast %slice3A_68 : vector<1x1xf32> to vector<256x256xf32>
    %mul3A_70 = arith.mulf %convert_element_type3A_67, %mul3A_69 : vector<256x256xf32>
    %add3A_71 = arith.addf %add3A_57, %mul3A_70 : vector<256x256xf32>
    %get3A_72 = arith.constant 0 : index
    %get3A_73 = arith.constant 320 : index
    %get3A_74 = vector.load %arg1[%get3A_72, %get3A_73] : memref<256x768xf32, #tpu.memory_space<vmem>>, vector<256x64xf32>
    %dot_general3A_75 = arith.constant dense<0.000000e+00> : vector<256x256xf32>
    %dot_general3A_76 = tpu.matmul %get3A_74, %get3A_1, %dot_general3A_75 {dimension_numbers = #tpu.dot_dimension_numbers<[1], [1], [0], [0], [0, 0, 1, 0], [], []>, transpose_lhs_hint = false} : vector<256x64xf32>, vector<256x64xf32>, vector<256x256xf32> -> vector<256x256xf32>
    %max3A_77 = arith.constant 0.000000e+00 : f32
    %max3A_78 = vector.broadcast %max3A_77 : f32 to vector<256x256xf32>
    %max3A_79 = arith.maximumf %dot_general3A_76, %max3A_78 : vector<256x256xf32>
    %convert_element_type3A_80 = arith.truncf %max3A_79 : vector<256x256xf32> to vector<256x256xbf16>
    %convert_element_type3A_81 = arith.extf %convert_element_type3A_80 : vector<256x256xbf16> to vector<256x256xf32>
    %slice3A_82 = vector.extract_strided_slice %convert_element_type3A_6 {offsets = [0, 5], sizes = [1, 1], strides = [1, 1]} : vector<1x12xf32> to vector<1x1xf32>
    %mul3A_83 = vector.broadcast %slice3A_82 : vector<1x1xf32> to vector<256x256xf32>
    %mul3A_84 = arith.mulf %convert_element_type3A_81, %mul3A_83 : vector<256x256xf32>
    %add3A_85 = arith.addf %add3A_71, %mul3A_84 : vector<256x256xf32>
    %get3A_86 = arith.constant 0 : index
    %get3A_87 = arith.constant 384 : index
    %get3A_88 = vector.load %arg1[%get3A_86, %get3A_87] : memref<256x768xf32, #tpu.memory_space<vmem>>, vector<256x64xf32>
    %dot_general3A_89 = arith.constant dense<0.000000e+00> : vector<256x256xf32>
    %dot_general3A_90 = tpu.matmul %get3A_88, %get3A_1, %dot_general3A_89 {dimension_numbers = #tpu.dot_dimension_numbers<[1], [1], [0], [0], [0, 0, 1, 0], [], []>, transpose_lhs_hint = false} : vector<256x64xf32>, vector<256x64xf32>, vector<256x256xf32> -> vector<256x256xf32>
    %max3A_91 = arith.constant 0.000000e+00 : f32
    %max3A_92 = vector.broadcast %max3A_91 : f32 to vector<256x256xf32>
    %max3A_93 = arith.maximumf %dot_general3A_90, %max3A_92 : vector<256x256xf32>
    %convert_element_type3A_94 = arith.truncf %max3A_93 : vector<256x256xf32> to vector<256x256xbf16>
    %convert_element_type3A_95 = arith.extf %convert_element_type3A_94 : vector<256x256xbf16> to vector<256x256xf32>
    %slice3A_96 = vector.extract_strided_slice %convert_element_type3A_6 {offsets = [0, 6], sizes = [1, 1], strides = [1, 1]} : vector<1x12xf32> to vector<1x1xf32>
    %mul3A_97 = vector.broadcast %slice3A_96 : vector<1x1xf32> to vector<256x256xf32>
    %mul3A_98 = arith.mulf %convert_element_type3A_95, %mul3A_97 : vector<256x256xf32>
    %add3A_99 = arith.addf %add3A_85, %mul3A_98 : vector<256x256xf32>
    %get3A_100 = arith.constant 0 : index
    %get3A_101 = arith.constant 448 : index
    %get3A_102 = vector.load %arg1[%get3A_100, %get3A_101] : memref<256x768xf32, #tpu.memory_space<vmem>>, vector<256x64xf32>
    %dot_general3A_103 = arith.constant dense<0.000000e+00> : vector<256x256xf32>
    %dot_general3A_104 = tpu.matmul %get3A_102, %get3A_1, %dot_general3A_103 {dimension_numbers = #tpu.dot_dimension_numbers<[1], [1], [0], [0], [0, 0, 1, 0], [], []>, transpose_lhs_hint = false} : vector<256x64xf32>, vector<256x64xf32>, vector<256x256xf32> -> vector<256x256xf32>
    %max3A_105 = arith.constant 0.000000e+00 : f32
    %max3A_106 = vector.broadcast %max3A_105 : f32 to vector<256x256xf32>
    %max3A_107 = arith.maximumf %dot_general3A_104, %max3A_106 : vector<256x256xf32>
    %convert_element_type3A_108 = arith.truncf %max3A_107 : vector<256x256xf32> to vector<256x256xbf16>
    %convert_element_type3A_109 = arith.extf %convert_element_type3A_108 : vector<256x256xbf16> to vector<256x256xf32>
    %slice3A_110 = vector.extract_strided_slice %convert_element_type3A_6 {offsets = [0, 7], sizes = [1, 1], strides = [1, 1]} : vector<1x12xf32> to vector<1x1xf32>
    %mul3A_111 = vector.broadcast %slice3A_110 : vector<1x1xf32> to vector<256x256xf32>
    %mul3A_112 = arith.mulf %convert_element_type3A_109, %mul3A_111 : vector<256x256xf32>
    %add3A_113 = arith.addf %add3A_99, %mul3A_112 : vector<256x256xf32>
    %get3A_114 = arith.constant 0 : index
    %get3A_115 = arith.constant 512 : index
    %get3A_116 = vector.load %arg1[%get3A_114, %get3A_115] : memref<256x768xf32, #tpu.memory_space<vmem>>, vector<256x64xf32>
    %dot_general3A_117 = arith.constant dense<0.000000e+00> : vector<256x256xf32>
    %dot_general3A_118 = tpu.matmul %get3A_116, %get3A_1, %dot_general3A_117 {dimension_numbers = #tpu.dot_dimension_numbers<[1], [1], [0], [0], [0, 0, 1, 0], [], []>, transpose_lhs_hint = false} : vector<256x64xf32>, vector<256x64xf32>, vector<256x256xf32> -> vector<256x256xf32>
    %max3A_119 = arith.constant 0.000000e+00 : f32
    %max3A_120 = vector.broadcast %max3A_119 : f32 to vector<256x256xf32>
    %max3A_121 = arith.maximumf %dot_general3A_118, %max3A_120 : vector<256x256xf32>
    %convert_element_type3A_122 = arith.truncf %max3A_121 : vector<256x256xf32> to vector<256x256xbf16>
    %convert_element_type3A_123 = arith.extf %convert_element_type3A_122 : vector<256x256xbf16> to vector<256x256xf32>
    %slice3A_124 = vector.extract_strided_slice %convert_element_type3A_6 {offsets = [0, 8], sizes = [1, 1], strides = [1, 1]} : vector<1x12xf32> to vector<1x1xf32>
    %mul3A_125 = vector.broadcast %slice3A_124 : vector<1x1xf32> to vector<256x256xf32>
    %mul3A_126 = arith.mulf %convert_element_type3A_123, %mul3A_125 : vector<256x256xf32>
    %add3A_127 = arith.addf %add3A_113, %mul3A_126 : vector<256x256xf32>
    %get3A_128 = arith.constant 0 : index
    %get3A_129 = arith.constant 576 : index
    %get3A_130 = vector.load %arg1[%get3A_128, %get3A_129] : memref<256x768xf32, #tpu.memory_space<vmem>>, vector<256x64xf32>
    %dot_general3A_131 = arith.constant dense<0.000000e+00> : vector<256x256xf32>
    %dot_general3A_132 = tpu.matmul %get3A_130, %get3A_1, %dot_general3A_131 {dimension_numbers = #tpu.dot_dimension_numbers<[1], [1], [0], [0], [0, 0, 1, 0], [], []>, transpose_lhs_hint = false} : vector<256x64xf32>, vector<256x64xf32>, vector<256x256xf32> -> vector<256x256xf32>
    %max3A_133 = arith.constant 0.000000e+00 : f32
    %max3A_134 = vector.broadcast %max3A_133 : f32 to vector<256x256xf32>
    %max3A_135 = arith.maximumf %dot_general3A_132, %max3A_134 : vector<256x256xf32>
    %convert_element_type3A_136 = arith.truncf %max3A_135 : vector<256x256xf32> to vector<256x256xbf16>
    %convert_element_type3A_137 = arith.extf %convert_element_type3A_136 : vector<256x256xbf16> to vector<256x256xf32>
    %slice3A_138 = vector.extract_strided_slice %convert_element_type3A_6 {offsets = [0, 9], sizes = [1, 1], strides = [1, 1]} : vector<1x12xf32> to vector<1x1xf32>
    %mul3A_139 = vector.broadcast %slice3A_138 : vector<1x1xf32> to vector<256x256xf32>
    %mul3A_140 = arith.mulf %convert_element_type3A_137, %mul3A_139 : vector<256x256xf32>
    %add3A_141 = arith.addf %add3A_127, %mul3A_140 : vector<256x256xf32>
    %get3A_142 = arith.constant 0 : index
    %get3A_143 = arith.constant 640 : index
    %get3A_144 = vector.load %arg1[%get3A_142, %get3A_143] : memref<256x768xf32, #tpu.memory_space<vmem>>, vector<256x64xf32>
    %dot_general3A_145 = arith.constant dense<0.000000e+00> : vector<256x256xf32>
    %dot_general3A_146 = tpu.matmul %get3A_144, %get3A_1, %dot_general3A_145 {dimension_numbers = #tpu.dot_dimension_numbers<[1], [1], [0], [0], [0, 0, 1, 0], [], []>, transpose_lhs_hint = false} : vector<256x64xf32>, vector<256x64xf32>, vector<256x256xf32> -> vector<256x256xf32>
    %max3A_147 = arith.constant 0.000000e+00 : f32
    %max3A_148 = vector.broadcast %max3A_147 : f32 to vector<256x256xf32>
    %max3A_149 = arith.maximumf %dot_general3A_146, %max3A_148 : vector<256x256xf32>
    %convert_element_type3A_150 = arith.truncf %max3A_149 : vector<256x256xf32> to vector<256x256xbf16>
    %convert_element_type3A_151 = arith.extf %convert_element_type3A_150 : vector<256x256xbf16> to vector<256x256xf32>
    %slice3A_152 = vector.extract_strided_slice %convert_element_type3A_6 {offsets = [0, 10], sizes = [1, 1], strides = [1, 1]} : vector<1x12xf32> to vector<1x1xf32>
    %mul3A_153 = vector.broadcast %slice3A_152 : vector<1x1xf32> to vector<256x256xf32>
    %mul3A_154 = arith.mulf %convert_element_type3A_151, %mul3A_153 : vector<256x256xf32>
    %add3A_155 = arith.addf %add3A_141, %mul3A_154 : vector<256x256xf32>
    %get3A_156 = arith.constant 0 : index
    %get3A_157 = arith.constant 704 : index
    %get3A_158 = vector.load %arg1[%get3A_156, %get3A_157] : memref<256x768xf32, #tpu.memory_space<vmem>>, vector<256x64xf32>
    %dot_general3A_159 = arith.constant dense<0.000000e+00> : vector<256x256xf32>
    %dot_general3A_160 = tpu.matmul %get3A_158, %get3A_1, %dot_general3A_159 {dimension_numbers = #tpu.dot_dimension_numbers<[1], [1], [0], [0], [0, 0, 1, 0], [], []>, transpose_lhs_hint = false} : vector<256x64xf32>, vector<256x64xf32>, vector<256x256xf32> -> vector<256x256xf32>
    %max3A_161 = arith.constant 0.000000e+00 : f32
    %max3A_162 = vector.broadcast %max3A_161 : f32 to vector<256x256xf32>
    %max3A_163 = arith.maximumf %dot_general3A_160, %max3A_162 : vector<256x256xf32>
    %convert_element_type3A_164 = arith.truncf %max3A_163 : vector<256x256xf32> to vector<256x256xbf16>
    %convert_element_type3A_165 = arith.extf %convert_element_type3A_164 : vector<256x256xbf16> to vector<256x256xf32>
    %slice3A_166 = vector.extract_strided_slice %convert_element_type3A_6 {offsets = [0, 11], sizes = [1, 1], strides = [1, 1]} : vector<1x12xf32> to vector<1x1xf32>
    %mul3A_167 = vector.broadcast %slice3A_166 : vector<1x1xf32> to vector<256x256xf32>
    %mul3A_168 = arith.mulf %convert_element_type3A_165, %mul3A_167 : vector<256x256xf32>
    %add3A_169 = arith.addf %add3A_155, %mul3A_168 : vector<256x256xf32>
    %iota3A = tpu.iota {dimensions = array<i32: 0>} : vector<256x1xi32>
    %add3A_170 = arith.constant 0 : i32
    %add3A_171 = vector.broadcast %add3A_170 : i32 to vector<256x1xi32>
    %add3A_172 = arith.addi %add3A_171, %iota3A : vector<256x1xi32>
    %iota3A_173 = tpu.iota {dimensions = array<i32: 1>} : vector<256x256xi32>
    %sub3A = arith.constant 15 : i32
    %sub3A_174 = vector.broadcast %sub3A : i32 to vector<256x1xi32>
    %sub3A_175 = arith.subi %add3A_172, %sub3A_174 : vector<256x1xi32>
    %max3A_176 = arith.constant 0 : i32
    %max3A_177 = vector.broadcast %max3A_176 : i32 to vector<256x1xi32>
    %max3A_178 = arith.maxsi %sub3A_175, %max3A_177 : vector<256x1xi32>
    %ge3A = vector.broadcast %max3A_178 : vector<256x1xi32> to vector<256x256xi32>
    %ge3A_179 = arith.cmpi sge, %iota3A_173, %ge3A : vector<256x256xi32>
    %add3A_180 = arith.constant 15 : i32
    %add3A_181 = vector.broadcast %add3A_180 : i32 to vector<256x1xi32>
    %add3A_182 = arith.addi %max3A_178, %add3A_181 : vector<256x1xi32>
    %le3A = vector.broadcast %add3A_182 : vector<256x1xi32> to vector<256x256xi32>
    %le3A_183 = arith.cmpi sle, %iota3A_173, %le3A : vector<256x256xi32>
    %and3A = arith.andi %ge3A_179, %le3A_183 : vector<256x256xi1>
    %gt3A = vector.broadcast %add3A_172 : vector<256x1xi32> to vector<256x256xi32>
    %gt3A_184 = arith.cmpi sgt, %iota3A_173, %gt3A : vector<256x256xi32>
    %jit3A = arith.constant 0xFF800000 : f32
    %broadcast_in_dim3A_185 = vector.broadcast %jit3A : f32 to vector<256x256xf32>
    %select_n3A = arith.select %gt3A_184, %broadcast_in_dim3A_185, %add3A_169 : vector<256x256xi1>, vector<256x256xf32>
    %bitcast_convert_type3A = tpu.bitcast %select_n3A : vector<256x256xf32> -> vector<256x256xi32>
    %lt3A = arith.constant 0 : i32
    %lt3A_186 = vector.broadcast %lt3A : i32 to vector<256x256xi32>
    %lt3A_187 = arith.cmpi slt, %bitcast_convert_type3A, %lt3A_186 : vector<256x256xi32>
    %xor3A = arith.constant 2147483647 : i32
    %xor3A_188 = vector.broadcast %xor3A : i32 to vector<256x256xi32>
    %xor3A_189 = arith.xori %bitcast_convert_type3A, %xor3A_188 : vector<256x256xi32>
    %select_n3A_190 = arith.select %lt3A_187, %xor3A_189, %bitcast_convert_type3A : vector<256x256xi1>, vector<256x256xi32>
    %jit3A_191 = arith.constant -2147483648 : i32
    %broadcast_in_dim3A_192 = vector.broadcast %jit3A_191 : i32 to vector<256x256xi32>
    %select_n3A_193 = arith.select %and3A, %broadcast_in_dim3A_192, %select_n3A_190 : vector<256x256xi1>, vector<256x256xi32>
    %iota3A_194 = tpu.iota {dimensions = array<i32: 1>} : vector<256x16xi32>
    %broadcast_in_dim3A_195 = arith.constant 0 : i32
    %broadcast_in_dim3A_196 = vector.broadcast %broadcast_in_dim3A_195 : i32 to vector<256x16xi32>
    %scan3A = arith.constant 0 : i32
    %scan3A_197 = arith.constant 16 : i32
    %scan3A_198 = arith.addi %scan3A, %scan3A_197 : i32
    %scan3A_199 = arith.constant 1 : i32
    %scan3A_200:2 = scf.for %scan3A_209 = %scan3A to %scan3A_198 step %scan3A_199 iter_args(%scan3A_210 = %select_n3A_193, %scan3A_211 = %broadcast_in_dim3A_196) -> (vector<256x256xi32>, vector<256x16xi32>)  : i32 {
      %reduce_max3A = arith.constant dense<-2147483648> : vector<256xi32>
      %reduce_max3A_212 = vector.multi_reduction <maxsi>, %scan3A_210, %reduce_max3A [1] : vector<256x256xi32> to vector<256xi32>
      %broadcast_in_dim3A_213 = vector.shape_cast %reduce_max3A_212 : vector<256xi32> to vector<256x1xi32>
      %eq3A = vector.broadcast %broadcast_in_dim3A_213 : vector<256x1xi32> to vector<256x256xi32>
      %eq3A_214 = arith.cmpi eq, %scan3A_210, %eq3A : vector<256x256xi32>
      %jit3A_215 = arith.constant 256 : i32
      %broadcast_in_dim3A_216 = vector.broadcast %jit3A_215 : i32 to vector<256x256xi32>
      %select_n3A_217 = arith.select %eq3A_214, %iota3A_173, %broadcast_in_dim3A_216 : vector<256x256xi1>, vector<256x256xi32>
      %reduce_min3A = arith.constant dense<2147483647> : vector<256xi32>
      %reduce_min3A_218 = vector.multi_reduction <minsi>, %select_n3A_217, %reduce_min3A [1] : vector<256x256xi32> to vector<256xi32>
      %broadcast_in_dim3A_219 = vector.shape_cast %reduce_min3A_218 : vector<256xi32> to vector<256x1xi32>
      %eq3A_220 = vector.broadcast %broadcast_in_dim3A_219 : vector<256x1xi32> to vector<256x256xi32>
      %eq3A_221 = arith.cmpi eq, %iota3A_173, %eq3A_220 : vector<256x256xi32>
      %jit3A_222 = arith.constant -2147483648 : i32
      %broadcast_in_dim3A_223 = vector.broadcast %jit3A_222 : i32 to vector<256x256xi32>
      %select_n3A_224 = arith.select %eq3A_221, %broadcast_in_dim3A_223, %scan3A_210 : vector<256x256xi1>, vector<256x256xi32>
      %eq3A_225 = vector.broadcast %scan3A_209 : i32 to vector<256x16xi32>
      %eq3A_226 = arith.cmpi eq, %iota3A_194, %eq3A_225 : vector<256x16xi32>
      %broadcast_in_dim3A_227 = vector.shape_cast %broadcast_in_dim3A_219 : vector<256x1xi32> to vector<256x1xi32>
      %broadcast_in_dim3A_228 = vector.broadcast %broadcast_in_dim3A_227 : vector<256x1xi32> to vector<256x16xi32>
      %select_n3A_229 = arith.select %eq3A_226, %broadcast_in_dim3A_228, %scan3A_211 : vector<256x16xi1>, vector<256x16xi32>
      scf.yield %select_n3A_224, %select_n3A_229 : vector<256x256xi32>, vector<256x16xi32>
    }
    %scan3A_201 = arith.constant 16 : i32
    %add3A_202 = vector.broadcast %max3A_178 : vector<256x1xi32> to vector<256x16xi32>
    %add3A_203 = arith.addi %add3A_202, %iota3A_194 : vector<256x16xi32>
    %swap3A = arith.constant 0 : index
    %swap3A_204 = arith.constant 0 : index
    %swap3A_205 = vector.load %arg4[%swap3A, %swap3A_204] : memref<256x32xi32, #tpu.memory_space<vmem>>, vector<256x16xi32>
    tpu.vector_store %arg4[%swap3A, %swap3A_204], %add3A_203 {strides = array<i32>} : memref<256x32xi32, #tpu.memory_space<vmem>>, vector<256x16xi32>,
    %swap3A_206 = arith.constant 0 : index
    %swap3A_207 = arith.constant 16 : index
    %swap3A_208 = vector.load %arg4[%swap3A_206, %swap3A_207] : memref<256x32xi32, #tpu.memory_space<vmem>>, vector<256x16xi32>
    tpu.vector_store %arg4[%swap3A_206, %swap3A_207], %scan3A_200#1 {strides = array<i32>} : memref<256x32xi32, #tpu.memory_space<vmem>>, vector<256x16xi32>,
    return
  }
  func.func @transform_0(%arg0: i32) -> (i32, i32) {
    %c0_i32 = arith.constant 0 : i32
    %c0_i32_0 = arith.constant 0 : i32
    %c0_i32_1 = arith.constant 0 : i32
    return %c0_i32, %c0_i32_0 : i32, i32
  }
  func.func @transform_1(%arg0: i32) -> (i32, i32) {
    %c0_i32 = arith.constant 0 : i32
    %c0_i32_0 = arith.constant 0 : i32
    %c0_i32_1 = arith.constant 0 : i32
    return %c0_i32, %c0_i32_0 : i32, i32
  }
  func.func @transform_2(%arg0: i32) -> (i32, i32) {
    %c0_i32 = arith.constant 0 : i32
    %c0_i32_0 = arith.constant 0 : i32
    %c0_i32_1 = arith.constant 0 : i32
    return %c0_i32, %c0_i32_0 : i32, i32
  }
  func.func @transform_3(%arg0: i32) -> (i32, i32) {
    %c0_i32 = arith.constant 0 : i32
    %c0_i32_0 = arith.constant 0 : i32
    %c0_i32_1 = arith.constant 0 : i32
    return %c0_i32, %c0_i32_0 : i32, i32
  }
}

module attributes {stable_mosaic.version = 14 : i64} {
  func.func @_attn_body(%arg0: i32, %arg1: memref<128x12x256xf32, #tpu.memory_space<vmem>>, %arg2: memref<128x12x32xf32, #tpu.memory_space<vmem>>, %arg3: memref<4096x384xf32, #tpu.memory_space<vmem>>, %arg4: memref<256x768xf32, #tpu.memory_space<vmem>>, %arg5: memref<768x768xf32, #tpu.memory_space<vmem>>, %arg6: memref<32x16xf32, #tpu.memory_space<vmem>>, %arg7: memref<32x16xf32, #tpu.memory_space<vmem>>, %arg8: memref<128x768xf32, #tpu.memory_space<vmem>>) attributes {dimension_semantics = [#tpu.dimension_semantics<arbitrary>], iteration_bounds = array<i64: 16>, scalar_prefetch = 0 : i64, scratch_operands = 0 : i64, tpu.core_type = #tpu.core_type<tc>, window_params = [{transform_indices = @transform_0, window_bounds = array<i64: 128, 12, 256>}, {transform_indices = @transform_1, window_bounds = array<i64: 128, 12, 32>}, {transform_indices = @transform_2, window_bounds = array<i64: 4096, 384>}, {pipeline_mode = #tpu.pipeline_mode<synchronous>, transform_indices = @transform_3, window_bounds = array<i64: 256, 768>}, {pipeline_mode = #tpu.pipeline_mode<synchronous>, transform_indices = @transform_4, window_bounds = array<i64: 768, 768>}, {pipeline_mode = #tpu.pipeline_mode<synchronous>, transform_indices = @transform_5, window_bounds = array<i64: 32, 16>}, {pipeline_mode = #tpu.pipeline_mode<synchronous>, transform_indices = @transform_6, window_bounds = array<i64: 32, 16>}, {transform_indices = @transform_7, window_bounds = array<i64: 128, 768>}]} {
    %get3A = arith.constant 0 : index
    %get3A_0 = arith.constant 0 : index
    %get3A_1 = vector.load %arg3[%get3A, %get3A_0] : memref<4096x384xf32, #tpu.memory_space<vmem>>, vector<4096x384xf32>
    %reshape3A = vector.shape_cast %get3A_1 : vector<4096x384xf32> to vector<128x32x384xf32>
    %slice3A = vector.extract_strided_slice %reshape3A {offsets = [0, 0, 0], sizes = [128, 32, 256], strides = [1, 1, 1]} : vector<128x32x384xf32> to vector<128x32x256xf32>
    %slice3A_2 = vector.extract_strided_slice %reshape3A {offsets = [0, 0, 256], sizes = [128, 32, 32], strides = [1, 1, 1]} : vector<128x32x384xf32> to vector<128x32x32xf32>
    %max3A = arith.constant 0.000000e+00 : f32
    %max3A_3 = vector.broadcast %max3A : f32 to vector<128x32x32xf32>
    %max3A_4 = arith.maximumf %slice3A_2, %max3A_3 : vector<128x32x32xf32>
    %abs3A = math.absf %slice3A_2 : vector<128x32x32xf32>
    %neg3A = arith.constant 0.000000e+00 : f32
    %neg3A_5 = vector.broadcast %neg3A : f32 to vector<128x32x32xf32>
    %neg3A_6 = arith.subf %neg3A_5, %abs3A : vector<128x32x32xf32>
    %exp3A = math.exp %neg3A_6 : vector<128x32x32xf32>
    %add3A = arith.constant 1.000000e+00 : f32
    %add3A_7 = vector.broadcast %add3A : f32 to vector<128x32x32xf32>
    %add3A_8 = arith.addf %add3A_7, %exp3A : vector<128x32x32xf32>
    %log3A = math.log %add3A_8 : vector<128x32x32xf32>
    %add3A_9 = arith.addf %max3A_4, %log3A : vector<128x32x32xf32>
    %slice3A_10 = vector.extract_strided_slice %add3A_9 {offsets = [0, 0, 0], sizes = [128, 32, 16], strides = [1, 1, 1]} : vector<128x32x32xf32> to vector<128x32x16xf32>
    %slice3A_11 = vector.extract_strided_slice %add3A_9 {offsets = [0, 0, 16], sizes = [128, 32, 16], strides = [1, 1, 1]} : vector<128x32x32xf32> to vector<128x32x16xf32>
    %get3A_12 = arith.constant 0 : index
    %get3A_13 = arith.constant 0 : index
    %get3A_14 = vector.load %arg6[%get3A_12, %get3A_13] : memref<32x16xf32, #tpu.memory_space<vmem>>, vector<32x16xf32>
    %broadcast_in_dim3A = vector.shape_cast %get3A_14 : vector<32x16xf32> to vector<1x32x16xf32>
    %get3A_15 = arith.constant 0 : index
    %get3A_16 = arith.constant 0 : index
    %get3A_17 = vector.load %arg7[%get3A_15, %get3A_16] : memref<32x16xf32, #tpu.memory_space<vmem>>, vector<32x16xf32>
    %broadcast_in_dim3A_18 = vector.shape_cast %get3A_17 : vector<32x16xf32> to vector<1x32x16xf32>
    %mul3A = vector.broadcast %broadcast_in_dim3A : vector<1x32x16xf32> to vector<128x32x16xf32>
    %mul3A_19 = arith.mulf %slice3A_10, %mul3A : vector<128x32x16xf32>
    %mul3A_20 = vector.broadcast %broadcast_in_dim3A_18 : vector<1x32x16xf32> to vector<128x32x16xf32>
    %mul3A_21 = arith.mulf %slice3A_11, %mul3A_20 : vector<128x32x16xf32>
    %sub3A = arith.subf %mul3A_19, %mul3A_21 : vector<128x32x16xf32>
    %mul3A_22 = vector.broadcast %broadcast_in_dim3A_18 : vector<1x32x16xf32> to vector<128x32x16xf32>
    %mul3A_23 = arith.mulf %slice3A_10, %mul3A_22 : vector<128x32x16xf32>
    %mul3A_24 = vector.broadcast %broadcast_in_dim3A : vector<1x32x16xf32> to vector<128x32x16xf32>
    %mul3A_25 = arith.mulf %slice3A_11, %mul3A_24 : vector<128x32x16xf32>
    %add3A_26 = arith.addf %mul3A_23, %mul3A_25 : vector<128x32x16xf32>
    %concatenate3A = tpu.concatenate %sub3A, %add3A_26 in 2 : vector<128x32x16xf32>, vector<128x32x16xf32> -> vector<128x32x32xf32>
    %get3A_27 = arith.constant 0 : index
    %get3A_28 = arith.constant 0 : index
    %get3A_29 = vector.load %arg4[%get3A_27, %get3A_28] : memref<256x768xf32, #tpu.memory_space<vmem>>, vector<256x768xf32>
    %get3A_30 = arith.constant 0 : index
    %get3A_31 = arith.constant 0 : index
    %get3A_32 = arith.constant 0 : index
    %get3A_33 = vector.load %arg1[%get3A_30, %get3A_31, %get3A_32] : memref<128x12x256xf32, #tpu.memory_space<vmem>>, vector<128x12x256xf32>
    %get3A_34 = arith.constant 0 : index
    %get3A_35 = arith.constant 0 : index
    %get3A_36 = arith.constant 0 : index
    %get3A_37 = vector.load %arg2[%get3A_34, %get3A_35, %get3A_36] : memref<128x12x32xf32, #tpu.memory_space<vmem>>, vector<128x12x32xf32>
    %dot_general3A = arith.constant dense<0.000000e+00> : vector<128x12x32xf32>
    %dot_general3A_38 = tpu.matmul %get3A_33, %slice3A, %dot_general3A {dimension_numbers = #tpu.dot_dimension_numbers<[2], [2], [1], [1], [0, 0, 0, 1, 1, 1], [0], [0]>, transpose_lhs_hint = false} : vector<128x12x256xf32>, vector<128x32x256xf32>, vector<128x12x32xf32> -> vector<128x12x32xf32>
    %dot_general3A_39 = arith.constant dense<0.000000e+00> : vector<128x12x32xf32>
    %dot_general3A_40 = tpu.matmul %get3A_37, %concatenate3A, %dot_general3A_39 {dimension_numbers = #tpu.dot_dimension_numbers<[2], [2], [1], [1], [0, 0, 0, 1, 1, 1], [0], [0]>, transpose_lhs_hint = false} : vector<128x12x32xf32>, vector<128x32x32xf32>, vector<128x12x32xf32> -> vector<128x12x32xf32>
    %add3A_41 = arith.addf %dot_general3A_38, %dot_general3A_40 : vector<128x12x32xf32>
    %mul3A_42 = arith.constant 0.102062076 : f32
    %mul3A_43 = vector.broadcast %mul3A_42 : f32 to vector<128x12x32xf32>
    %mul3A_44 = arith.mulf %add3A_41, %mul3A_43 : vector<128x12x32xf32>
    %reduce_max3A = arith.constant dense<0xFF800000> : vector<128x12xf32>
    %reduce_max3A_45 = vector.multi_reduction <maximumf>, %mul3A_44, %reduce_max3A [2] : vector<128x12x32xf32> to vector<128x12xf32>
    %broadcast_in_dim3A_46 = vector.shape_cast %reduce_max3A_45 : vector<128x12xf32> to vector<128x12x1xf32>
    %sub3A_47 = vector.broadcast %broadcast_in_dim3A_46 : vector<128x12x1xf32> to vector<128x12x32xf32>
    %sub3A_48 = arith.subf %mul3A_44, %sub3A_47 : vector<128x12x32xf32>
    %exp3A_49 = math.exp %sub3A_48 : vector<128x12x32xf32>
    %reduce_sum3A = arith.constant dense<0.000000e+00> : vector<128x12xf32>
    %reduce_sum3A_50 = vector.multi_reduction <add>, %exp3A_49, %reduce_sum3A [2] : vector<128x12x32xf32> to vector<128x12xf32>
    %broadcast_in_dim3A_51 = vector.shape_cast %reduce_sum3A_50 : vector<128x12xf32> to vector<128x12x1xf32>
    %div3A = vector.broadcast %broadcast_in_dim3A_51 : vector<128x12x1xf32> to vector<128x12x32xf32>
    %div3A_52 = arith.divf %exp3A_49, %div3A : vector<128x12x32xf32>
    %dot_general3A_53 = arith.constant dense<0.000000e+00> : vector<128x12x256xf32>
    %dot_general3A_54 = tpu.matmul %div3A_52, %slice3A, %dot_general3A_53 {dimension_numbers = #tpu.dot_dimension_numbers<[2], [1], [1], [2], [0, 0, 0, 1, 1, 2], [0], [0]>, transpose_lhs_hint = false} : vector<128x12x32xf32>, vector<128x32x256xf32>, vector<128x12x256xf32> -> vector<128x12x256xf32>
    %slice3A_55 = vector.extract_strided_slice %dot_general3A_54 {offsets = [0, 0, 0], sizes = [128, 1, 256], strides = [1, 1, 1]} : vector<128x12x256xf32> to vector<128x1x256xf32>
    %squeeze3A = vector.shape_cast %slice3A_55 : vector<128x1x256xf32> to vector<128x256xf32>
    %slice3A_56 = vector.extract_strided_slice %get3A_29 {offsets = [0, 0], sizes = [256, 64], strides = [1, 1]} : vector<256x768xf32> to vector<256x64xf32>
    %dot_general3A_57 = arith.constant dense<0.000000e+00> : vector<128x64xf32>
    %dot_general3A_58 = tpu.matmul %squeeze3A, %slice3A_56, %dot_general3A_57 {dimension_numbers = #tpu.dot_dimension_numbers<[1], [0], [0], [1], [0, 0, 1, 1], [], []>, transpose_lhs_hint = false} : vector<128x256xf32>, vector<256x64xf32>, vector<128x64xf32> -> vector<128x64xf32>
    %slice3A_59 = vector.extract_strided_slice %dot_general3A_54 {offsets = [0, 1, 0], sizes = [128, 1, 256], strides = [1, 1, 1]} : vector<128x12x256xf32> to vector<128x1x256xf32>
    %squeeze3A_60 = vector.shape_cast %slice3A_59 : vector<128x1x256xf32> to vector<128x256xf32>
    %slice3A_61 = vector.extract_strided_slice %get3A_29 {offsets = [0, 64], sizes = [256, 64], strides = [1, 1]} : vector<256x768xf32> to vector<256x64xf32>
    %dot_general3A_62 = arith.constant dense<0.000000e+00> : vector<128x64xf32>
    %dot_general3A_63 = tpu.matmul %squeeze3A_60, %slice3A_61, %dot_general3A_62 {dimension_numbers = #tpu.dot_dimension_numbers<[1], [0], [0], [1], [0, 0, 1, 1], [], []>, transpose_lhs_hint = false} : vector<128x256xf32>, vector<256x64xf32>, vector<128x64xf32> -> vector<128x64xf32>
    %slice3A_64 = vector.extract_strided_slice %dot_general3A_54 {offsets = [0, 2, 0], sizes = [128, 1, 256], strides = [1, 1, 1]} : vector<128x12x256xf32> to vector<128x1x256xf32>
    %squeeze3A_65 = vector.shape_cast %slice3A_64 : vector<128x1x256xf32> to vector<128x256xf32>
    %slice3A_66 = vector.extract_strided_slice %get3A_29 {offsets = [0, 128], sizes = [256, 64], strides = [1, 1]} : vector<256x768xf32> to vector<256x64xf32>
    %dot_general3A_67 = arith.constant dense<0.000000e+00> : vector<128x64xf32>
    %dot_general3A_68 = tpu.matmul %squeeze3A_65, %slice3A_66, %dot_general3A_67 {dimension_numbers = #tpu.dot_dimension_numbers<[1], [0], [0], [1], [0, 0, 1, 1], [], []>, transpose_lhs_hint = false} : vector<128x256xf32>, vector<256x64xf32>, vector<128x64xf32> -> vector<128x64xf32>
    %slice3A_69 = vector.extract_strided_slice %dot_general3A_54 {offsets = [0, 3, 0], sizes = [128, 1, 256], strides = [1, 1, 1]} : vector<128x12x256xf32> to vector<128x1x256xf32>
    %squeeze3A_70 = vector.shape_cast %slice3A_69 : vector<128x1x256xf32> to vector<128x256xf32>
    %slice3A_71 = vector.extract_strided_slice %get3A_29 {offsets = [0, 192], sizes = [256, 64], strides = [1, 1]} : vector<256x768xf32> to vector<256x64xf32>
    %dot_general3A_72 = arith.constant dense<0.000000e+00> : vector<128x64xf32>
    %dot_general3A_73 = tpu.matmul %squeeze3A_70, %slice3A_71, %dot_general3A_72 {dimension_numbers = #tpu.dot_dimension_numbers<[1], [0], [0], [1], [0, 0, 1, 1], [], []>, transpose_lhs_hint = false} : vector<128x256xf32>, vector<256x64xf32>, vector<128x64xf32> -> vector<128x64xf32>
    %slice3A_74 = vector.extract_strided_slice %dot_general3A_54 {offsets = [0, 4, 0], sizes = [128, 1, 256], strides = [1, 1, 1]} : vector<128x12x256xf32> to vector<128x1x256xf32>
    %squeeze3A_75 = vector.shape_cast %slice3A_74 : vector<128x1x256xf32> to vector<128x256xf32>
    %slice3A_76 = vector.extract_strided_slice %get3A_29 {offsets = [0, 256], sizes = [256, 64], strides = [1, 1]} : vector<256x768xf32> to vector<256x64xf32>
    %dot_general3A_77 = arith.constant dense<0.000000e+00> : vector<128x64xf32>
    %dot_general3A_78 = tpu.matmul %squeeze3A_75, %slice3A_76, %dot_general3A_77 {dimension_numbers = #tpu.dot_dimension_numbers<[1], [0], [0], [1], [0, 0, 1, 1], [], []>, transpose_lhs_hint = false} : vector<128x256xf32>, vector<256x64xf32>, vector<128x64xf32> -> vector<128x64xf32>
    %slice3A_79 = vector.extract_strided_slice %dot_general3A_54 {offsets = [0, 5, 0], sizes = [128, 1, 256], strides = [1, 1, 1]} : vector<128x12x256xf32> to vector<128x1x256xf32>
    %squeeze3A_80 = vector.shape_cast %slice3A_79 : vector<128x1x256xf32> to vector<128x256xf32>
    %slice3A_81 = vector.extract_strided_slice %get3A_29 {offsets = [0, 320], sizes = [256, 64], strides = [1, 1]} : vector<256x768xf32> to vector<256x64xf32>
    %dot_general3A_82 = arith.constant dense<0.000000e+00> : vector<128x64xf32>
    %dot_general3A_83 = tpu.matmul %squeeze3A_80, %slice3A_81, %dot_general3A_82 {dimension_numbers = #tpu.dot_dimension_numbers<[1], [0], [0], [1], [0, 0, 1, 1], [], []>, transpose_lhs_hint = false} : vector<128x256xf32>, vector<256x64xf32>, vector<128x64xf32> -> vector<128x64xf32>
    %slice3A_84 = vector.extract_strided_slice %dot_general3A_54 {offsets = [0, 6, 0], sizes = [128, 1, 256], strides = [1, 1, 1]} : vector<128x12x256xf32> to vector<128x1x256xf32>
    %squeeze3A_85 = vector.shape_cast %slice3A_84 : vector<128x1x256xf32> to vector<128x256xf32>
    %slice3A_86 = vector.extract_strided_slice %get3A_29 {offsets = [0, 384], sizes = [256, 64], strides = [1, 1]} : vector<256x768xf32> to vector<256x64xf32>
    %dot_general3A_87 = arith.constant dense<0.000000e+00> : vector<128x64xf32>
    %dot_general3A_88 = tpu.matmul %squeeze3A_85, %slice3A_86, %dot_general3A_87 {dimension_numbers = #tpu.dot_dimension_numbers<[1], [0], [0], [1], [0, 0, 1, 1], [], []>, transpose_lhs_hint = false} : vector<128x256xf32>, vector<256x64xf32>, vector<128x64xf32> -> vector<128x64xf32>
    %slice3A_89 = vector.extract_strided_slice %dot_general3A_54 {offsets = [0, 7, 0], sizes = [128, 1, 256], strides = [1, 1, 1]} : vector<128x12x256xf32> to vector<128x1x256xf32>
    %squeeze3A_90 = vector.shape_cast %slice3A_89 : vector<128x1x256xf32> to vector<128x256xf32>
    %slice3A_91 = vector.extract_strided_slice %get3A_29 {offsets = [0, 448], sizes = [256, 64], strides = [1, 1]} : vector<256x768xf32> to vector<256x64xf32>
    %dot_general3A_92 = arith.constant dense<0.000000e+00> : vector<128x64xf32>
    %dot_general3A_93 = tpu.matmul %squeeze3A_90, %slice3A_91, %dot_general3A_92 {dimension_numbers = #tpu.dot_dimension_numbers<[1], [0], [0], [1], [0, 0, 1, 1], [], []>, transpose_lhs_hint = false} : vector<128x256xf32>, vector<256x64xf32>, vector<128x64xf32> -> vector<128x64xf32>
    %slice3A_94 = vector.extract_strided_slice %dot_general3A_54 {offsets = [0, 8, 0], sizes = [128, 1, 256], strides = [1, 1, 1]} : vector<128x12x256xf32> to vector<128x1x256xf32>
    %squeeze3A_95 = vector.shape_cast %slice3A_94 : vector<128x1x256xf32> to vector<128x256xf32>
    %slice3A_96 = vector.extract_strided_slice %get3A_29 {offsets = [0, 512], sizes = [256, 64], strides = [1, 1]} : vector<256x768xf32> to vector<256x64xf32>
    %dot_general3A_97 = arith.constant dense<0.000000e+00> : vector<128x64xf32>
    %dot_general3A_98 = tpu.matmul %squeeze3A_95, %slice3A_96, %dot_general3A_97 {dimension_numbers = #tpu.dot_dimension_numbers<[1], [0], [0], [1], [0, 0, 1, 1], [], []>, transpose_lhs_hint = false} : vector<128x256xf32>, vector<256x64xf32>, vector<128x64xf32> -> vector<128x64xf32>
    %slice3A_99 = vector.extract_strided_slice %dot_general3A_54 {offsets = [0, 9, 0], sizes = [128, 1, 256], strides = [1, 1, 1]} : vector<128x12x256xf32> to vector<128x1x256xf32>
    %squeeze3A_100 = vector.shape_cast %slice3A_99 : vector<128x1x256xf32> to vector<128x256xf32>
    %slice3A_101 = vector.extract_strided_slice %get3A_29 {offsets = [0, 576], sizes = [256, 64], strides = [1, 1]} : vector<256x768xf32> to vector<256x64xf32>
    %dot_general3A_102 = arith.constant dense<0.000000e+00> : vector<128x64xf32>
    %dot_general3A_103 = tpu.matmul %squeeze3A_100, %slice3A_101, %dot_general3A_102 {dimension_numbers = #tpu.dot_dimension_numbers<[1], [0], [0], [1], [0, 0, 1, 1], [], []>, transpose_lhs_hint = false} : vector<128x256xf32>, vector<256x64xf32>, vector<128x64xf32> -> vector<128x64xf32>
    %slice3A_104 = vector.extract_strided_slice %dot_general3A_54 {offsets = [0, 10, 0], sizes = [128, 1, 256], strides = [1, 1, 1]} : vector<128x12x256xf32> to vector<128x1x256xf32>
    %squeeze3A_105 = vector.shape_cast %slice3A_104 : vector<128x1x256xf32> to vector<128x256xf32>
    %slice3A_106 = vector.extract_strided_slice %get3A_29 {offsets = [0, 640], sizes = [256, 64], strides = [1, 1]} : vector<256x768xf32> to vector<256x64xf32>
    %dot_general3A_107 = arith.constant dense<0.000000e+00> : vector<128x64xf32>
    %dot_general3A_108 = tpu.matmul %squeeze3A_105, %slice3A_106, %dot_general3A_107 {dimension_numbers = #tpu.dot_dimension_numbers<[1], [0], [0], [1], [0, 0, 1, 1], [], []>, transpose_lhs_hint = false} : vector<128x256xf32>, vector<256x64xf32>, vector<128x64xf32> -> vector<128x64xf32>
    %slice3A_109 = vector.extract_strided_slice %dot_general3A_54 {offsets = [0, 11, 0], sizes = [128, 1, 256], strides = [1, 1, 1]} : vector<128x12x256xf32> to vector<128x1x256xf32>
    %squeeze3A_110 = vector.shape_cast %slice3A_109 : vector<128x1x256xf32> to vector<128x256xf32>
    %slice3A_111 = vector.extract_strided_slice %get3A_29 {offsets = [0, 704], sizes = [256, 64], strides = [1, 1]} : vector<256x768xf32> to vector<256x64xf32>
    %dot_general3A_112 = arith.constant dense<0.000000e+00> : vector<128x64xf32>
    %dot_general3A_113 = tpu.matmul %squeeze3A_110, %slice3A_111, %dot_general3A_112 {dimension_numbers = #tpu.dot_dimension_numbers<[1], [0], [0], [1], [0, 0, 1, 1], [], []>, transpose_lhs_hint = false} : vector<128x256xf32>, vector<256x64xf32>, vector<128x64xf32> -> vector<128x64xf32>
    %concatenate3A_114 = tpu.concatenate %dot_general3A_58, %dot_general3A_63, %dot_general3A_68, %dot_general3A_73, %dot_general3A_78, %dot_general3A_83, %dot_general3A_88, %dot_general3A_93, %dot_general3A_98, %dot_general3A_103, %dot_general3A_108, %dot_general3A_113 in 1 : vector<128x64xf32>, vector<128x64xf32>, vector<128x64xf32>, vector<128x64xf32>, vector<128x64xf32>, vector<128x64xf32>, vector<128x64xf32>, vector<128x64xf32>, vector<128x64xf32>, vector<128x64xf32>, vector<128x64xf32>, vector<128x64xf32> -> vector<128x768xf32>
    %get3A_115 = arith.constant 0 : index
    %get3A_116 = arith.constant 0 : index
    %get3A_117 = vector.load %arg5[%get3A_115, %get3A_116] : memref<768x768xf32, #tpu.memory_space<vmem>>, vector<768x768xf32>
    %dot_general3A_118 = arith.constant dense<0.000000e+00> : vector<128x768xf32>
    %dot_general3A_119 = tpu.matmul %concatenate3A_114, %get3A_117, %dot_general3A_118 {dimension_numbers = #tpu.dot_dimension_numbers<[1], [0], [0], [1], [0, 0, 1, 1], [], []>, transpose_lhs_hint = false} : vector<128x768xf32>, vector<768x768xf32>, vector<128x768xf32> -> vector<128x768xf32>
    %swap3A = arith.constant 0 : index
    %swap3A_120 = arith.constant 0 : index
    %swap3A_121 = vector.load %arg8[%swap3A, %swap3A_120] : memref<128x768xf32, #tpu.memory_space<vmem>>, vector<128x768xf32>
    tpu.vector_store %arg8[%swap3A, %swap3A_120], %dot_general3A_119 {strides = array<i32>} : memref<128x768xf32, #tpu.memory_space<vmem>>, vector<128x768xf32>,
    return
  }
  func.func @transform_0(%arg0: i32) -> (i32, i32, i32) {
    %c0_i32 = arith.constant 0 : i32
    %c0_i32_0 = arith.constant 0 : i32
    %c0_i32_1 = arith.constant 0 : i32
    return %arg0, %c0_i32, %c0_i32_0 : i32, i32, i32
  }
  func.func @transform_1(%arg0: i32) -> (i32, i32, i32) {
    %c0_i32 = arith.constant 0 : i32
    %c0_i32_0 = arith.constant 0 : i32
    %c0_i32_1 = arith.constant 0 : i32
    return %arg0, %c0_i32, %c0_i32_0 : i32, i32, i32
  }
  func.func @transform_2(%arg0: i32) -> (i32, i32) {
    %c0_i32 = arith.constant 0 : i32
    %c0_i32_0 = arith.constant 0 : i32
    return %arg0, %c0_i32 : i32, i32
  }
  func.func @transform_3(%arg0: i32) -> (i32, i32) {
    %c0_i32 = arith.constant 0 : i32
    %c0_i32_0 = arith.constant 0 : i32
    %c0_i32_1 = arith.constant 0 : i32
    return %c0_i32, %c0_i32_0 : i32, i32
  }
  func.func @transform_4(%arg0: i32) -> (i32, i32) {
    %c0_i32 = arith.constant 0 : i32
    %c0_i32_0 = arith.constant 0 : i32
    %c0_i32_1 = arith.constant 0 : i32
    return %c0_i32, %c0_i32_0 : i32, i32
  }
  func.func @transform_5(%arg0: i32) -> (i32, i32) {
    %c0_i32 = arith.constant 0 : i32
    %c0_i32_0 = arith.constant 0 : i32
    %c0_i32_1 = arith.constant 0 : i32
    return %c0_i32, %c0_i32_0 : i32, i32
  }
  func.func @transform_6(%arg0: i32) -> (i32, i32) {
    %c0_i32 = arith.constant 0 : i32
    %c0_i32_0 = arith.constant 0 : i32
    %c0_i32_1 = arith.constant 0 : i32
    return %c0_i32, %c0_i32_0 : i32, i32
  }
  func.func @transform_7(%arg0: i32) -> (i32, i32) {
    %c0_i32 = arith.constant 0 : i32
    %c0_i32_0 = arith.constant 0 : i32
    return %arg0, %c0_i32 : i32, i32
  }
}

</mosaic_0001>

<sc_bundles>
// kernel: kernel.13.cloned.1.call-start
scs
__scs_entry_jumppad:
0x0: {  	(pc) =	sbr.rel $0x88, $3  }
0x1: {  	(tag) =	ssettag $0x0;
	lr =	simm.s32 $0x1  }
0x2: {  	[smem:$0x3F94] =	sst lr;
	_ =	strace $0xD0000000  }
0x3: {  	_ = 	snop  }
0x4: {  	_ = 	snop  }
0x5: {  	_ = 	snop  }
0x6: {  	_ = 	snop  }
0x7: {  	_ = 	snop  }
__scs_overlays_trampoline_lowered:
0x8: {  	[smem:$0x3FA3] =	sst s0  }
0x9: {  	[smem:$0x3FA4] =	sst s1  }
0xa: {  	[smem:$0x3FA5] =	sst s2  }
0xb: {  	[smem:$0x3FA6] =	sst s3  }
0xc: {  	[smem:$0x3FA7] =	sst s4  }
0xd: {  	[smem:$0x3FA8] =	sst s5  }
0xe: {  	[smem:$0x3FA9] =	sst s6  }
0xf: {  	[smem:$0x3FAA] =	sst s7  }
0x10: {  	[smem:$0x3FAB] =	sst s8  }
0x11: {  	[smem:$0x3FAC] =	sst s9;
	s0 =	simm.s32 @!p0 $0x0  }
0x12: {  	s1 =	sld [smem:$0x3F92];
	s0 =	simm.s32 @p0 $0x1  }
0x13: {  	[smem:$0x3FAD] =	sst s0;
	s0 =	simm.s32 @!p1 $0x0  }
0x14: {  	s2 =	sld [smem:$0x3F91];
	s0 =	simm.s32 @p1 $0x1  }
0x15: {  	[smem:$0x3FAE] =	sst s0;
	s0 =	simm.s32 @!p2 $0x0  }
0x16: {  	s3 =	sld [smem:$0x3FDB];
	s0 =	simm.s32 @p2 $0x1  }
0x17: {  	s4 =	simm.s32 $0x1BF5;
	[smem:$0x3FB0] =	sst s0  }
0x18: {  	s0 =	sld [smem:$0x3F93];
	_ =	swait.ge [sflag:s4], $0x0  }
0x19: {  	s7 =	sld [smem:$0x3F94]  }
0x1a: {  	s8 =	sadd.s32 $0xFFFFE003, lr  }
0x1b: {  	s9 =	sadd.s32 $0xFFFFFEF7, lr;
	s5 =	simm.s32 $0xFFFFFFFF;
	p2 =	slt.u32 s8, $0xFFFFF086  }
0x1c: {  	p1 =	slt.u32 s9, $0xF7A;
	s5 =	simm.s32 @!p2 $0x0  }
0x1d: {  	s5 =	simm.s32 @p1 $0x1;
	p0 =	seq.s32 s7, s2  }
0x1e: {  	s7 =	smul.u32 @!p0 $0xF7A, s2;
	p2 =	seq.s32 @!p0 s5, $0x0  }
0x1f: {  	s9 =	smul.u32 $0xF7A, s1;
	s8 =	simm.s32 @!p0 $0x1BF5;
	p2 =	por !p2, p0  }
0x20: {  	[sflag:s8] =	ssyncset.s32 @!p0 $0xFFFFF086;
	s6 =	sadd.s32 @!p0 s3, s7;
	s7 =	simm.s32 @!p0 $0x108  }
0x21: {  	s3 =	sadd.s32 s3, s9;
	s6 =	sadd.s32 @!p0 $0x88, s6;
	s7 =	simm.s32 @p2 $0x1082  }
0x22: {  	[simem:s7], [sflag:s8] =	dma.local @!p0 [hbm:s6], $0xF7A  }
0x23: {  	s9 =	sor.u32 $0xD0000000, s2;
	s6 =	simm.s32 $0x108;
	_ =	swait.ge @!p0 [sflag:s8], $0x0  }
0x24: {  	s3 =	sadd.s32 $0x88, s3;
	s6 =	simm.s32 @!p1 $0x1082;
	[sflag:s4] =	ssyncset.s32 $0xFFFFF086  }
0x25: {  	[simem:s6], [sflag:s4] =	dma.local [hbm:s3], $0xF7A  }
0x26: {  	[smem:$0x3F94] =	sst s1;
	(tag) =	ssettag s2;
	_ =	strace s9  }
0x27: {  	s1 =	sld [smem:$0x3FA4]  }
0x28: {  	s2 =	sld [smem:$0x3FA5]  }
0x29: {  	s4 =	sld [smem:$0x3FA7]  }
0x2a: {  	p0 =	seq.s32 s5, $0x0;
	s5 =	sld [smem:$0x3FA8]  }
0x2b: {  	s6 =	sld [smem:$0x3FA9]  }
0x2c: {  	s7 =	sld [smem:$0x3FAA]  }
0x2d: {  	s3 =	simm.s32 $0x108;
	s8 =	sld [smem:$0x3FAB]  }
0x2e: {  	s3 =	simm.s32 @!p0 $0x1082;
	s9 =	sld [smem:$0x3FAC]  }
0x2f: {  	lr =	sadd.s32 s0, s3;
	s0 =	sld [smem:$0x3FA3]  }
0x30: {  	s3 =	sld [smem:$0x3FA6]  }
0x31: {  	[smem:$0x3FAF] =	sst s10  }
0x32: {  	s10 =	sld [smem:$0x3FAD];
	_ =	sdelay $0x3  }
0x33: {  	p0 =	seq.s32 s10, $0x1;
	s10 =	sld [smem:$0x3FAF];
	_ =	sdelay $0x3  }
0x34: {  	[smem:$0x3FAF] =	sst s10  }
0x35: {  	s10 =	sld [smem:$0x3FAE];
	_ =	sdelay $0x3  }
0x36: {  	p1 =	seq.s32 s10, $0x1;
	s10 =	sld [smem:$0x3FAF];
	_ =	sdelay $0x3  }
0x37: {  	[smem:$0x3FAF] =	sst s10  }
0x38: {  	s10 =	sld [smem:$0x3FB0]  }
0x39: {  	_ = 	snop;
	(pc) =	sbr.ind lr, $3  }
0x3a: {  	_ = 	snop  }
0x3b: {  	_ = 	snop  }
0x3c: {  	p2 =	seq.s32 s10, $0x1;
	s10 =	sld [smem:$0x3FAF]  }
0x3d: {  	_ =	shalt  }
0x3e: {  	_ =	shalt  }
0x3f: {  	_ =	shalt  }
0x40: {  	_ =	shalt  }
0x41: {  	_ =	shalt  }
0x42: {  	_ =	shalt  }
0x43: {  	_ =	shalt  }
0x44: {  	_ =	shalt  }
0x45: {  	_ =	shalt  }
0x46: {  	_ =	shalt  }
0x47: {  	_ =	shalt  }
0x48: {  	_ =	shalt  }
0x49: {  	_ =	shalt  }
0x4a: {  	_ =	shalt  }
0x4b: {  	_ =	shalt  }
0x4c: {  	_ =	shalt  }
0x4d: {  	_ =	shalt  }
0x4e: {  	_ =	shalt  }
0x4f: {  	_ =	shalt  }
0x50: {  	_ =	shalt  }
0x51: {  	_ =	shalt  }
0x52: {  	_ =	shalt  }
0x53: {  	_ =	shalt  }
0x54: {  	_ =	shalt  }
0x55: {  	_ =	shalt  }
0x56: {  	_ =	shalt  }
0x57: {  	_ =	shalt  }
0x58: {  	_ =	shalt  }
0x59: {  	_ =	shalt  }
0x5a: {  	_ =	shalt  }
0x5b: {  	_ =	shalt  }
0x5c: {  	_ =	shalt  }
0x5d: {  	_ =	shalt  }
0x5e: {  	_ =	shalt  }
0x5f: {  	_ =	shalt  }
0x60: {  	_ =	shalt  }
0x61: {  	_ =	shalt  }
0x62: {  	_ =	shalt  }
0x63: {  	_ =	shalt  }
0x64: {  	_ =	shalt  }
0x65: {  	_ =	shalt  }
0x66: {  	_ =	shalt  }
0x67: {  	_ =	shalt  }
0x68: {  	_ =	shalt  }
0x69: {  	_ =	shalt  }
0x6a: {  	_ =	shalt  }
0x6b: {  	_ =	shalt  }
0x6c: {  	_ =	shalt  }
0x6d: {  	_ =	shalt  }
0x6e: {  	_ =	shalt  }
0x6f: {  	_ =	shalt  }
0x70: {  	_ =	shalt  }
0x71: {  	_ =	shalt  }
0x72: {  	_ =	shalt  }
0x73: {  	_ =	shalt  }
0x74: {  	_ =	shalt  }
0x75: {  	_ =	shalt  }
0x76: {  	_ =	shalt  }
0x77: {  	_ =	shalt  }
0x78: {  	_ =	shalt  }
0x79: {  	_ =	shalt  }
0x7a: {  	_ =	shalt  }
0x7b: {  	_ =	shalt  }
0x7c: {  	_ =	shalt  }
0x7d: {  	_ =	shalt  }
0x7e: {  	_ =	shalt  }
0x7f: {  	_ =	shalt  }
0x80: {  	_ =	shalt  }
0x81: {  	_ =	shalt  }
0x82: {  	_ =	shalt  }
0x83: {  	_ =	shalt  }
0x84: {  	_ =	shalt  }
0x85: {  	_ =	shalt  }
0x86: {  	_ =	shalt  }
0x87: {  	_ =	shalt  }
.Lfunc_end0:
.L_simem_size_0:
called_computation_lowered:
.L_overlay_start_0:
0x88: {  	s2 =	sld [smem:$0x3FD9]  }
0x89: {  	s3 =	sld [smem:$0x3FFE];
	_ =	sdelay $0x1  }
0x8a: {  	s1 =	srdreg.scid  }
0x8b: {  	s0 =	sand.u32 $0x1, s1  }
0x8c: {  	s17 =	sshll.u32 s0, $0xA;
	s2 =	sadd.s32 s3, s2  }
0x8d: {  	s2 =	sadd.s32 s2, s17  }
0x8e: {  	[smem:$0x3FBB] =	sst s2  }
0x8f: {  	_ = 	snop  }
0x90: {  	s2 =	sld [smem:$0x3FD0];
	(tm) =	ssettm $0x1  }
0x91: {  	s18 =	sld [smem:$0x3FFB];
	_ =	sdelay $0x3  }
0x92: {  	_ =	strace s18  }
0x93: {  	s3 =	sld [smem:$0x3FFC];
	_ =	sdelay $0x3  }
0x94: {  	_ =	strace s3  }
0x95: {  	s3 =	sld [smem:$0x3FFD];
	_ =	sdelay $0x3  }
0x96: {  	_ =	strace s3  }
0x97: {  	_ =	strace $0x8FFFFFFF  }
0x98: {  	s19 =	sld [smem:$0x3FDB];
	_ =	sdelay $0x1  }
0x99: {  	s4 =	simm.s32 $_scs_section_size  }
0x9a: {  	s5 =	simm.s32 $_size__tile_overlayer_lowered;
	s6 =	simm.s32 $_tile_overlayer_lowered  }
0x9b: {  	s22 =	simm.s32 $0x1BFF;
	s21 =	sshll.u32 s6, $0x1;
	s3 =	sadd.s32 s4, s19  }
0x9c: {  	s7 =	simm.s32 $0x0;
	s20 =	sshll.u32 s5, $0x1;
	s5 =	sadd.s32 s21, s3  }
0x9d: {  	[timem:s7], [sflag:s22] =	dma.local [hbm:s5], s20  }
0x9e: {  	_ =	swait.ge [sflag:s22], s20  }
0x9f: {  	s4 =	ssub.s32 $0x0, s20;
	[sflag:s22] =	ssyncset.done $0x0  }
0xa0: {  	[sflag:s22] =	ssyncadd.s32 s4;
	_ =	sdelay $0x1  }
0xa1: {  	s23 =	simm.s32 $0x1B8B  }
0xa2: {  	_ =	swait.ge [sflag:s23], $0x1  }
0xa3: {  	[sflag:s23] =	ssyncset.done $0x0  }
0xa4: {  	s25 =	simm.s32 $0x1B8E;
	s24 =	sld [smem:$0x3FFE];
	[sflag:s23] =	ssyncadd.s32 $0xFFFFFFFF  }
0xa5: {  	s26 =	simm.s32 $execute0_lowered;
	[smem:$0x3FD2] =	sst s25  }
0xa6: {  	s5 =	sshll.u32 s26, $0x1;
	_ =	strace $0x80000046;
	[dreg:$0x1] =	wrdreg $0xFFFFFFFF  }
0xa7: {  	s28 =	simm.s32 $_size_execute0_lowered;
	s3 =	sadd.s32 s3, s5;
	[dreg:$0x0] =	wrdreg $0x0  }
0xa8: {  	s5 =	sshll.u32 s28, $0x1;
	[dreg:$0x2] =	wrdreg s3  }
0xa9: {  	[dreg:$0x3] =	wrdreg s5  }
0xaa: {  	[dreg:$0x4] =	wrdreg $0xC0  }
0xab: {  	_ =	task [dreg:s7], $0x5FFFF  }
0xac: {  	[dreg:$0x1] =	wrdreg $0xFFFFFFFF  }
0xad: {  	[dreg:$0x0] =	wrdreg $0x60  }
0xae: {  	[dreg:$0x2] =	wrdreg s2  }
0xaf: {  	[dreg:$0x3] =	wrdreg s24  }
0xb0: {  	[dreg:$0x4] =	wrdreg $0x9  }
0xb1: {  	_ =	task.clear_ibuf [dreg:s7], $0x5FFFF;
	_ =	strace $0x90000046  }
0xb2: {  	s29 =	simm.s32 $0x9;
	_ =	strace $0x80000048  }
0xb3: {  	_ =	swait.ge [sflag:s29], $0x1  }
0xb4: {  	[sflag:s29] =	ssyncadd.s32 $0xFFFFFFFF  }
0xb5: {  	_ =	strace $0x90000048  }
0xb6: {  	_ =	sfence  }
0xb7: {  	s30 =	sld [smem:$0x0];
	_ =	sdelay $0x2  }
0xb8: {  	s31 =	sshll.u32 s1, $0xD;
	s1 =	sshrl.u32 s1, $0x2  }
0xb9: {  	s3 =	sand.u32 $0x4000, s31;
	s1 =	sadd.s32 s1, s30  }
0xba: {  	s0 =	sor.u32 s3, s0;
	s1 =	sshll.u32 s1, $0x11  }
0xbb: {  	s0 =	sor.u32 s1, s0  }
0xbc: {  	s0 =	sadd.s32 $0x8F2B, s0  }
0xbd: {  	[sflag:s0] =	ssyncadd.remote.s32 $0x1  }
0xbe: {  	_ =	sfence.sel $0xFFFF  }
0xbf: {  	[dreg:$0x0] =	wrdreg $0xFFFFFFFF;
	(pc) =	sbr.abs _section_cstart, $3  }
0xc0: {  	[dreg:$0x1] =	wrdreg $0xFFFFFFFF  }
0xc1: {  	_ =	task.clear_ibuf [dreg:s7], $0x2FFFF;
	_ =	strace $0x9FFFFFFF  }
0xc2: {  	(tm) =	ssettm $0x7FFFFFFF  }
0xc3: {  	_ =	shalt  }
tec
execute0_lowered:
.L_overlay_start_1:
0x0: {  	(tag) =	ssettag $0x1  }
0x1: {  	s2 =	rddreg [dreg:$0x0]  }
0x2: {  	s0 =	rddreg [dreg:$0x1];
	s6 =	stileid.u32  }
0x3: {  	s1 =	srdreg.scid;
	s3 =	simm.s32 $0x0;
	s14 =	simm.s32 $0x880  }
0x4: {  	s15 =	simm.s32 $0xC80;
	s17 =	simm.s32 $0x1480;
	s19 =	simm.s32 $0x1880  }
0x5: {  	s20 =	simm.s32 $0x2080;
	s21 =	simm.s32 $0x2480;
	s22 =	simm.s32 $0x2C80  }
0x6: {  	s23 =	simm.s32 $0x3080;
	s24 =	simm.s32 $0x3880;
	[smem:$0x7FF] =	sst s3  }
0x7: {  	s25 =	simm.s32 $0x3C80;
	_ =	strace $0x80000047;
	[dreg:$0x4] =	wrdreg s14  }
0x8: {  	s7 =	simm.s32 $0x2;
	s26 =	simm.s32 $0x4480;
	[dreg:$0x5] =	wrdreg s15  }
0x9: {  	s8 =	simm.s32 $0x80;
	s9 =	simm.s32 $0x4880;
	[dreg:$0x6] =	wrdreg s17  }
0xa: {  	s10 =	simm.s32 $0x5080;
	s11 =	simm.s32 $0x5480;
	[dreg:$0x7] =	wrdreg s19  }
0xb: {  	s12 =	simm.s32 $0x5C80;
	s28 =	simm.s32 $0xB480;
	[dreg:$0x8] =	wrdreg s20  }
0xc: {  	s29 =	simm.s32 $0xBC80;
	s30 =	simm.s32 $0x1;
	[dreg:$0x9] =	wrdreg s21  }
0xd: {  	s31 =	simm.s32 $0x0;
	s4 =	sshll.u32 s6, $0x9;
	[dreg:$0xa] =	wrdreg s22  }
0xe: {  	s1 =	sand.u32 $0x1, s1;
	s13 =	smul.u32 $0x30000, s6;
	[dreg:$0xb] =	wrdreg s23  }
0xf: {  	s4 =	sadd.s32 s4, s0;
	s5 =	sshll.u32 s1, $0x8;
	[dreg:$0xc] =	wrdreg s24  }
0x10: {  	s16 =	ssub.s32 $0x2, s1;
	s1 =	smul.u32 $0x18000, s1;
	[dreg:$0xd] =	wrdreg s25  }
0x11: {  	[dreg:$0xe] =	wrdreg s26;
	s14 =	simm.s32 $0x6880;
	s15 =	simm.s32 $0x6C80  }
0x12: {  	s17 =	simm.s32 $0x7880;
	s19 =	simm.s32 $0x8480;
	s20 =	simm.s32 $0x8C80  }
0x13: {  	s21 =	simm.s32 $0x9080;
	s22 =	simm.s32 $0x9880;
	s23 =	simm.s32 $0x9C80  }
0x14: {  	s24 =	simm.s32 $0xA480;
	s25 =	simm.s32 $0xA880;
	s26 =	simm.s32 $0xB080  }
0x15: {  	s4 =	sadd.s32 s5, s4;
	s0 =	sadd.s32 s13, s0;
	s18 =	sshrl.u32 s16, $0x1  }
0x16: {  	s13 =	simm.s32 $0x6080;
	s4 =	sadd.s32 $0x182E00, s4;
	s5 =	ssub.s32 s16, s18  }
0x17: {  	v2 =	vlaneseq.u32;
	s0 =	sadd.s32 s1, s0;
	[dreg:$0x3] =	wrdreg s4;
	s5 =	smax.u32 s5, $0x1  }
0x18: {  	vm0 =	vmmov $0xffff;
	vm1 =	vmmov $0xff;
	v1 =	vshrl.u32 v2, $0x3;
	s16 =	simm.s32 $0x7480;
	s0 =	sadd.s32 $0x184E00, s0;
	[dreg:$0xf] =	wrdreg s5  }
0x19: {  	v0 =	vand.u32 $0x7, v2;
	v2 =	vor.u32 $0x8, v2;
	v1 =	vmul.u32 $0x8, v1;
	s18 =	simm.s32 $0x8080;
	s4 =	sadd.s32 $0x100, s2;
	[dreg:$0x10] =	wrdreg s0  }
.LBB2_1:
0x1a: {  	s6 =	rddreg [dreg:$0x10];
	s1 =	simm.s32 $0x0  }
.LBB2_2:
0x1b: {  	s5 =	rddreg [dreg:$0x3]  }
0x1c: {  	s5 =	sadd.s32 s1, s5  }
0x1d: {  	[tilespmem:s3], [sflag:$0x2] =	stream.linear.gather [hbm4b:s5+s3], $0x80, $0x38;
	[tilespmem:$0xC080] =	vst v63  }
0x1e: {  	_ =	swait.ge [sflag:s7], $0x80  }
0x1f: {  	[sflag:s7] =	ssyncset.done $0x0  }
0x20: {  	[sflag:s7] =	ssyncadd.s32 $0xFFFFFF80  }
0x21: {  	v3 =	vld [tilespmem:$0x0];
	_ =	sdelay $0x4  }
0x22: {  	v4 =	vshrl.u32 v3, $0x3  }
0x23: {  	v4 =	vmul.u32 $0x18, v4  }
0x24: {  	v3 =	vand.u32 $0x7, v3  }
0x25: {  	v3 =	vor.u32 v3, v4  }
0x26: {  	v4 =	vperm.xlane v3, v0;
	_ =	sdelay $0x1  }
0x27: {  	v4 =	vadd.s32 v1, v4;
	_ =	sdelay $0x1  }
0x28: {  	v3 =	vperm.xlane v3, v2;
	_ =	sdelay $0x1  }
0x29: {  	v3 =	vadd.s32 v1, v3  }
0x2a: {  	[tilespmem:s8], [sflag:$0x1] =	stream.indirect_vreg.gather [hbm4b:s2+s3], $0x80, v4, vm0, $0xb8;
	[tilespmem:$0xC080] =	vst v63  }
0x2b: {  	s5 =	rddreg [dreg:$0x4]  }
0x2c: {  	[tilespmem:s5], [sflag:$0x1] =	stream.indirect_vreg.gather [hbm4b:s4+s3], $0x80, v4, vm1, $0xb8;
	[tilespmem:$0xC080] =	vst v63  }
0x2d: {  	s0 =	rddreg [dreg:$0x5]  }
0x2e: {  	[tilespmem:s0], [sflag:$0x1] =	stream.indirect_vreg.gather [hbm4b:s2+s3], $0x80, v3, vm0, $0xb8;
	[tilespmem:$0xC080] =	vst v63  }
0x2f: {  	s5 =	rddreg [dreg:$0x6]  }
0x30: {  	[tilespmem:s5], [sflag:$0x1] =	stream.indirect_vreg.gather [hbm4b:s4+s3], $0x80, v3, vm1, $0xb8;
	[tilespmem:$0xC080] =	vst v63  }
0x31: {  	v3 =	vld [tilespmem:$0x10];
	_ =	sdelay $0x4  }
0x32: {  	v57 =	vshrl.u32 v3, $0x3  }
0x33: {  	v4 =	vmul.u32 $0x18, v57  }
0x34: {  	v3 =	vand.u32 $0x7, v3  }
0x35: {  	v3 =	vor.u32 v3, v4  }
0x36: {  	v4 =	vperm.xlane v3, v0;
	_ =	sdelay $0x1  }
0x37: {  	v4 =	vadd.s32 v1, v4;
	_ =	sdelay $0x1  }
0x38: {  	v3 =	vperm.xlane v3, v2;
	_ =	sdelay $0x1  }
0x39: {  	s0 =	rddreg [dreg:$0x7];
	v3 =	vadd.s32 v1, v3  }
0x3a: {  	[tilespmem:s0], [sflag:$0x1] =	stream.indirect_vreg.gather [hbm4b:s2+s3], $0x80, v4, vm0, $0xb8;
	[tilespmem:$0xC080] =	vst v63  }
0x3b: {  	s5 =	rddreg [dreg:$0x8]  }
0x3c: {  	[tilespmem:s5], [sflag:$0x1] =	stream.indirect_vreg.gather [hbm4b:s4+s3], $0x80, v4, vm1, $0xb8;
	[tilespmem:$0xC080] =	vst v63  }
0x3d: {  	s0 =	rddreg [dreg:$0x9]  }
0x3e: {  	[tilespmem:s0], [sflag:$0x1] =	stream.indirect_vreg.gather [hbm4b:s2+s3], $0x80, v3, vm0, $0xb8;
	[tilespmem:$0xC080] =	vst v63  }
0x3f: {  	s5 =	rddreg [dreg:$0xa]  }
0x40: {  	[tilespmem:s5], [sflag:$0x1] =	stream.indirect_vreg.gather [hbm4b:s4+s3], $0x80, v3, vm1, $0xb8;
	[tilespmem:$0xC080] =	vst v63  }
0x41: {  	v3 =	vld [tilespmem:$0x20];
	_ =	sdelay $0x4  }
0x42: {  	v58 =	vshrl.u32 v3, $0x3  }
0x43: {  	v4 =	vmul.u32 $0x18, v58  }
0x44: {  	v3 =	vand.u32 $0x7, v3  }
0x45: {  	v3 =	vor.u32 v3, v4  }
0x46: {  	v4 =	vperm.xlane v3, v0;
	_ =	sdelay $0x1  }
0x47: {  	v4 =	vadd.s32 v1, v4;
	_ =	sdelay $0x1  }
0x48: {  	v3 =	vperm.xlane v3, v2;
	_ =	sdelay $0x1  }
0x49: {  	s0 =	rddreg [dreg:$0xb];
	v3 =	vadd.s32 v1, v3  }
0x4a: {  	[tilespmem:s0], [sflag:$0x1] =	stream.indirect_vreg.gather [hbm4b:s2+s3], $0x80, v4, vm0, $0xb8;
	[tilespmem:$0xC080] =	vst v63  }
0x4b: {  	s5 =	rddreg [dreg:$0xc]  }
0x4c: {  	[tilespmem:s5], [sflag:$0x1] =	stream.indirect_vreg.gather [hbm4b:s4+s3], $0x80, v4, vm1, $0xb8;
	[tilespmem:$0xC080] =	vst v63  }
0x4d: {  	s0 =	rddreg [dreg:$0xd]  }
0x4e: {  	[tilespmem:s0], [sflag:$0x1] =	stream.indirect_vreg.gather [hbm4b:s2+s3], $0x80, v3, vm0, $0xb8;
	[tilespmem:$0xC080] =	vst v63  }
0x4f: {  	s5 =	rddreg [dreg:$0xe]  }
0x50: {  	[tilespmem:s5], [sflag:$0x1] =	stream.indirect_vreg.gather [hbm4b:s4+s3], $0x80, v3, vm1, $0xb8;
	[tilespmem:$0xC080] =	vst v63  }
0x51: {  	v3 =	vld [tilespmem:$0x30];
	_ =	sdelay $0x4  }
0x52: {  	v59 =	vshrl.u32 v3, $0x3  }
0x53: {  	v4 =	vmul.u32 $0x18, v59  }
0x54: {  	v3 =	vand.u32 $0x7, v3  }
0x55: {  	v3 =	vor.u32 v3, v4  }
0x56: {  	v4 =	vperm.xlane v3, v0;
	_ =	sdelay $0x1  }
0x57: {  	v4 =	vadd.s32 v1, v4;
	_ =	sdelay $0x1  }
0x58: {  	v3 =	vperm.xlane v3, v2;
	_ =	sdelay $0x1  }
0x59: {  	v3 =	vadd.s32 v1, v3  }
0x5a: {  	[tilespmem:s9], [sflag:$0x1] =	stream.indirect_vreg.gather [hbm4b:s2+s3], $0x80, v4, vm0, $0xb8;
	[tilespmem:$0xC080] =	vst v63  }
0x5b: {  	_ = 	snop  }
0x5c: {  	[tilespmem:s10], [sflag:$0x1] =	stream.indirect_vreg.gather [hbm4b:s4+s3], $0x80, v4, vm1, $0xb8;
	[tilespmem:$0xC080] =	vst v63  }
0x5d: {  	_ = 	snop  }
0x5e: {  	[tilespmem:s11], [sflag:$0x1] =	stream.indirect_vreg.gather [hbm4b:s2+s3], $0x80, v3, vm0, $0xb8;
	[tilespmem:$0xC080] =	vst v63  }
0x5f: {  	_ = 	snop  }
0x60: {  	[tilespmem:s12], [sflag:$0x1] =	stream.indirect_vreg.gather [hbm4b:s4+s3], $0x80, v3, vm1, $0xb8;
	[tilespmem:$0xC080] =	vst v63  }
0x61: {  	v3 =	vld [tilespmem:$0x40];
	_ =	sdelay $0x4  }
0x62: {  	v60 =	vshrl.u32 v3, $0x3  }
0x63: {  	v4 =	vmul.u32 $0x18, v60  }
0x64: {  	v3 =	vand.u32 $0x7, v3  }
0x65: {  	v3 =	vor.u32 v3, v4  }
0x66: {  	v4 =	vperm.xlane v3, v0;
	_ =	sdelay $0x1  }
0x67: {  	v4 =	vadd.s32 v1, v4;
	_ =	sdelay $0x1  }
0x68: {  	v3 =	vperm.xlane v3, v2;
	_ =	sdelay $0x1  }
0x69: {  	v3 =	vadd.s32 v1, v3  }
0x6a: {  	[tilespmem:s13], [sflag:$0x1] =	stream.indirect_vreg.gather [hbm4b:s2+s3], $0x80, v4, vm0, $0xb8;
	[tilespmem:$0xC080] =	vst v63  }
0x6b: {  	_ = 	snop  }
0x6c: {  	[tilespmem:s14], [sflag:$0x1] =	stream.indirect_vreg.gather [hbm4b:s4+s3], $0x80, v4, vm1, $0xb8;
	[tilespmem:$0xC080] =	vst v63  }
0x6d: {  	_ = 	snop  }
0x6e: {  	[tilespmem:s15], [sflag:$0x1] =	stream.indirect_vreg.gather [hbm4b:s2+s3], $0x80, v3, vm0, $0xb8;
	[tilespmem:$0xC080] =	vst v63  }
0x6f: {  	_ = 	snop  }
0x70: {  	[tilespmem:s16], [sflag:$0x1] =	stream.indirect_vreg.gather [hbm4b:s4+s3], $0x80, v3, vm1, $0xb8;
	[tilespmem:$0xC080] =	vst v63  }
0x71: {  	v3 =	vld [tilespmem:$0x50];
	_ =	sdelay $0x4  }
0x72: {  	v61 =	vshrl.u32 v3, $0x3  }
0x73: {  	v4 =	vmul.u32 $0x18, v61  }
0x74: {  	v3 =	vand.u32 $0x7, v3  }
0x75: {  	v3 =	vor.u32 v3, v4  }
0x76: {  	v4 =	vperm.xlane v3, v0;
	_ =	sdelay $0x1  }
0x77: {  	v4 =	vadd.s32 v1, v4;
	_ =	sdelay $0x1  }
0x78: {  	v3 =	vperm.xlane v3, v2;
	_ =	sdelay $0x1  }
0x79: {  	v3 =	vadd.s32 v1, v3  }
0x7a: {  	[tilespmem:s17], [sflag:$0x1] =	stream.indirect_vreg.gather [hbm4b:s2+s3], $0x80, v4, vm0, $0xb8;
	[tilespmem:$0xC080] =	vst v63  }
0x7b: {  	_ = 	snop  }
0x7c: {  	[tilespmem:s18], [sflag:$0x1] =	stream.indirect_vreg.gather [hbm4b:s4+s3], $0x80, v4, vm1, $0xb8;
	[tilespmem:$0xC080] =	vst v63  }
0x7d: {  	_ = 	snop  }
0x7e: {  	[tilespmem:s19], [sflag:$0x1] =	stream.indirect_vreg.gather [hbm4b:s2+s3], $0x80, v3, vm0, $0xb8;
	[tilespmem:$0xC080] =	vst v63  }
0x7f: {  	_ = 	snop  }
0x80: {  	[tilespmem:s20], [sflag:$0x1] =	stream.indirect_vreg.gather [hbm4b:s4+s3], $0x80, v3, vm1, $0xb8;
	[tilespmem:$0xC080] =	vst v63  }
0x81: {  	v3 =	vld [tilespmem:$0x60];
	_ =	sdelay $0x4  }
0x82: {  	v62 =	vshrl.u32 v3, $0x3  }
0x83: {  	v4 =	vmul.u32 $0x18, v62  }
0x84: {  	v3 =	vand.u32 $0x7, v3  }
0x85: {  	v3 =	vor.u32 v3, v4  }
0x86: {  	v4 =	vperm.xlane v3, v0;
	_ =	sdelay $0x1  }
0x87: {  	v4 =	vadd.s32 v1, v4;
	_ =	sdelay $0x1  }
0x88: {  	v3 =	vperm.xlane v3, v2;
	_ =	sdelay $0x1  }
0x89: {  	v3 =	vadd.s32 v1, v3  }
0x8a: {  	[tilespmem:s21], [sflag:$0x1] =	stream.indirect_vreg.gather [hbm4b:s2+s3], $0x80, v4, vm0, $0xb8;
	[tilespmem:$0xC080] =	vst v63  }
0x8b: {  	_ = 	snop  }
0x8c: {  	[tilespmem:s22], [sflag:$0x1] =	stream.indirect_vreg.gather [hbm4b:s4+s3], $0x80, v4, vm1, $0xb8;
	[tilespmem:$0xC080] =	vst v63  }
0x8d: {  	_ = 	snop  }
0x8e: {  	[tilespmem:s23], [sflag:$0x1] =	stream.indirect_vreg.gather [hbm4b:s2+s3], $0x80, v3, vm0, $0xb8;
	[tilespmem:$0xC080] =	vst v63  }
0x8f: {  	_ = 	snop  }
0x90: {  	[tilespmem:s24], [sflag:$0x1] =	stream.indirect_vreg.gather [hbm4b:s4+s3], $0x80, v3, vm1, $0xb8;
	[tilespmem:$0xC080] =	vst v63  }
0x91: {  	v3 =	vld [tilespmem:$0x70];
	_ =	sdelay $0x4  }
0x92: {  	v63 =	vshrl.u32 v3, $0x3  }
0x93: {  	v4 =	vmul.u32 $0x18, v63  }
0x94: {  	v3 =	vand.u32 $0x7, v3  }
0x95: {  	v3 =	vor.u32 v3, v4  }
0x96: {  	v4 =	vperm.xlane v3, v0;
	_ =	sdelay $0x1  }
0x97: {  	v4 =	vadd.s32 v1, v4;
	_ =	sdelay $0x1  }
0x98: {  	v3 =	vperm.xlane v3, v2;
	_ =	sdelay $0x1  }
0x99: {  	v3 =	vadd.s32 v1, v3  }
0x9a: {  	[tilespmem:s25], [sflag:$0x1] =	stream.indirect_vreg.gather [hbm4b:s2+s3], $0x80, v4, vm0, $0xb8;
	[tilespmem:$0xC080] =	vst v63  }
0x9b: {  	_ = 	snop  }
0x9c: {  	[tilespmem:s26], [sflag:$0x1] =	stream.indirect_vreg.gather [hbm4b:s4+s3], $0x80, v4, vm1, $0xb8;
	[tilespmem:$0xC080] =	vst v63  }
0x9d: {  	_ = 	snop  }
0x9e: {  	[tilespmem:s28], [sflag:$0x1] =	stream.indirect_vreg.gather [hbm4b:s2+s3], $0x80, v3, vm0, $0xb8;
	[tilespmem:$0xC080] =	vst v63  }
0x9f: {  	_ = 	snop  }
0xa0: {  	[tilespmem:s29], [sflag:$0x1] =	stream.indirect_vreg.gather [hbm4b:s4+s3], $0x80, v3, vm1, $0xb8;
	[tilespmem:$0xC080] =	vst v63  }
0xa1: {  	_ =	swait.ge [sflag:s30], $0xC000  }
0xa2: {  	p0 =	sne.s32 s1, $0xF0;
	[sflag:s30] =	ssyncset.done $0x0  }
.Ltmp0:
0xa3: {  	[sflag:s30] =	ssyncadd.s32 $0xFFFF4000;
	(pc) =	sbr.rel @p0 .LBB2_2-.Ltmp0, $4  }
0xa4: {  	[hbm4b:s6+s3] =	stream.linear.scatter [tilespmem:s8], [sflag:$0x2], $0xC000, $0x38;
	[tilespmem:$0xC080] =	vst v63  }
0xa5: {  	_ =	swait.ge [sflag:s7], $0xC000  }
0xa6: {  	[sflag:s7] =	ssyncset.done $0x0  }
0xa7: {  	s1 =	sadd.s32 $0x10, s1;
	s6 =	sadd.s32 $0x1800, s6;
	[sflag:s7] =	ssyncadd.s32 $0xFFFF4000  }
0xa8: {  	s31 =	sadd.s32 $0x1, s31;
	s0 =	rddreg [dreg:$0xf]  }
0xa9: {  	p0 =	sne.s32 s31, s0  }
.Ltmp1:
0xaa: {  	_ = 	snop;
	(pc) =	sbr.rel @p0 .LBB2_1-.Ltmp1, $1  }
0xab: {  	_ =	sdelay $0x3  }
0xac: {  	_ =	sfence.sel $0x180000  }
0xad: {  	[bflag:$0x0] =	sbarrier.arrive $0xFFFF  }
0xae: {  	_ =	strace $0x90000047  }
0xaf: {  	s0 =	stileid.u32;
	[bflag:$0x2] =	sbarrier.arrive $0xFFFF  }
0xb0: {  	p0 =	sne.s32 s0, $0x0;
	s0 =	rddreg [dreg:$0x2]  }
0xb1: {  	s0 =	sadd.s32 @!p0 $0x100000, s0  }
0xb2: {  	[sflag:s0] =	ssyncadd.tile.s32 @!p0 $0x1;
	_ =	shalt  }
.Lfunc_end2:
_tile_overlayer_lowered:
.L_overlay_start_2:
0xb3: {  	(tag) =	ssettag $0x2  }
0xb4: {  	s0 =	rddreg [dreg:$0x0];
	s2 =	stileid.u32  }
0xb5: {  	s1 =	rddreg [dreg:$0x1];
	p0 =	sne.s32 s2, $0x0  }
0xb6: {  	s3 =	rddreg [dreg:$0x2];
	[bflag:$0x3] =	sbarrier.arrive $0xFFFF;
	s2 =	simm.s32 @!p0 $0x1C02  }
0xb7: {  	[timem:s3], [sflag:s2] =	dma.local @!p0 [hbm:s0], s1  }
0xb8: {  	s0 =	simm.s32 @!p0 $0x2  }
0xb9: {  	_ =	swait.ge @!p0 [sflag:s0], s1  }
0xba: {  	s1 =	ssub.s32 @!p0 $0x0, s1;
	[sflag:s0] =	ssyncset.done @!p0 $0x0  }
0xbb: {  	[sflag:s0] =	ssyncadd.s32 @!p0 s1  }
0xbc: {  	[bflag:$0x3] =	sbarrier.arrive $0xFFFF  }
0xbd: {  	_ =	shalt  }

</sc_bundles>
